<compile_context>
chip_gen: v7x
topology: tpu7x:2x2x1
jax: 0.10.2.dev20260603
libtpu: 0.0.44.dev20260713+nightly
codegen_flags: <defaults>
</compile_context>

<pallas_src>
import functools

import jax
import jax.numpy as jnp
from jax import lax
from jax.experimental import pallas as pl
from jax.experimental.pallas import tpu as pltpu
from jax.experimental.pallas import tpu_sc as plsc

N = 10000
E = 320000
D = 128
H = 128
CH = 128
NS = 16
NC = 2
NW = NC * NS
BN = 1000
GRID = N // BN
NP = 10240
NCHP = 2560
EP = NCHP * CH
NPAD = 16
NB = 2
SEGT = 40

_F32 = jnp.float32


def _sc_mesh():
    return plsc.VectorSubcoreMesh(core_axis_name="c", subcore_axis_name="s")


@functools.partial(
    pl.kernel,
    mesh=_sc_mesh(),
    out_type=(jax.ShapeDtypeStruct((NP,), _F32),
              jax.ShapeDtypeStruct((NP,), _F32)),
    scratch_types=[
        pltpu.VMEM((NCHP // NW, CH), jnp.int32),
        pltpu.VMEM((CH,), _F32),
        pltpu.VMEM_SHARED((NP,), _F32),
        pltpu.SemaphoreType.DMA,
        pltpu.SemaphoreType.DMA,
        pltpu.SemaphoreType.DMA,
        pltpu.SemaphoreType.DMA,
    ],
)
def _deg_sc(dst_hbm, zrow_hbm, out0_hbm, out1_hbm, didx_all, ones_v, acc_sh,
            *sems):
    c = lax.axis_index("c")
    s = lax.axis_index("s")
    w = c * NS + s
    kpw = NCHP // NW
    one = jnp.full((16,), 1.0, _F32)
    for i in range(CH // 16):
        ones_v[pl.ds(i * 16, 16)] = one
    pltpu.sync_copy(dst_hbm.at[pl.ds(w * kpw, kpw)], didx_all)

    @pl.when(s == 0)
    def _():
        pltpu.sync_copy(zrow_hbm, acc_sh)

    plsc.subcore_barrier()

    def scat(j, i):
        return pltpu.async_copy(ones_v, acc_sh.at[didx_all.at[j]], sems[i],
                                add=True)

    for i in range(NB):
        scat(i, i)

    def body(k4, carry):
        for i in range(NB):
            j = NB * k4 + i
            pltpu.make_async_copy(ones_v, acc_sh.at[didx_all.at[j]],
                                  sems[i]).wait()
            scat(j + NB, i)
        return carry

    lax.fori_loop(0, kpw // NB - 1, body, 0)
    for i in range(NB):
        j = kpw - NB + i
        pltpu.make_async_copy(ones_v, acc_sh.at[didx_all.at[j]],
                              sems[i]).wait()
    plsc.subcore_barrier()
    _writeback_1d(acc_sh, out0_hbm, out1_hbm, c, s)


def _writeback_1d(acc_sh, out0_hbm, out1_hbm, c, s):
    def wb(out_hbm):
        pltpu.sync_copy(acc_sh.at[pl.ds(s * 640, 640)],
                        out_hbm.at[pl.ds(s * 640, 640)])

    @pl.when(c == 0)
    def _():
        wb(out0_hbm)

    @pl.when(c == 1)
    def _():
        wb(out1_hbm)


@functools.partial(
    pl.kernel,
    mesh=_sc_mesh(),
    out_type=jax.ShapeDtypeStruct((NC, N, H), _F32),
    scratch_types=[
        pltpu.VMEM((SEGT, CH), jnp.int32),
        pltpu.VMEM((SEGT, CH), jnp.int32),
        [pltpu.VMEM((CH, H), _F32)] * NB,
        pltpu.VMEM_SHARED((N + NPAD, H), _F32),
        [pltpu.SemaphoreType.DMA] * NB,
        [pltpu.SemaphoreType.DMA] * NB,
    ],
)
def _agg_sc(xd_hbm, src_hbm, dst_hbm, zeros_hbm, out_hbm,
            sidx_seg, didx_seg, rows, acc_sh, gsem, ssem):
    c = lax.axis_index("c")
    s = lax.axis_index("s")
    w = c * NS + s
    kpw = NCHP // NW

    @pl.when(s == 0)
    def _():
        pltpu.sync_copy(zeros_hbm, acc_sh)

    plsc.subcore_barrier()
    _seg_pipeline(xd_hbm, acc_sh, src_hbm, dst_hbm, sidx_seg, didx_seg,
                  rows, gsem, ssem, w * kpw, kpw // SEGT, SEGT)
    plsc.subcore_barrier()
    _writeback_rows(acc_sh, out_hbm, c, s)


def _seg_pipeline(table, acc_sh, src_hbm, dst_hbm, sidx_seg, didx_seg,
                  rows, gsem, ssem, tile_base, nseg, seg):
    def gat(m, i):
        pltpu.async_copy(table.at[sidx_seg.at[m]], rows[i], gsem[i])

    def wait_g(m, i):
        pltpu.make_async_copy(table.at[sidx_seg.at[m]], rows[i],
                              gsem[i]).wait()

    def scat(m, i):
        pltpu.async_copy(rows[i], acc_sh.at[didx_seg.at[m]], ssem[i],
                         add=True)

    def wait_s(m, i):
        pltpu.make_async_copy(rows[i], acc_sh.at[didx_seg.at[m]],
                              ssem[i]).wait()

    def seg_body(g, carry):
        segbase = tile_base + g * seg
        pltpu.sync_copy(src_hbm.at[pl.ds(segbase, seg)], sidx_seg)
        pltpu.sync_copy(dst_hbm.at[pl.ds(segbase, seg)], didx_seg)
        for i in range(NB):
            gat(i, i)

        def pair(m2, carry2):
            for i in range(NB):
                m = NB * m2 + i
                wait_g(m, i)
                scat(m, i)
            for i in range(NB):
                m = NB * m2 + i
                wait_s(m, i)
                gat(m + NB, i)
            return carry2

        lax.fori_loop(0, seg // NB - 1, pair, 0)
        for i in range(NB):
            m = seg - NB + i
            wait_g(m, i)
            scat(m, i)
        for i in range(NB):
            m = seg - NB + i
            wait_s(m, i)
        return carry

    lax.fori_loop(0, nseg, seg_body, 0)


def _writeback_rows(acc_sh, out_hbm, c, s):
    @pl.when(s < NS - 1)
    def _():
        pltpu.sync_copy(acc_sh.at[pl.ds(s * 624, 624)],
                        out_hbm.at[c, pl.ds(s * 624, 624)])

    @pl.when(s == NS - 1)
    def _():
        pltpu.sync_copy(acc_sh.at[pl.ds((NS - 1) * 624, N - (NS - 1) * 624)],
                        out_hbm.at[c, pl.ds((NS - 1) * 624, N - (NS - 1) * 624)])


@functools.partial(
    pl.kernel,
    mesh=_sc_mesh(),
    out_type=(jax.ShapeDtypeStruct((NC, N, H), _F32),
              jax.ShapeDtypeStruct((NP,), _F32),
              jax.ShapeDtypeStruct((NP,), _F32)),
    scratch_types=[
        pltpu.VMEM((SEGT, CH), jnp.int32),
        pltpu.VMEM((SEGT, CH), jnp.int32),
        [pltpu.VMEM((CH, H), _F32)] * NB,
        [pltpu.VMEM((CH,), _F32)] * NB,
        pltpu.VMEM_SHARED((N + NPAD, H), _F32),
        pltpu.VMEM_SHARED((NP,), _F32),
        [pltpu.SemaphoreType.DMA] * NB,
        [pltpu.SemaphoreType.DMA] * NB,
        [pltpu.SemaphoreType.DMA] * NB,
        [pltpu.SemaphoreType.DMA] * NB,
    ],
)
def _att_sc(q_hbm, sm_hbm, src_hbm, dst_hbm, zeros_hbm, zrow_hbm,
            hraw_hbm, den0_hbm, den1_hbm, sidx_seg, didx_seg, rows, vals,
            acc_sh, den_sh, gsem, ssem, vgsem, vssem):
    c = lax.axis_index("c")
    s = lax.axis_index("s")
    w = c * NS + s
    kpw = NCHP // NW

    @pl.when(s == 0)
    def _():
        pltpu.sync_copy(zeros_hbm, acc_sh)
        pltpu.sync_copy(zrow_hbm, den_sh)

    plsc.subcore_barrier()

    def gat(m, i):
        pltpu.async_copy(q_hbm.at[sidx_seg.at[m]], rows[i], gsem[i])
        pltpu.async_copy(sm_hbm.at[sidx_seg.at[m]], vals[i], vgsem[i])

    def scat(m, i):
        pltpu.async_copy(rows[i], acc_sh.at[didx_seg.at[m]], ssem[i],
                         add=True)
        pltpu.async_copy(vals[i], den_sh.at[didx_seg.at[m]], vssem[i],
                         add=True)

    def wait_g(m, i):
        pltpu.make_async_copy(q_hbm.at[sidx_seg.at[m]], rows[i],
                              gsem[i]).wait()
        pltpu.make_async_copy(sm_hbm.at[sidx_seg.at[m]], vals[i],
                              vgsem[i]).wait()

    def wait_s(m, i):
        pltpu.make_async_copy(rows[i], acc_sh.at[didx_seg.at[m]],
                              ssem[i]).wait()
        pltpu.make_async_copy(vals[i], den_sh.at[didx_seg.at[m]],
                              vssem[i]).wait()

    def seg_body(g, carry):
        segbase = w * kpw + g * SEGT
        pltpu.sync_copy(src_hbm.at[pl.ds(segbase, SEGT)], sidx_seg)
        pltpu.sync_copy(dst_hbm.at[pl.ds(segbase, SEGT)], didx_seg)
        for i in range(NB):
            gat(i, i)

        def pair(m2, carry2):
            for i in range(NB):
                m = NB * m2 + i
                wait_g(m, i)
                scat(m, i)
            for i in range(NB):
                m = NB * m2 + i
                wait_s(m, i)
                gat(m + NB, i)
            return carry2

        lax.fori_loop(0, SEGT // NB - 1, pair, 0)
        for i in range(NB):
            m = SEGT - NB + i
            wait_g(m, i)
            scat(m, i)
        for i in range(NB):
            m = SEGT - NB + i
            wait_s(m, i)
        return carry

    lax.fori_loop(0, kpw // SEGT, seg_body, 0)
    plsc.subcore_barrier()
    _writeback_rows(acc_sh, hraw_hbm, c, s)
    _writeback_1d(den_sh, den0_hbm, den1_hbm, c, s)


def _lrelu(v):
    return jnp.where(v > 0, v, 0.2 * v)


def _full(shape):
    return pl.BlockSpec(shape, lambda i: tuple(0 for _ in shape))


def _xw_body(x_ref, w_ref, dg_ref, o_ref, xd_ref):
    o_ref[...] = jnp.dot(x_ref[...], w_ref[...],
                         preferred_element_type=_F32)
    deg = dg_ref[:, 0:1] + dg_ref[:, 1:2] + 1.0
    dinv = lax.rsqrt(deg)
    xd_ref[...] = x_ref[...] * dinv


def _xw_tc(x, Wcat, degT):
    return pl.pallas_call(
        _xw_body,
        grid=(GRID,),
        in_specs=[pl.BlockSpec((BN, D), lambda i: (i, 0)), _full((D, 2 * H)),
                  pl.BlockSpec((BN, 2), lambda i: (i, 0))],
        out_specs=[pl.BlockSpec((BN, 2 * H), lambda i: (i, 0)),
                   pl.BlockSpec((BN, D), lambda i: (i, 0))],
        out_shape=[jax.ShapeDtypeStruct((N, 2 * H), _F32),
                   jax.ShapeDtypeStruct((N, D), _F32)],
    )(x, Wcat, degT)


def _gcnep_body(up_ref, xw_ref, dg_ref, t_ref, wgo_ref, wgt_ref, bgo_ref,
                bgt_ref, wa_ref, ba_ref, d1w_ref, d1b_ref, d2w_ref, d2b_ref,
                d3w_ref, d3b_ref, ro_ref, rt_ref, pt_ref, sm_ref, q_ref):
    deg = dg_ref[:, 0:1] + dg_ref[:, 1:2] + 1.0
    dinv = lax.rsqrt(deg)
    dd = dinv * dinv
    xwo = xw_ref[:, :H]
    xwt = xw_ref[:, H:]
    u = up_ref[0] + up_ref[1]
    agg_o = jnp.dot(u, wgo_ref[...], preferred_element_type=_F32)
    agg_t = jnp.dot(u, wgt_ref[...], preferred_element_type=_F32)
    r_o = jnp.maximum(agg_o * dinv + xwo * dd + bgo_ref[...], 0.0)
    r_t = jnp.maximum(agg_t * dinv + xwt * dd + bgt_ref[...], 0.0)
    ro_ref[...] = r_o
    rt_ref[...] = r_t
    cat = jnp.concatenate([r_o, r_t], axis=1)
    sv = jnp.dot(cat, wa_ref[...], preferred_element_type=_F32) + ba_ref[...]
    s = _lrelu(sv)
    sm = jnp.where(t_ref[...] > 0, jnp.exp(jnp.minimum(s, 80.0)), 0.0)
    sm_ref[...] = sm
    q_ref[...] = sm * r_t
    v = _lrelu(jnp.dot(r_t, d1w_ref[...], preferred_element_type=_F32)
               + d1b_ref[...])
    v = _lrelu(jnp.dot(v, d2w_ref[...], preferred_element_type=_F32)
               + d2b_ref[...])
    pt_ref[...] = jax.nn.sigmoid(
        jnp.dot(v, d3w_ref[...], preferred_element_type=_F32) + d3b_ref[...])


def _gcnep_tc(Up, XW, degT, t2, Wgo, Wgt, bgo, bgt, Wa, ba, d1W, d1b,
              d2W, d2b, d3W, d3b):
    return pl.pallas_call(
        _gcnep_body,
        grid=(GRID,),
        in_specs=[
            pl.BlockSpec((NC, BN, H), lambda i: (0, i, 0)),
            pl.BlockSpec((BN, 2 * H), lambda i: (i, 0)),
            pl.BlockSpec((BN, 2), lambda i: (i, 0)),
            pl.BlockSpec((BN, 1), lambda i: (i, 0)),
            _full((H, H)), _full((H, H)),
            _full((1, H)), _full((1, H)), _full((2 * H, 1)), _full((1, 1)),
            _full((H, H)), _full((1, H)), _full((H, H)), _full((1, H)),
            _full((H, 1)), _full((1, 1)),
        ],
        out_specs=[
            pl.BlockSpec((BN, H), lambda i: (i, 0)),
            pl.BlockSpec((BN, H), lambda i: (i, 0)),
            pl.BlockSpec((BN, 1), lambda i: (i, 0)),
            pl.BlockSpec((BN, 1), lambda i: (i, 0)),
            pl.BlockSpec((BN, H), lambda i: (i, 0)),
        ],
        out_shape=[
            jax.ShapeDtypeStruct((N, H), _F32),
            jax.ShapeDtypeStruct((N, H), _F32),
            jax.ShapeDtypeStruct((N, 1), _F32),
            jax.ShapeDtypeStruct((N, 1), _F32),
            jax.ShapeDtypeStruct((N, H), _F32),
        ],
    )(Up, XW, degT, t2, Wgo, Wgt, bgo, bgt, Wa, ba, d1W, d1b, d2W, d2b,
      d3W, d3b)


def _mlp3_p(v, w1, b1, w2, b2, w3, b3):
    v = _lrelu(jnp.dot(v, w1[...], preferred_element_type=_F32) + b1[...])
    v = _lrelu(jnp.dot(v, w2[...], preferred_element_type=_F32) + b2[...])
    return jnp.dot(v, w3[...], preferred_element_type=_F32) + b3[...]


def _final_body(hraw_ref, den_ref, ro_ref, t_ref, weo_ref, weh_ref, be_ref,
                p1aW, p1ab, p1bW, p1bb, p1cW, p1cb,
                p0aW, p0ab, p0bW, p0bb, p0cW, p0cb,
                z2_ref, pred_ref):
    den = den_ref[:, 0:1] + den_ref[:, 1:2] + 1e-9
    h = (hraw_ref[0] + hraw_ref[1]) / den
    z2 = (jnp.dot(ro_ref[...], weo_ref[...], preferred_element_type=_F32)
          + jnp.dot(h, weh_ref[...], preferred_element_type=_F32)
          + be_ref[...])
    z2_ref[...] = z2
    p1 = _mlp3_p(z2, p1aW, p1ab, p1bW, p1bb, p1cW, p1cb)
    p0 = _mlp3_p(z2, p0aW, p0ab, p0bW, p0bb, p0cW, p0cb)
    pred_ref[...] = jnp.where(t_ref[...] > 0, p1, p0)


def _final_tc(hrawp, denT, ro, t2, Weo, Weh, be,
              p1aW, p1ab, p1bW, p1bb, p1cW, p1cb,
              p0aW, p0ab, p0bW, p0bb, p0cW, p0cb):
    return pl.pallas_call(
        _final_body,
        grid=(GRID,),
        in_specs=[
            pl.BlockSpec((NC, BN, H), lambda i: (0, i, 0)),
            pl.BlockSpec((BN, 2), lambda i: (i, 0)),
            pl.BlockSpec((BN, H), lambda i: (i, 0)),
            pl.BlockSpec((BN, 1), lambda i: (i, 0)),
            _full((H, H)), _full((H, H)), _full((1, H)),
            _full((H, H)), _full((1, H)), _full((H, H)), _full((1, H)),
            _full((H, 1)), _full((1, 1)),
            _full((H, H)), _full((1, H)), _full((H, H)), _full((1, H)),
            _full((H, 1)), _full((1, 1)),
        ],
        out_specs=[pl.BlockSpec((BN, H), lambda i: (i, 0)),
                   pl.BlockSpec((BN, 1), lambda i: (i, 0))],
        out_shape=[jax.ShapeDtypeStruct((N, H), _F32),
                   jax.ShapeDtypeStruct((N, 1), _F32)],
    )(hrawp, denT, ro, t2, Weo, Weh, be,
      p1aW, p1ab, p1bW, p1bb, p1cW, p1cb,
      p0aW, p0ab, p0bW, p0bb, p0cW, p0cb)


@jax.jit
def kernel(x, t, z, edge_index, Wgo, bgo, Wgt, bgt, Wa, ba, We, be,
           d1W, d1b, d2W, d2b, d3W, d3b, p1aW, p1ab, p1bW, p1bb, p1cW, p1cb,
           p0aW, p0ab, p0bW, p0bb, p0cW, p0cb):
    npad = EP - E
    ar = lax.iota(jnp.int32, npad)
    src2 = jnp.concatenate([edge_index[0], ar % 128]).reshape(NCHP, CH)
    dst2 = jnp.concatenate([edge_index[1], N + (ar % NPAD)]).reshape(NCHP, CH)
    t2 = t[:, None]
    zeros2 = jnp.zeros((N + NPAD, H), _F32)
    zrow = jnp.zeros((NP,), _F32)
    Wcat = jnp.concatenate([Wgo, Wgt], axis=1)

    deg0, deg1 = _deg_sc(dst2, zrow)
    degT = jnp.stack([deg0[:N], deg1[:N]], axis=1)
    XW, xd = _xw_tc(x, Wcat, degT)
    Up = _agg_sc(xd, src2, dst2, zeros2)
    ro, rt, pt, sm2, q = _gcnep_tc(
        Up, XW, degT, t2, Wgo, Wgt, bgo[None, :], bgt[None, :], Wa,
        ba[None, :], d1W, d1b[None, :], d2W, d2b[None, :], d3W, d3b[None, :])
    hrawp, den0, den1 = _att_sc(q, sm2[:, 0], src2, dst2, zeros2, zrow)
    denT = jnp.stack([den0[:N], den1[:N]], axis=1)
    z2, pred = _final_tc(
        hrawp, denT, ro, t2, We[:H], We[H:], be[None, :],
        p1aW, p1ab[None, :], p1bW, p1bb[None, :], p1cW, p1cb[None, :],
        p0aW, p0ab[None, :], p0bW, p0bb[None, :], p0cW, p0cb[None, :])
    return (pt, pred, z2)

# --- scband reference (transcript-rebuilt; emitter-appended) ---
"""Pipeline reference for scband-spnet-17411797418341 (READ-ONLY COPY).

The authoritative reference and input builder live on the scoring server;
editing this copy changes nothing except your own understanding.
"""

import jax, jax.numpy as jnp
import numpy as np

N = 10000
E = 320000
D = 128
H = 128

def _lrelu(v):
    return jnp.where(v > 0, v, 0.2 * v)

def _linp(key, fan_in, fan_out):
    k1, k2 = jax.random.split(key)
    lim = 1.0 / np.sqrt(fan_in)
    W = jax.random.uniform(k1, (fan_in, fan_out), jnp.float32, -lim, lim)
    b = jax.random.uniform(k2, (fan_out,), jnp.float32, -lim, lim)
    return W, b

def setup_inputs(seed: int = 0):
    key = jax.random.key(seed)
    ks = jax.random.split(key, 20)
    inp = {}
    inp['x'] = jax.random.normal(ks[0], (N, D), jnp.float32)
    inp['t'] = jax.random.randint(ks[1], (N,), 0, 2, jnp.int32)
    inp['z'] = jax.random.normal(ks[2], (N, H), jnp.float32)
    inp['edge_index'] = jax.random.randint(ks[3], (2, E), 0, N, jnp.int32)
    inp['Wgo'], inp['bgo'] = _linp(ks[4], D, H)
    inp['Wgt'], inp['bgt'] = _linp(ks[5], D, H)
    inp['Wa'], inp['ba'] = _linp(ks[6], 2 * H, 1)
    inp['We'], inp['be'] = _linp(ks[7], 2 * H, H)
    inp['d1W'], inp['d1b'] = _linp(ks[8], H, H)
    inp['d2W'], inp['d2b'] = _linp(ks[9], H, H)
    inp['d3W'], inp['d3b'] = _linp(ks[10], H, 1)
    inp['p1aW'], inp['p1ab'] = _linp(ks[11], H, H)
    inp['p1bW'], inp['p1bb'] = _linp(ks[12], H, H)
    inp['p1cW'], inp['p1cb'] = _linp(ks[13], H, 1)
    inp['p0aW'], inp['p0ab'] = _linp(ks[14], H, H)
    inp['p0bW'], inp['p0bb'] = _linp(ks[15], H, H)
    inp['p0cW'], inp['p0cb'] = _linp(ks[16], H, 1)
    return inp

def _gcn(x, W, b, src, dst):
    # GCNConv with add_self_loops=True: D^{-1/2}(A+I)D^{-1/2} X W + b
    xw = x @ W
    deg = jnp.zeros((N,), jnp.float32).at[dst].add(1.0) + 1.0
    dinv = 1.0 / jnp.sqrt(deg)
    coef = dinv[src] * dinv[dst]
    out = jnp.zeros((N, xw.shape[1]), jnp.float32).at[dst].add(xw[src] * coef[:, None])
    out = out + xw * (dinv * dinv)[:, None] + b
    return out

def _mlp3(v, W1, b1, W2, b2, W3, b3):
    v = _lrelu(v @ W1 + b1)
    v = _lrelu(v @ W2 + b2)
    return v @ W3 + b3

def reference(x, t, z, edge_index, Wgo, bgo, Wgt, bgt, Wa, ba, We, be, d1W, d1b, d2W, d2b, d3W, d3b, p1aW, p1ab, p1bW, p1bb, p1cW, p1cb, p0aW, p0ab, p0bW, p0bb, p0cW, p0cb):
    src = edge_index[0]
    dst = edge_index[1]
    r_o = jax.nn.relu(_gcn(x, Wgo, bgo, src, dst))
    r_t = jax.nn.relu(_gcn(x, Wgt, bgt, src, dst))
    cat = jnp.concatenate([r_o, r_t], axis=-1)
    # MaskedAttentionLayer(2*hidden, 1): per-edge attention score from source cat-features,
    # masked by treatment indicator of source node, softmax-normalized per destination,
    # aggregating r_t messages.
    score = _lrelu(cat @ Wa + ba)[:, 0]
    e = score[src]
    mask = (t[src] > 0)
    e = jnp.where(mask, e, -1e9)
    emax = jax.ops.segment_max(e, dst, num_segments=N)
    emax = jnp.where(jnp.isfinite(emax), emax, 0.0)
    ee = jnp.exp(e - emax[dst]) * mask.astype(jnp.float32)
    denom = jax.ops.segment_sum(ee, dst, num_segments=N) + 1e-9
    alpha = ee / denom[dst]
    h = jnp.zeros((N, H), jnp.float32).at[dst].add(alpha[:, None] * r_t[src])
    z2 = jnp.concatenate([r_o, h], axis=-1) @ We + be
    pred_t = jax.nn.sigmoid(_mlp3(r_t, d1W, d1b, d2W, d2b, d3W, d3b))
    pred_1 = _mlp3(z2, p1aW, p1ab, p1bW, p1bb, p1cW, p1cb)
    pred_0 = _mlp3(z2, p0aW, p0ab, p0bW, p0bb, p0cW, p0cb)
    pred = jnp.where(t > 0, pred_1[:, 0], pred_0[:, 0])
    return (pred_t, pred[:, None], z2)

if __name__ == "__main__":
    import jax
    _d = setup_inputs()
    print(jax.jit(kernel)(*tuple(_d.values())))

</pallas_src>

<mosaic_0001>
#map = affine_map<(d0, d1) -> (0, 0)>
#map1 = affine_map<(d0, d1) -> (0, 0, 0)>
module attributes {stable_mosaic.version = 14 : i64} {
  func.func @_agg_sc(%arg0: i32, %arg1: i32, %arg2: memref<10000x128xf32, #tpu.memory_space<hbm>>, %arg3: memref<2560x128xi32, #tpu.memory_space<hbm>>, %arg4: memref<2560x128xi32, #tpu.memory_space<hbm>>, %arg5: memref<10016x128xf32, #tpu.memory_space<hbm>>, %arg6: memref<2x10000x128xf32, #tpu.memory_space<hbm>>, %arg7: memref<40x128xi32, #tpu.memory_space<vmem>>, %arg8: memref<40x128xi32, #tpu.memory_space<vmem>>, %arg9: memref<128x128xf32, #tpu.memory_space<vmem>>, %arg10: memref<128x128xf32, #tpu.memory_space<vmem>>, %arg11: memref<10016x128xf32, #tpu.memory_space<vmem_shared>>, %arg12: memref<!tpu.dma_semaphore, #tpu.memory_space<semaphore_mem>>, %arg13: memref<!tpu.dma_semaphore, #tpu.memory_space<semaphore_mem>>, %arg14: memref<!tpu.dma_semaphore, #tpu.memory_space<semaphore_mem>>, %arg15: memref<!tpu.dma_semaphore, #tpu.memory_space<semaphore_mem>>) attributes {dimension_semantics = [#tpu.dimension_semantics<core_parallel>, #tpu.dimension_semantics<subcore_parallel>], iteration_bounds = array<i64: 2, 16>, scalar_prefetch = 0 : i64, scratch_operands = 9 : i64, tpu.core_type = #tpu.core_type<sc_vector_subcore>, window_params = [{transform_indices = #map}, {transform_indices = #map}, {transform_indices = #map}, {transform_indices = #map}, {transform_indices = #map1}]} {
    %mul3A = arith.constant 16 : i32
    %mul3A_0 = arith.muli %arg0, %mul3A : i32
    %add3A = arith.addi %mul3A_0, %arg1 : i32
    %eq3A = arith.constant 0 : i32
    %eq3A_1 = arith.cmpi eq, %arg1, %eq3A : i32
    %convert_element_type3A = arith.extui %eq3A_1 : i1 to i32
    %cond3A = arith.constant 0 : i32
    %cond3A_2 = arith.cmpi ne, %convert_element_type3A, %cond3A : i32
    scf.if %cond3A_2 {
      "tpu.region"() ({
        %run_scoped3A = tpu.sem_alloc : memref<!tpu.dma_semaphore, #tpu.memory_space<semaphore_mem>>
        tpu.enqueue_dma source(%arg5 : memref<10016x128xf32, #tpu.memory_space<hbm>>) target(%arg11 : memref<10016x128xf32, #tpu.memory_space<vmem_shared>>) target_semaphore(%run_scoped3A : memref<!tpu.dma_semaphore, #tpu.memory_space<semaphore_mem>>)
        tpu.wait_dma2 semaphore(%run_scoped3A : memref<!tpu.dma_semaphore, #tpu.memory_space<semaphore_mem>>) src(%arg5 : memref<10016x128xf32, #tpu.memory_space<hbm>>) dst(%arg11 : memref<10016x128xf32, #tpu.memory_space<vmem_shared>>)
        tpu.yield
      }) : () -> ()
    } else {
    }
    %barrier3A = arith.constant 0 : index
    tpu.barrier barrier_id(%barrier3A)
    %mul3A_3 = arith.constant 80 : i32
    %mul3A_4 = arith.muli %add3A, %mul3A_3 : i32
    %scan3A = arith.constant 0 : i32
    %scan3A_5 = arith.constant 0 : i32
    %scan3A_6 = arith.constant 2 : i32
    %scan3A_7 = arith.addi %scan3A_5, %scan3A_6 : i32
    %scan3A_8 = arith.constant 1 : i32
    scf.for %scan3A_20 = %scan3A_5 to %scan3A_7 step %scan3A_8  : i32 {
      %mul3A_21 = arith.constant 40 : i32
      %mul3A_22 = arith.muli %scan3A_20, %mul3A_21 : i32
      %add3A_23 = arith.addi %mul3A_4, %mul3A_22 : i32
      "tpu.region"() ({
        %run_scoped3A = tpu.sem_alloc : memref<!tpu.dma_semaphore, #tpu.memory_space<semaphore_mem>>
        %dma_start3A_84 = arith.constant 0 : i32
        %dma_start3A_85 = tpu.memref_slice %arg3[%add3A_23, %dma_start3A_84] : memref<2560x128xi32, #tpu.memory_space<hbm>> -> memref<40x128xi32, #tpu.memory_space<hbm>>
        %dma_start3A_86 = arith.constant 0 : i32
        %dma_start3A_87 = tpu.memref_slice %arg3[%add3A_23, %dma_start3A_86] : memref<2560x128xi32, #tpu.memory_space<hbm>> -> memref<40x128xi32, #tpu.memory_space<hbm>>
        tpu.enqueue_dma source(%dma_start3A_87 : memref<40x128xi32, #tpu.memory_space<hbm>>) target(%arg7 : memref<40x128xi32, #tpu.memory_space<vmem>>) target_semaphore(%run_scoped3A : memref<!tpu.dma_semaphore, #tpu.memory_space<semaphore_mem>>)
        %dma_wait3A_88 = arith.constant 0 : i32
        %dma_wait3A_89 = tpu.memref_slice %arg3[%add3A_23, %dma_wait3A_88] : memref<2560x128xi32, #tpu.memory_space<hbm>> -> memref<40x128xi32, #tpu.memory_space<hbm>>
        %dma_wait3A_90 = arith.constant 0 : i32
        %dma_wait3A_91 = tpu.memref_slice %arg3[%add3A_23, %dma_wait3A_90] : memref<2560x128xi32, #tpu.memory_space<hbm>> -> memref<40x128xi32, #tpu.memory_space<hbm>>
        tpu.wait_dma2 semaphore(%run_scoped3A : memref<!tpu.dma_semaphore, #tpu.memory_space<semaphore_mem>>) src(%dma_wait3A_91 : memref<40x128xi32, #tpu.memory_space<hbm>>) dst(%arg7 : memref<40x128xi32, #tpu.memory_space<vmem>>)
        tpu.yield
      }) : () -> ()
      "tpu.region"() ({
        %run_scoped3A = tpu.sem_alloc : memref<!tpu.dma_semaphore, #tpu.memory_space<semaphore_mem>>
        %dma_start3A_84 = arith.constant 0 : i32
        %dma_start3A_85 = tpu.memref_slice %arg4[%add3A_23, %dma_start3A_84] : memref<2560x128xi32, #tpu.memory_space<hbm>> -> memref<40x128xi32, #tpu.memory_space<hbm>>
        %dma_start3A_86 = arith.constant 0 : i32
        %dma_start3A_87 = tpu.memref_slice %arg4[%add3A_23, %dma_start3A_86] : memref<2560x128xi32, #tpu.memory_space<hbm>> -> memref<40x128xi32, #tpu.memory_space<hbm>>
        tpu.enqueue_dma source(%dma_start3A_87 : memref<40x128xi32, #tpu.memory_space<hbm>>) target(%arg8 : memref<40x128xi32, #tpu.memory_space<vmem>>) target_semaphore(%run_scoped3A : memref<!tpu.dma_semaphore, #tpu.memory_space<semaphore_mem>>)
        %dma_wait3A_88 = arith.constant 0 : i32
        %dma_wait3A_89 = tpu.memref_slice %arg4[%add3A_23, %dma_wait3A_88] : memref<2560x128xi32, #tpu.memory_space<hbm>> -> memref<40x128xi32, #tpu.memory_space<hbm>>
        %dma_wait3A_90 = arith.constant 0 : i32
        %dma_wait3A_91 = tpu.memref_slice %arg4[%add3A_23, %dma_wait3A_90] : memref<2560x128xi32, #tpu.memory_space<hbm>> -> memref<40x128xi32, #tpu.memory_space<hbm>>
        tpu.wait_dma2 semaphore(%run_scoped3A : memref<!tpu.dma_semaphore, #tpu.memory_space<semaphore_mem>>) src(%dma_wait3A_91 : memref<40x128xi32, #tpu.memory_space<hbm>>) dst(%arg8 : memref<40x128xi32, #tpu.memory_space<vmem>>)
        tpu.yield
      }) : () -> ()
      %dma_start3A = arith.constant 0 : i32
      %dma_start3A_24 = arith.constant 0 : i32
      %dma_start3A_25 = tpu.memref_slice %arg7[%dma_start3A, %dma_start3A_24] : memref<40x128xi32, #tpu.memory_space<vmem>> -> memref<1x128xi32, #tpu.memory_space<vmem>>
      %dma_start3A_26 = tpu.memref_squeeze %dma_start3A_25 : memref<1x128xi32, #tpu.memory_space<vmem>> -> memref<128xi32, #tpu.memory_space<vmem>>
      %dma_start3A_27 = arith.constant 0 : i32
      %dma_start3A_28 = arith.constant 0 : i32
      %dma_start3A_29 = tpu.memref_slice %arg2[%dma_start3A_27, %dma_start3A_28] : memref<10000x128xf32, #tpu.memory_space<hbm>> -> memref<10000x128xf32, #tpu.memory_space<hbm>>
      tpu.enqueue_indirect_dma source(%dma_start3A_29 : memref<10000x128xf32, #tpu.memory_space<hbm>>) target(%arg9 : memref<128x128xf32, #tpu.memory_space<vmem>>) offsets(%dma_start3A_26 : memref<128xi32, #tpu.memory_space<vmem>>) semaphore(%arg12 : memref<!tpu.dma_semaphore, #tpu.memory_space<semaphore_mem>>)
      %dma_start3A_30 = arith.constant 1 : i32
      %dma_start3A_31 = arith.constant 0 : i32
      %dma_start3A_32 = tpu.memref_slice %arg7[%dma_start3A_30, %dma_start3A_31] : memref<40x128xi32, #tpu.memory_space<vmem>> -> memref<1x128xi32, #tpu.memory_space<vmem>>
      %dma_start3A_33 = tpu.memref_squeeze %dma_start3A_32 : memref<1x128xi32, #tpu.memory_space<vmem>> -> memref<128xi32, #tpu.memory_space<vmem>>
      %dma_start3A_34 = arith.constant 0 : i32
      %dma_start3A_35 = arith.constant 0 : i32
      %dma_start3A_36 = tpu.memref_slice %arg2[%dma_start3A_34, %dma_start3A_35] : memref<10000x128xf32, #tpu.memory_space<hbm>> -> memref<10000x128xf32, #tpu.memory_space<hbm>>
      tpu.enqueue_indirect_dma source(%dma_start3A_36 : memref<10000x128xf32, #tpu.memory_space<hbm>>) target(%arg10 : memref<128x128xf32, #tpu.memory_space<vmem>>) offsets(%dma_start3A_33 : memref<128xi32, #tpu.memory_space<vmem>>) semaphore(%arg13 : memref<!tpu.dma_semaphore, #tpu.memory_space<semaphore_mem>>)
      %scan3A_37 = arith.constant 0 : i32
      %scan3A_38 = arith.constant 0 : i32
      %scan3A_39 = arith.constant 19 : i32
      %scan3A_40 = arith.addi %scan3A_38, %scan3A_39 : i32
      %scan3A_41 = arith.constant 1 : i32
      scf.for %scan3A_84 = %scan3A_38 to %scan3A_40 step %scan3A_41  : i32 {
        %mul3A_85 = arith.constant 2 : i32
        %mul3A_86 = arith.muli %mul3A_85, %scan3A_84 : i32
        %add3A_87 = arith.constant 0 : i32
        %add3A_88 = arith.addi %mul3A_86, %add3A_87 : i32
        %dma_wait3A_89 = arith.constant 0 : i32
        %dma_wait3A_90 = tpu.memref_slice %arg7[%add3A_88, %dma_wait3A_89] : memref<40x128xi32, #tpu.memory_space<vmem>> -> memref<1x128xi32, #tpu.memory_space<vmem>>
        %dma_wait3A_91 = tpu.memref_squeeze %dma_wait3A_90 : memref<1x128xi32, #tpu.memory_space<vmem>> -> memref<128xi32, #tpu.memory_space<vmem>>
        %dma_wait3A_92 = arith.constant 0 : i32
        %dma_wait3A_93 = arith.constant 0 : i32
        %dma_wait3A_94 = tpu.memref_slice %arg2[%dma_wait3A_92, %dma_wait3A_93] : memref<10000x128xf32, #tpu.memory_space<hbm>> -> memref<10000x128xf32, #tpu.memory_space<hbm>>
        tpu.wait_indirect_dma semaphore(%arg12 : memref<!tpu.dma_semaphore, #tpu.memory_space<semaphore_mem>>) src(%dma_wait3A_94 : memref<10000x128xf32, #tpu.memory_space<hbm>>) dst(%arg9 : memref<128x128xf32, #tpu.memory_space<vmem>>)
        %dma_start3A_95 = arith.constant 0 : i32
        %dma_start3A_96 = tpu.memref_slice %arg8[%add3A_88, %dma_start3A_95] : memref<40x128xi32, #tpu.memory_space<vmem>> -> memref<1x128xi32, #tpu.memory_space<vmem>>
        %dma_start3A_97 = tpu.memref_squeeze %dma_start3A_96 : memref<1x128xi32, #tpu.memory_space<vmem>> -> memref<128xi32, #tpu.memory_space<vmem>>
        %dma_start3A_98 = arith.constant 0 : i32
        %dma_start3A_99 = arith.constant 0 : i32
        %dma_start3A_100 = tpu.memref_slice %arg11[%dma_start3A_98, %dma_start3A_99] : memref<10016x128xf32, #tpu.memory_space<vmem_shared>> -> memref<10016x128xf32, #tpu.memory_space<vmem_shared>>
        tpu.enqueue_indirect_dma source(%arg9 : memref<128x128xf32, #tpu.memory_space<vmem>>) target(%dma_start3A_100 : memref<10016x128xf32, #tpu.memory_space<vmem_shared>>) offsets(%dma_start3A_97 : memref<128xi32, #tpu.memory_space<vmem>>) semaphore(%arg14 : memref<!tpu.dma_semaphore, #tpu.memory_space<semaphore_mem>>) {add = true}
        %mul3A_101 = arith.constant 2 : i32
        %mul3A_102 = arith.muli %mul3A_101, %scan3A_84 : i32
        %add3A_103 = arith.constant 1 : i32
        %add3A_104 = arith.addi %mul3A_102, %add3A_103 : i32
        %dma_wait3A_105 = arith.constant 0 : i32
        %dma_wait3A_106 = tpu.memref_slice %arg7[%add3A_104, %dma_wait3A_105] : memref<40x128xi32, #tpu.memory_space<vmem>> -> memref<1x128xi32, #tpu.memory_space<vmem>>
        %dma_wait3A_107 = tpu.memref_squeeze %dma_wait3A_106 : memref<1x128xi32, #tpu.memory_space<vmem>> -> memref<128xi32, #tpu.memory_space<vmem>>
        %dma_wait3A_108 = arith.constant 0 : i32
        %dma_wait3A_109 = arith.constant 0 : i32
        %dma_wait3A_110 = tpu.memref_slice %arg2[%dma_wait3A_108, %dma_wait3A_109] : memref<10000x128xf32, #tpu.memory_space<hbm>> -> memref<10000x128xf32, #tpu.memory_space<hbm>>
        tpu.wait_indirect_dma semaphore(%arg13 : memref<!tpu.dma_semaphore, #tpu.memory_space<semaphore_mem>>) src(%dma_wait3A_110 : memref<10000x128xf32, #tpu.memory_space<hbm>>) dst(%arg10 : memref<128x128xf32, #tpu.memory_space<vmem>>)
        %dma_start3A_111 = arith.constant 0 : i32
        %dma_start3A_112 = tpu.memref_slice %arg8[%add3A_104, %dma_start3A_111] : memref<40x128xi32, #tpu.memory_space<vmem>> -> memref<1x128xi32, #tpu.memory_space<vmem>>
        %dma_start3A_113 = tpu.memref_squeeze %dma_start3A_112 : memref<1x128xi32, #tpu.memory_space<vmem>> -> memref<128xi32, #tpu.memory_space<vmem>>
        %dma_start3A_114 = arith.constant 0 : i32
        %dma_start3A_115 = arith.constant 0 : i32
        %dma_start3A_116 = tpu.memref_slice %arg11[%dma_start3A_114, %dma_start3A_115] : memref<10016x128xf32, #tpu.memory_space<vmem_shared>> -> memref<10016x128xf32, #tpu.memory_space<vmem_shared>>
        tpu.enqueue_indirect_dma source(%arg10 : memref<128x128xf32, #tpu.memory_space<vmem>>) target(%dma_start3A_116 : memref<10016x128xf32, #tpu.memory_space<vmem_shared>>) offsets(%dma_start3A_113 : memref<128xi32, #tpu.memory_space<vmem>>) semaphore(%arg15 : memref<!tpu.dma_semaphore, #tpu.memory_space<semaphore_mem>>) {add = true}
        %mul3A_117 = arith.constant 2 : i32
        %mul3A_118 = arith.muli %mul3A_117, %scan3A_84 : i32
        %add3A_119 = arith.constant 0 : i32
        %add3A_120 = arith.addi %mul3A_118, %add3A_119 : i32
        %dma_wait3A_121 = arith.constant 0 : i32
        %dma_wait3A_122 = tpu.memref_slice %arg8[%add3A_120, %dma_wait3A_121] : memref<40x128xi32, #tpu.memory_space<vmem>> -> memref<1x128xi32, #tpu.memory_space<vmem>>
        %dma_wait3A_123 = tpu.memref_squeeze %dma_wait3A_122 : memref<1x128xi32, #tpu.memory_space<vmem>> -> memref<128xi32, #tpu.memory_space<vmem>>
        %dma_wait3A_124 = arith.constant 0 : i32
        %dma_wait3A_125 = arith.constant 0 : i32
        %dma_wait3A_126 = tpu.memref_slice %arg11[%dma_wait3A_124, %dma_wait3A_125] : memref<10016x128xf32, #tpu.memory_space<vmem_shared>> -> memref<10016x128xf32, #tpu.memory_space<vmem_shared>>
        tpu.wait_indirect_dma semaphore(%arg14 : memref<!tpu.dma_semaphore, #tpu.memory_space<semaphore_mem>>) src(%arg9 : memref<128x128xf32, #tpu.memory_space<vmem>>) dst(%dma_wait3A_126 : memref<10016x128xf32, #tpu.memory_space<vmem_shared>>)
        %add3A_127 = arith.constant 2 : i32
        %add3A_128 = arith.addi %add3A_120, %add3A_127 : i32
        %dma_start3A_129 = arith.constant 0 : i32
        %dma_start3A_130 = tpu.memref_slice %arg7[%add3A_128, %dma_start3A_129] : memref<40x128xi32, #tpu.memory_space<vmem>> -> memref<1x128xi32, #tpu.memory_space<vmem>>
        %dma_start3A_131 = tpu.memref_squeeze %dma_start3A_130 : memref<1x128xi32, #tpu.memory_space<vmem>> -> memref<128xi32, #tpu.memory_space<vmem>>
        %dma_start3A_132 = arith.constant 0 : i32
        %dma_start3A_133 = arith.constant 0 : i32
        %dma_start3A_134 = tpu.memref_slice %arg2[%dma_start3A_132, %dma_start3A_133] : memref<10000x128xf32, #tpu.memory_space<hbm>> -> memref<10000x128xf32, #tpu.memory_space<hbm>>
        tpu.enqueue_indirect_dma source(%dma_start3A_134 : memref<10000x128xf32, #tpu.memory_space<hbm>>) target(%arg9 : memref<128x128xf32, #tpu.memory_space<vmem>>) offsets(%dma_start3A_131 : memref<128xi32, #tpu.memory_space<vmem>>) semaphore(%arg12 : memref<!tpu.dma_semaphore, #tpu.memory_space<semaphore_mem>>)
        %mul3A_135 = arith.constant 2 : i32
        %mul3A_136 = arith.muli %mul3A_135, %scan3A_84 : i32
        %add3A_137 = arith.constant 1 : i32
        %add3A_138 = arith.addi %mul3A_136, %add3A_137 : i32
        %dma_wait3A_139 = arith.constant 0 : i32
        %dma_wait3A_140 = tpu.memref_slice %arg8[%add3A_138, %dma_wait3A_139] : memref<40x128xi32, #tpu.memory_space<vmem>> -> memref<1x128xi32, #tpu.memory_space<vmem>>
        %dma_wait3A_141 = tpu.memref_squeeze %dma_wait3A_140 : memref<1x128xi32, #tpu.memory_space<vmem>> -> memref<128xi32, #tpu.memory_space<vmem>>
        %dma_wait3A_142 = arith.constant 0 : i32
        %dma_wait3A_143 = arith.constant 0 : i32
        %dma_wait3A_144 = tpu.memref_slice %arg11[%dma_wait3A_142, %dma_wait3A_143] : memref<10016x128xf32, #tpu.memory_space<vmem_shared>> -> memref<10016x128xf32, #tpu.memory_space<vmem_shared>>
        tpu.wait_indirect_dma semaphore(%arg15 : memref<!tpu.dma_semaphore, #tpu.memory_space<semaphore_mem>>) src(%arg10 : memref<128x128xf32, #tpu.memory_space<vmem>>) dst(%dma_wait3A_144 : memref<10016x128xf32, #tpu.memory_space<vmem_shared>>)
        %add3A_145 = arith.constant 2 : i32
        %add3A_146 = arith.addi %add3A_138, %add3A_145 : i32
        %dma_start3A_147 = arith.constant 0 : i32
        %dma_start3A_148 = tpu.memref_slice %arg7[%add3A_146, %dma_start3A_147] : memref<40x128xi32, #tpu.memory_space<vmem>> -> memref<1x128xi32, #tpu.memory_space<vmem>>
        %dma_start3A_149 = tpu.memref_squeeze %dma_start3A_148 : memref<1x128xi32, #tpu.memory_space<vmem>> -> memref<128xi32, #tpu.memory_space<vmem>>
        %dma_start3A_150 = arith.constant 0 : i32
        %dma_start3A_151 = arith.constant 0 : i32
        %dma_start3A_152 = tpu.memref_slice %arg2[%dma_start3A_150, %dma_start3A_151] : memref<10000x128xf32, #tpu.memory_space<hbm>> -> memref<10000x128xf32, #tpu.memory_space<hbm>>
        tpu.enqueue_indirect_dma source(%dma_start3A_152 : memref<10000x128xf32, #tpu.memory_space<hbm>>) target(%arg10 : memref<128x128xf32, #tpu.memory_space<vmem>>) offsets(%dma_start3A_149 : memref<128xi32, #tpu.memory_space<vmem>>) semaphore(%arg13 : memref<!tpu.dma_semaphore, #tpu.memory_space<semaphore_mem>>)
      }
      %scan3A_42 = arith.constant 19 : i32
      %dma_wait3A = arith.constant 38 : i32
      %dma_wait3A_43 = arith.constant 0 : i32
      %dma_wait3A_44 = tpu.memref_slice %arg7[%dma_wait3A, %dma_wait3A_43] : memref<40x128xi32, #tpu.memory_space<vmem>> -> memref<1x128xi32, #tpu.memory_space<vmem>>
      %dma_wait3A_45 = tpu.memref_squeeze %dma_wait3A_44 : memref<1x128xi32, #tpu.memory_space<vmem>> -> memref<128xi32, #tpu.memory_space<vmem>>
      %dma_wait3A_46 = arith.constant 0 : i32
      %dma_wait3A_47 = arith.constant 0 : i32
      %dma_wait3A_48 = tpu.memref_slice %arg2[%dma_wait3A_46, %dma_wait3A_47] : memref<10000x128xf32, #tpu.memory_space<hbm>> -> memref<10000x128xf32, #tpu.memory_space<hbm>>
      tpu.wait_indirect_dma semaphore(%arg12 : memref<!tpu.dma_semaphore, #tpu.memory_space<semaphore_mem>>) src(%dma_wait3A_48 : memref<10000x128xf32, #tpu.memory_space<hbm>>) dst(%arg9 : memref<128x128xf32, #tpu.memory_space<vmem>>)
      %dma_start3A_49 = arith.constant 38 : i32
      %dma_start3A_50 = arith.constant 0 : i32
      %dma_start3A_51 = tpu.memref_slice %arg8[%dma_start3A_49, %dma_start3A_50] : memref<40x128xi32, #tpu.memory_space<vmem>> -> memref<1x128xi32, #tpu.memory_space<vmem>>
      %dma_start3A_52 = tpu.memref_squeeze %dma_start3A_51 : memref<1x128xi32, #tpu.memory_space<vmem>> -> memref<128xi32, #tpu.memory_space<vmem>>
      %dma_start3A_53 = arith.constant 0 : i32
      %dma_start3A_54 = arith.constant 0 : i32
      %dma_start3A_55 = tpu.memref_slice %arg11[%dma_start3A_53, %dma_start3A_54] : memref<10016x128xf32, #tpu.memory_space<vmem_shared>> -> memref<10016x128xf32, #tpu.memory_space<vmem_shared>>
      tpu.enqueue_indirect_dma source(%arg9 : memref<128x128xf32, #tpu.memory_space<vmem>>) target(%dma_start3A_55 : memref<10016x128xf32, #tpu.memory_space<vmem_shared>>) offsets(%dma_start3A_52 : memref<128xi32, #tpu.memory_space<vmem>>) semaphore(%arg14 : memref<!tpu.dma_semaphore, #tpu.memory_space<semaphore_mem>>) {add = true}
      %dma_wait3A_56 = arith.constant 39 : i32
      %dma_wait3A_57 = arith.constant 0 : i32
      %dma_wait3A_58 = tpu.memref_slice %arg7[%dma_wait3A_56, %dma_wait3A_57] : memref<40x128xi32, #tpu.memory_space<vmem>> -> memref<1x128xi32, #tpu.memory_space<vmem>>
      %dma_wait3A_59 = tpu.memref_squeeze %dma_wait3A_58 : memref<1x128xi32, #tpu.memory_space<vmem>> -> memref<128xi32, #tpu.memory_space<vmem>>
      %dma_wait3A_60 = arith.constant 0 : i32
      %dma_wait3A_61 = arith.constant 0 : i32
      %dma_wait3A_62 = tpu.memref_slice %arg2[%dma_wait3A_60, %dma_wait3A_61] : memref<10000x128xf32, #tpu.memory_space<hbm>> -> memref<10000x128xf32, #tpu.memory_space<hbm>>
      tpu.wait_indirect_dma semaphore(%arg13 : memref<!tpu.dma_semaphore, #tpu.memory_space<semaphore_mem>>) src(%dma_wait3A_62 : memref<10000x128xf32, #tpu.memory_space<hbm>>) dst(%arg10 : memref<128x128xf32, #tpu.memory_space<vmem>>)
      %dma_start3A_63 = arith.constant 39 : i32
      %dma_start3A_64 = arith.constant 0 : i32
      %dma_start3A_65 = tpu.memref_slice %arg8[%dma_start3A_63, %dma_start3A_64] : memref<40x128xi32, #tpu.memory_space<vmem>> -> memref<1x128xi32, #tpu.memory_space<vmem>>
      %dma_start3A_66 = tpu.memref_squeeze %dma_start3A_65 : memref<1x128xi32, #tpu.memory_space<vmem>> -> memref<128xi32, #tpu.memory_space<vmem>>
      %dma_start3A_67 = arith.constant 0 : i32
      %dma_start3A_68 = arith.constant 0 : i32
      %dma_start3A_69 = tpu.memref_slice %arg11[%dma_start3A_67, %dma_start3A_68] : memref<10016x128xf32, #tpu.memory_space<vmem_shared>> -> memref<10016x128xf32, #tpu.memory_space<vmem_shared>>
      tpu.enqueue_indirect_dma source(%arg10 : memref<128x128xf32, #tpu.memory_space<vmem>>) target(%dma_start3A_69 : memref<10016x128xf32, #tpu.memory_space<vmem_shared>>) offsets(%dma_start3A_66 : memref<128xi32, #tpu.memory_space<vmem>>) semaphore(%arg15 : memref<!tpu.dma_semaphore, #tpu.memory_space<semaphore_mem>>) {add = true}
      %dma_wait3A_70 = arith.constant 38 : i32
      %dma_wait3A_71 = arith.constant 0 : i32
      %dma_wait3A_72 = tpu.memref_slice %arg8[%dma_wait3A_70, %dma_wait3A_71] : memref<40x128xi32, #tpu.memory_space<vmem>> -> memref<1x128xi32, #tpu.memory_space<vmem>>
      %dma_wait3A_73 = tpu.memref_squeeze %dma_wait3A_72 : memref<1x128xi32, #tpu.memory_space<vmem>> -> memref<128xi32, #tpu.memory_space<vmem>>
      %dma_wait3A_74 = arith.constant 0 : i32
      %dma_wait3A_75 = arith.constant 0 : i32
      %dma_wait3A_76 = tpu.memref_slice %arg11[%dma_wait3A_74, %dma_wait3A_75] : memref<10016x128xf32, #tpu.memory_space<vmem_shared>> -> memref<10016x128xf32, #tpu.memory_space<vmem_shared>>
      tpu.wait_indirect_dma semaphore(%arg14 : memref<!tpu.dma_semaphore, #tpu.memory_space<semaphore_mem>>) src(%arg9 : memref<128x128xf32, #tpu.memory_space<vmem>>) dst(%dma_wait3A_76 : memref<10016x128xf32, #tpu.memory_space<vmem_shared>>)
      %dma_wait3A_77 = arith.constant 39 : i32
      %dma_wait3A_78 = arith.constant 0 : i32
      %dma_wait3A_79 = tpu.memref_slice %arg8[%dma_wait3A_77, %dma_wait3A_78] : memref<40x128xi32, #tpu.memory_space<vmem>> -> memref<1x128xi32, #tpu.memory_space<vmem>>
      %dma_wait3A_80 = tpu.memref_squeeze %dma_wait3A_79 : memref<1x128xi32, #tpu.memory_space<vmem>> -> memref<128xi32, #tpu.memory_space<vmem>>
      %dma_wait3A_81 = arith.constant 0 : i32
      %dma_wait3A_82 = arith.constant 0 : i32
      %dma_wait3A_83 = tpu.memref_slice %arg11[%dma_wait3A_81, %dma_wait3A_82] : memref<10016x128xf32, #tpu.memory_space<vmem_shared>> -> memref<10016x128xf32, #tpu.memory_space<vmem_shared>>
      tpu.wait_indirect_dma semaphore(%arg15 : memref<!tpu.dma_semaphore, #tpu.memory_space<semaphore_mem>>) src(%arg10 : memref<128x128xf32, #tpu.memory_space<vmem>>) dst(%dma_wait3A_83 : memref<10016x128xf32, #tpu.memory_space<vmem_shared>>)
    }
    %scan3A_9 = arith.constant 2 : i32
    %barrier3A_10 = arith.constant 0 : index
    tpu.barrier barrier_id(%barrier3A_10)
    %lt3A = arith.constant 15 : i32
    %lt3A_11 = arith.cmpi slt, %arg1, %lt3A : i32
    %convert_element_type3A_12 = arith.extui %lt3A_11 : i1 to i32
    %cond3A_13 = arith.constant 0 : i32
    %cond3A_14 = arith.cmpi ne, %convert_element_type3A_12, %cond3A_13 : i32
    scf.if %cond3A_14 {
      %mul3A_20 = arith.constant 624 : i32
      %mul3A_21 = arith.muli %arg1, %mul3A_20 : i32
      %mul3A_22 = arith.constant 624 : i32
      %mul3A_23 = arith.muli %arg1, %mul3A_22 : i32
      "tpu.region"() ({
        %run_scoped3A = tpu.sem_alloc : memref<!tpu.dma_semaphore, #tpu.memory_space<semaphore_mem>>
        %dma_start3A = arith.constant 0 : i32
        %dma_start3A_24 = tpu.memref_slice %arg6[%arg0, %mul3A_23, %dma_start3A] : memref<2x10000x128xf32, #tpu.memory_space<hbm>> -> memref<1x624x128xf32, #tpu.memory_space<hbm>>
        %dma_start3A_25 = tpu.memref_squeeze %dma_start3A_24 : memref<1x624x128xf32, #tpu.memory_space<hbm>> -> memref<624x128xf32, #tpu.memory_space<hbm>>
        %dma_start3A_26 = arith.constant 0 : i32
        %dma_start3A_27 = tpu.memref_slice %arg11[%mul3A_21, %dma_start3A_26] : memref<10016x128xf32, #tpu.memory_space<vmem_shared>> -> memref<624x128xf32, #tpu.memory_space<vmem_shared>>
        tpu.enqueue_dma source(%dma_start3A_27 : memref<624x128xf32, #tpu.memory_space<vmem_shared>>) target(%dma_start3A_25 : memref<624x128xf32, #tpu.memory_space<hbm>>) target_semaphore(%run_scoped3A : memref<!tpu.dma_semaphore, #tpu.memory_space<semaphore_mem>>)
        %dma_wait3A = arith.constant 0 : i32
        %dma_wait3A_28 = tpu.memref_slice %arg6[%arg0, %mul3A_23, %dma_wait3A] : memref<2x10000x128xf32, #tpu.memory_space<hbm>> -> memref<1x624x128xf32, #tpu.memory_space<hbm>>
        %dma_wait3A_29 = tpu.memref_squeeze %dma_wait3A_28 : memref<1x624x128xf32, #tpu.memory_space<hbm>> -> memref<624x128xf32, #tpu.memory_space<hbm>>
        %dma_wait3A_30 = arith.constant 0 : i32
        %dma_wait3A_31 = tpu.memref_slice %arg11[%mul3A_21, %dma_wait3A_30] : memref<10016x128xf32, #tpu.memory_space<vmem_shared>> -> memref<624x128xf32, #tpu.memory_space<vmem_shared>>
        tpu.wait_dma2 semaphore(%run_scoped3A : memref<!tpu.dma_semaphore, #tpu.memory_space<semaphore_mem>>) src(%dma_wait3A_31 : memref<624x128xf32, #tpu.memory_space<vmem_shared>>) dst(%dma_wait3A_29 : memref<624x128xf32, #tpu.memory_space<hbm>>)
        tpu.yield
      }) : () -> ()
    } else {
    }
    %eq3A_15 = arith.constant 15 : i32
    %eq3A_16 = arith.cmpi eq, %arg1, %eq3A_15 : i32
    %convert_element_type3A_17 = arith.extui %eq3A_16 : i1 to i32
    %cond3A_18 = arith.constant 0 : i32
    %cond3A_19 = arith.cmpi ne, %convert_element_type3A_17, %cond3A_18 : i32
    scf.if %cond3A_19 {
      "tpu.region"() ({
        %run_scoped3A = tpu.sem_alloc : memref<!tpu.dma_semaphore, #tpu.memory_space<semaphore_mem>>
        %dma_start3A = arith.constant 9360 : i32
        %dma_start3A_20 = arith.constant 0 : i32
        %dma_start3A_21 = tpu.memref_slice %arg6[%arg0, %dma_start3A, %dma_start3A_20] : memref<2x10000x128xf32, #tpu.memory_space<hbm>> -> memref<1x640x128xf32, #tpu.memory_space<hbm>>
        %dma_start3A_22 = tpu.memref_squeeze %dma_start3A_21 : memref<1x640x128xf32, #tpu.memory_space<hbm>> -> memref<640x128xf32, #tpu.memory_space<hbm>>
        %dma_start3A_23 = arith.constant 9360 : i32
        %dma_start3A_24 = arith.constant 0 : i32
        %dma_start3A_25 = tpu.memref_slice %arg11[%dma_start3A_23, %dma_start3A_24] : memref<10016x128xf32, #tpu.memory_space<vmem_shared>> -> memref<640x128xf32, #tpu.memory_space<vmem_shared>>
        tpu.enqueue_dma source(%dma_start3A_25 : memref<640x128xf32, #tpu.memory_space<vmem_shared>>) target(%dma_start3A_22 : memref<640x128xf32, #tpu.memory_space<hbm>>) target_semaphore(%run_scoped3A : memref<!tpu.dma_semaphore, #tpu.memory_space<semaphore_mem>>)
        %dma_wait3A = arith.constant 9360 : i32
        %dma_wait3A_26 = arith.constant 0 : i32
        %dma_wait3A_27 = tpu.memref_slice %arg6[%arg0, %dma_wait3A, %dma_wait3A_26] : memref<2x10000x128xf32, #tpu.memory_space<hbm>> -> memref<1x640x128xf32, #tpu.memory_space<hbm>>
        %dma_wait3A_28 = tpu.memref_squeeze %dma_wait3A_27 : memref<1x640x128xf32, #tpu.memory_space<hbm>> -> memref<640x128xf32, #tpu.memory_space<hbm>>
        %dma_wait3A_29 = arith.constant 9360 : i32
        %dma_wait3A_30 = arith.constant 0 : i32
        %dma_wait3A_31 = tpu.memref_slice %arg11[%dma_wait3A_29, %dma_wait3A_30] : memref<10016x128xf32, #tpu.memory_space<vmem_shared>> -> memref<640x128xf32, #tpu.memory_space<vmem_shared>>
        tpu.wait_dma2 semaphore(%run_scoped3A : memref<!tpu.dma_semaphore, #tpu.memory_space<semaphore_mem>>) src(%dma_wait3A_31 : memref<640x128xf32, #tpu.memory_space<vmem_shared>>) dst(%dma_wait3A_28 : memref<640x128xf32, #tpu.memory_space<hbm>>)
        tpu.yield
      }) : () -> ()
    } else {
    }
    return
  }
}

#map = affine_map<(d0, d1) -> (0, 0)>
#map1 = affine_map<(d0, d1) -> (0)>
module attributes {stable_mosaic.version = 14 : i64} {
  func.func @_deg_sc(%arg0: i32, %arg1: i32, %arg2: memref<2560x128xi32, #tpu.memory_space<hbm>>, %arg3: memref<10240xf32, #tpu.memory_space<hbm>>, %arg4: memref<10240xf32, #tpu.memory_space<hbm>>, %arg5: memref<10240xf32, #tpu.memory_space<hbm>>, %arg6: memref<80x128xi32, #tpu.memory_space<vmem>>, %arg7: memref<128xf32, #tpu.memory_space<vmem>>, %arg8: memref<10240xf32, #tpu.memory_space<vmem_shared>>, %arg9: memref<!tpu.dma_semaphore, #tpu.memory_space<semaphore_mem>>, %arg10: memref<!tpu.dma_semaphore, #tpu.memory_space<semaphore_mem>>, %arg11: memref<!tpu.dma_semaphore, #tpu.memory_space<semaphore_mem>>, %arg12: memref<!tpu.dma_semaphore, #tpu.memory_space<semaphore_mem>>) attributes {dimension_semantics = [#tpu.dimension_semantics<core_parallel>, #tpu.dimension_semantics<subcore_parallel>], iteration_bounds = array<i64: 2, 16>, scalar_prefetch = 0 : i64, scratch_operands = 7 : i64, tpu.core_type = #tpu.core_type<sc_vector_subcore>, window_params = [{transform_indices = #map}, {transform_indices = #map1}, {transform_indices = #map1}, {transform_indices = #map1}]} {
    %mul3A = arith.constant 16 : i32
    %mul3A_0 = arith.muli %arg0, %mul3A : i32
    %add3A = arith.addi %mul3A_0, %arg1 : i32
    %broadcast_in_dim3A = arith.constant 1.000000e+00 : f32
    %broadcast_in_dim3A_1 = vector.broadcast %broadcast_in_dim3A : f32 to vector<16xf32>
    %swap3A = arith.constant 0 : index
    %swap3A_2 = tpu.vector_load %arg7[%swap3A] {strides = array<i32>} : memref<128xf32, #tpu.memory_space<vmem>>, vector<16xf32>,
    %swap3A_3 = vector.shape_cast %swap3A_2 : vector<16xf32> to vector<16xf32>
    %swap3A_4 = vector.shape_cast %broadcast_in_dim3A_1 : vector<16xf32> to vector<16xf32>
    tpu.vector_store %arg7[%swap3A], %swap3A_4 {strides = array<i32>} : memref<128xf32, #tpu.memory_space<vmem>>, vector<16xf32>,
    %swap3A_5 = arith.constant 16 : index
    %swap3A_6 = tpu.vector_load %arg7[%swap3A_5] {strides = array<i32>} : memref<128xf32, #tpu.memory_space<vmem>>, vector<16xf32>,
    %swap3A_7 = vector.shape_cast %swap3A_6 : vector<16xf32> to vector<16xf32>
    %swap3A_8 = vector.shape_cast %broadcast_in_dim3A_1 : vector<16xf32> to vector<16xf32>
    tpu.vector_store %arg7[%swap3A_5], %swap3A_8 {strides = array<i32>} : memref<128xf32, #tpu.memory_space<vmem>>, vector<16xf32>,
    %swap3A_9 = arith.constant 32 : index
    %swap3A_10 = tpu.vector_load %arg7[%swap3A_9] {strides = array<i32>} : memref<128xf32, #tpu.memory_space<vmem>>, vector<16xf32>,
    %swap3A_11 = vector.shape_cast %swap3A_10 : vector<16xf32> to vector<16xf32>
    %swap3A_12 = vector.shape_cast %broadcast_in_dim3A_1 : vector<16xf32> to vector<16xf32>
    tpu.vector_store %arg7[%swap3A_9], %swap3A_12 {strides = array<i32>} : memref<128xf32, #tpu.memory_space<vmem>>, vector<16xf32>,
    %swap3A_13 = arith.constant 48 : index
    %swap3A_14 = tpu.vector_load %arg7[%swap3A_13] {strides = array<i32>} : memref<128xf32, #tpu.memory_space<vmem>>, vector<16xf32>,
    %swap3A_15 = vector.shape_cast %swap3A_14 : vector<16xf32> to vector<16xf32>
    %swap3A_16 = vector.shape_cast %broadcast_in_dim3A_1 : vector<16xf32> to vector<16xf32>
    tpu.vector_store %arg7[%swap3A_13], %swap3A_16 {strides = array<i32>} : memref<128xf32, #tpu.memory_space<vmem>>, vector<16xf32>,
    %swap3A_17 = arith.constant 64 : index
    %swap3A_18 = tpu.vector_load %arg7[%swap3A_17] {strides = array<i32>} : memref<128xf32, #tpu.memory_space<vmem>>, vector<16xf32>,
    %swap3A_19 = vector.shape_cast %swap3A_18 : vector<16xf32> to vector<16xf32>
    %swap3A_20 = vector.shape_cast %broadcast_in_dim3A_1 : vector<16xf32> to vector<16xf32>
    tpu.vector_store %arg7[%swap3A_17], %swap3A_20 {strides = array<i32>} : memref<128xf32, #tpu.memory_space<vmem>>, vector<16xf32>,
    %swap3A_21 = arith.constant 80 : index
    %swap3A_22 = tpu.vector_load %arg7[%swap3A_21] {strides = array<i32>} : memref<128xf32, #tpu.memory_space<vmem>>, vector<16xf32>,
    %swap3A_23 = vector.shape_cast %swap3A_22 : vector<16xf32> to vector<16xf32>
    %swap3A_24 = vector.shape_cast %broadcast_in_dim3A_1 : vector<16xf32> to vector<16xf32>
    tpu.vector_store %arg7[%swap3A_21], %swap3A_24 {strides = array<i32>} : memref<128xf32, #tpu.memory_space<vmem>>, vector<16xf32>,
    %swap3A_25 = arith.constant 96 : index
    %swap3A_26 = tpu.vector_load %arg7[%swap3A_25] {strides = array<i32>} : memref<128xf32, #tpu.memory_space<vmem>>, vector<16xf32>,
    %swap3A_27 = vector.shape_cast %swap3A_26 : vector<16xf32> to vector<16xf32>
    %swap3A_28 = vector.shape_cast %broadcast_in_dim3A_1 : vector<16xf32> to vector<16xf32>
    tpu.vector_store %arg7[%swap3A_25], %swap3A_28 {strides = array<i32>} : memref<128xf32, #tpu.memory_space<vmem>>, vector<16xf32>,
    %swap3A_29 = arith.constant 112 : index
    %swap3A_30 = tpu.vector_load %arg7[%swap3A_29] {strides = array<i32>} : memref<128xf32, #tpu.memory_space<vmem>>, vector<16xf32>,
    %swap3A_31 = vector.shape_cast %swap3A_30 : vector<16xf32> to vector<16xf32>
    %swap3A_32 = vector.shape_cast %broadcast_in_dim3A_1 : vector<16xf32> to vector<16xf32>
    tpu.vector_store %arg7[%swap3A_29], %swap3A_32 {strides = array<i32>} : memref<128xf32, #tpu.memory_space<vmem>>, vector<16xf32>,
    %mul3A_33 = arith.constant 80 : i32
    %mul3A_34 = arith.muli %add3A, %mul3A_33 : i32
    "tpu.region"() ({
      %run_scoped3A = tpu.sem_alloc : memref<!tpu.dma_semaphore, #tpu.memory_space<semaphore_mem>>
      %dma_start3A_75 = arith.constant 0 : i32
      %dma_start3A_76 = tpu.memref_slice %arg2[%mul3A_34, %dma_start3A_75] : memref<2560x128xi32, #tpu.memory_space<hbm>> -> memref<80x128xi32, #tpu.memory_space<hbm>>
      %dma_start3A_77 = arith.constant 0 : i32
      %dma_start3A_78 = tpu.memref_slice %arg2[%mul3A_34, %dma_start3A_77] : memref<2560x128xi32, #tpu.memory_space<hbm>> -> memref<80x128xi32, #tpu.memory_space<hbm>>
      tpu.enqueue_dma source(%dma_start3A_78 : memref<80x128xi32, #tpu.memory_space<hbm>>) target(%arg6 : memref<80x128xi32, #tpu.memory_space<vmem>>) target_semaphore(%run_scoped3A : memref<!tpu.dma_semaphore, #tpu.memory_space<semaphore_mem>>)
      %dma_wait3A_79 = arith.constant 0 : i32
      %dma_wait3A_80 = tpu.memref_slice %arg2[%mul3A_34, %dma_wait3A_79] : memref<2560x128xi32, #tpu.memory_space<hbm>> -> memref<80x128xi32, #tpu.memory_space<hbm>>
      %dma_wait3A_81 = arith.constant 0 : i32
      %dma_wait3A_82 = tpu.memref_slice %arg2[%mul3A_34, %dma_wait3A_81] : memref<2560x128xi32, #tpu.memory_space<hbm>> -> memref<80x128xi32, #tpu.memory_space<hbm>>
      tpu.wait_dma2 semaphore(%run_scoped3A : memref<!tpu.dma_semaphore, #tpu.memory_space<semaphore_mem>>) src(%dma_wait3A_82 : memref<80x128xi32, #tpu.memory_space<hbm>>) dst(%arg6 : memref<80x128xi32, #tpu.memory_space<vmem>>)
      tpu.yield
    }) : () -> ()
    %eq3A = arith.constant 0 : i32
    %eq3A_35 = arith.cmpi eq, %arg1, %eq3A : i32
    %convert_element_type3A = arith.extui %eq3A_35 : i1 to i32
    %cond3A = arith.constant 0 : i32
    %cond3A_36 = arith.cmpi ne, %convert_element_type3A, %cond3A : i32
    scf.if %cond3A_36 {
      "tpu.region"() ({
        %run_scoped3A = tpu.sem_alloc : memref<!tpu.dma_semaphore, #tpu.memory_space<semaphore_mem>>
        tpu.enqueue_dma source(%arg3 : memref<10240xf32, #tpu.memory_space<hbm>>) target(%arg8 : memref<10240xf32, #tpu.memory_space<vmem_shared>>) target_semaphore(%run_scoped3A : memref<!tpu.dma_semaphore, #tpu.memory_space<semaphore_mem>>)
        tpu.wait_dma2 semaphore(%run_scoped3A : memref<!tpu.dma_semaphore, #tpu.memory_space<semaphore_mem>>) src(%arg3 : memref<10240xf32, #tpu.memory_space<hbm>>) dst(%arg8 : memref<10240xf32, #tpu.memory_space<vmem_shared>>)
        tpu.yield
      }) : () -> ()
    } else {
    }
    %barrier3A = arith.constant 0 : index
    tpu.barrier barrier_id(%barrier3A)
    %dma_start3A = arith.constant 0 : i32
    %dma_start3A_37 = arith.constant 0 : i32
    %dma_start3A_38 = tpu.memref_slice %arg6[%dma_start3A, %dma_start3A_37] : memref<80x128xi32, #tpu.memory_space<vmem>> -> memref<1x128xi32, #tpu.memory_space<vmem>>
    %dma_start3A_39 = tpu.memref_squeeze %dma_start3A_38 : memref<1x128xi32, #tpu.memory_space<vmem>> -> memref<128xi32, #tpu.memory_space<vmem>>
    %dma_start3A_40 = arith.constant 0 : i32
    %dma_start3A_41 = tpu.memref_slice %arg8[%dma_start3A_40] : memref<10240xf32, #tpu.memory_space<vmem_shared>> -> memref<10240xf32, #tpu.memory_space<vmem_shared>>
    tpu.enqueue_indirect_dma source(%arg7 : memref<128xf32, #tpu.memory_space<vmem>>) target(%dma_start3A_41 : memref<10240xf32, #tpu.memory_space<vmem_shared>>) offsets(%dma_start3A_39 : memref<128xi32, #tpu.memory_space<vmem>>) semaphore(%arg9 : memref<!tpu.dma_semaphore, #tpu.memory_space<semaphore_mem>>) {add = true}
    %dma_start3A_42 = arith.constant 1 : i32
    %dma_start3A_43 = arith.constant 0 : i32
    %dma_start3A_44 = tpu.memref_slice %arg6[%dma_start3A_42, %dma_start3A_43] : memref<80x128xi32, #tpu.memory_space<vmem>> -> memref<1x128xi32, #tpu.memory_space<vmem>>
    %dma_start3A_45 = tpu.memref_squeeze %dma_start3A_44 : memref<1x128xi32, #tpu.memory_space<vmem>> -> memref<128xi32, #tpu.memory_space<vmem>>
    %dma_start3A_46 = arith.constant 0 : i32
    %dma_start3A_47 = tpu.memref_slice %arg8[%dma_start3A_46] : memref<10240xf32, #tpu.memory_space<vmem_shared>> -> memref<10240xf32, #tpu.memory_space<vmem_shared>>
    tpu.enqueue_indirect_dma source(%arg7 : memref<128xf32, #tpu.memory_space<vmem>>) target(%dma_start3A_47 : memref<10240xf32, #tpu.memory_space<vmem_shared>>) offsets(%dma_start3A_45 : memref<128xi32, #tpu.memory_space<vmem>>) semaphore(%arg10 : memref<!tpu.dma_semaphore, #tpu.memory_space<semaphore_mem>>) {add = true}
    %scan3A = arith.constant 0 : i32
    %scan3A_48 = arith.constant 0 : i32
    %scan3A_49 = arith.constant 39 : i32
    %scan3A_50 = arith.addi %scan3A_48, %scan3A_49 : i32
    %scan3A_51 = arith.constant 1 : i32
    scf.for %scan3A_75 = %scan3A_48 to %scan3A_50 step %scan3A_51  : i32 {
      %mul3A_76 = arith.constant 2 : i32
      %mul3A_77 = arith.muli %mul3A_76, %scan3A_75 : i32
      %add3A_78 = arith.constant 0 : i32
      %add3A_79 = arith.addi %mul3A_77, %add3A_78 : i32
      %dma_wait3A_80 = arith.constant 0 : i32
      %dma_wait3A_81 = tpu.memref_slice %arg6[%add3A_79, %dma_wait3A_80] : memref<80x128xi32, #tpu.memory_space<vmem>> -> memref<1x128xi32, #tpu.memory_space<vmem>>
      %dma_wait3A_82 = tpu.memref_squeeze %dma_wait3A_81 : memref<1x128xi32, #tpu.memory_space<vmem>> -> memref<128xi32, #tpu.memory_space<vmem>>
      %dma_wait3A_83 = arith.constant 0 : i32
      %dma_wait3A_84 = tpu.memref_slice %arg8[%dma_wait3A_83] : memref<10240xf32, #tpu.memory_space<vmem_shared>> -> memref<10240xf32, #tpu.memory_space<vmem_shared>>
      tpu.wait_indirect_dma semaphore(%arg9 : memref<!tpu.dma_semaphore, #tpu.memory_space<semaphore_mem>>) src(%arg7 : memref<128xf32, #tpu.memory_space<vmem>>) dst(%dma_wait3A_84 : memref<10240xf32, #tpu.memory_space<vmem_shared>>)
      %add3A_85 = arith.constant 2 : i32
      %add3A_86 = arith.addi %add3A_79, %add3A_85 : i32
      %dma_start3A_87 = arith.constant 0 : i32
      %dma_start3A_88 = tpu.memref_slice %arg6[%add3A_86, %dma_start3A_87] : memref<80x128xi32, #tpu.memory_space<vmem>> -> memref<1x128xi32, #tpu.memory_space<vmem>>
      %dma_start3A_89 = tpu.memref_squeeze %dma_start3A_88 : memref<1x128xi32, #tpu.memory_space<vmem>> -> memref<128xi32, #tpu.memory_space<vmem>>
      %dma_start3A_90 = arith.constant 0 : i32
      %dma_start3A_91 = tpu.memref_slice %arg8[%dma_start3A_90] : memref<10240xf32, #tpu.memory_space<vmem_shared>> -> memref<10240xf32, #tpu.memory_space<vmem_shared>>
      tpu.enqueue_indirect_dma source(%arg7 : memref<128xf32, #tpu.memory_space<vmem>>) target(%dma_start3A_91 : memref<10240xf32, #tpu.memory_space<vmem_shared>>) offsets(%dma_start3A_89 : memref<128xi32, #tpu.memory_space<vmem>>) semaphore(%arg9 : memref<!tpu.dma_semaphore, #tpu.memory_space<semaphore_mem>>) {add = true}
      %mul3A_92 = arith.constant 2 : i32
      %mul3A_93 = arith.muli %mul3A_92, %scan3A_75 : i32
      %add3A_94 = arith.constant 1 : i32
      %add3A_95 = arith.addi %mul3A_93, %add3A_94 : i32
      %dma_wait3A_96 = arith.constant 0 : i32
      %dma_wait3A_97 = tpu.memref_slice %arg6[%add3A_95, %dma_wait3A_96] : memref<80x128xi32, #tpu.memory_space<vmem>> -> memref<1x128xi32, #tpu.memory_space<vmem>>
      %dma_wait3A_98 = tpu.memref_squeeze %dma_wait3A_97 : memref<1x128xi32, #tpu.memory_space<vmem>> -> memref<128xi32, #tpu.memory_space<vmem>>
      %dma_wait3A_99 = arith.constant 0 : i32
      %dma_wait3A_100 = tpu.memref_slice %arg8[%dma_wait3A_99] : memref<10240xf32, #tpu.memory_space<vmem_shared>> -> memref<10240xf32, #tpu.memory_space<vmem_shared>>
      tpu.wait_indirect_dma semaphore(%arg10 : memref<!tpu.dma_semaphore, #tpu.memory_space<semaphore_mem>>) src(%arg7 : memref<128xf32, #tpu.memory_space<vmem>>) dst(%dma_wait3A_100 : memref<10240xf32, #tpu.memory_space<vmem_shared>>)
      %add3A_101 = arith.constant 2 : i32
      %add3A_102 = arith.addi %add3A_95, %add3A_101 : i32
      %dma_start3A_103 = arith.constant 0 : i32
      %dma_start3A_104 = tpu.memref_slice %arg6[%add3A_102, %dma_start3A_103] : memref<80x128xi32, #tpu.memory_space<vmem>> -> memref<1x128xi32, #tpu.memory_space<vmem>>
      %dma_start3A_105 = tpu.memref_squeeze %dma_start3A_104 : memref<1x128xi32, #tpu.memory_space<vmem>> -> memref<128xi32, #tpu.memory_space<vmem>>
      %dma_start3A_106 = arith.constant 0 : i32
      %dma_start3A_107 = tpu.memref_slice %arg8[%dma_start3A_106] : memref<10240xf32, #tpu.memory_space<vmem_shared>> -> memref<10240xf32, #tpu.memory_space<vmem_shared>>
      tpu.enqueue_indirect_dma source(%arg7 : memref<128xf32, #tpu.memory_space<vmem>>) target(%dma_start3A_107 : memref<10240xf32, #tpu.memory_space<vmem_shared>>) offsets(%dma_start3A_105 : memref<128xi32, #tpu.memory_space<vmem>>) semaphore(%arg10 : memref<!tpu.dma_semaphore, #tpu.memory_space<semaphore_mem>>) {add = true}
    }
    %scan3A_52 = arith.constant 39 : i32
    %dma_wait3A = arith.constant 78 : i32
    %dma_wait3A_53 = arith.constant 0 : i32
    %dma_wait3A_54 = tpu.memref_slice %arg6[%dma_wait3A, %dma_wait3A_53] : memref<80x128xi32, #tpu.memory_space<vmem>> -> memref<1x128xi32, #tpu.memory_space<vmem>>
    %dma_wait3A_55 = tpu.memref_squeeze %dma_wait3A_54 : memref<1x128xi32, #tpu.memory_space<vmem>> -> memref<128xi32, #tpu.memory_space<vmem>>
    %dma_wait3A_56 = arith.constant 0 : i32
    %dma_wait3A_57 = tpu.memref_slice %arg8[%dma_wait3A_56] : memref<10240xf32, #tpu.memory_space<vmem_shared>> -> memref<10240xf32, #tpu.memory_space<vmem_shared>>
    tpu.wait_indirect_dma semaphore(%arg9 : memref<!tpu.dma_semaphore, #tpu.memory_space<semaphore_mem>>) src(%arg7 : memref<128xf32, #tpu.memory_space<vmem>>) dst(%dma_wait3A_57 : memref<10240xf32, #tpu.memory_space<vmem_shared>>)
    %dma_wait3A_58 = arith.constant 79 : i32
    %dma_wait3A_59 = arith.constant 0 : i32
    %dma_wait3A_60 = tpu.memref_slice %arg6[%dma_wait3A_58, %dma_wait3A_59] : memref<80x128xi32, #tpu.memory_space<vmem>> -> memref<1x128xi32, #tpu.memory_space<vmem>>
    %dma_wait3A_61 = tpu.memref_squeeze %dma_wait3A_60 : memref<1x128xi32, #tpu.memory_space<vmem>> -> memref<128xi32, #tpu.memory_space<vmem>>
    %dma_wait3A_62 = arith.constant 0 : i32
    %dma_wait3A_63 = tpu.memref_slice %arg8[%dma_wait3A_62] : memref<10240xf32, #tpu.memory_space<vmem_shared>> -> memref<10240xf32, #tpu.memory_space<vmem_shared>>
    tpu.wait_indirect_dma semaphore(%arg10 : memref<!tpu.dma_semaphore, #tpu.memory_space<semaphore_mem>>) src(%arg7 : memref<128xf32, #tpu.memory_space<vmem>>) dst(%dma_wait3A_63 : memref<10240xf32, #tpu.memory_space<vmem_shared>>)
    %barrier3A_64 = arith.constant 0 : index
    tpu.barrier barrier_id(%barrier3A_64)
    %eq3A_65 = arith.constant 0 : i32
    %eq3A_66 = arith.cmpi eq, %arg0, %eq3A_65 : i32
    %convert_element_type3A_67 = arith.extui %eq3A_66 : i1 to i32
    %cond3A_68 = arith.constant 0 : i32
    %cond3A_69 = arith.cmpi ne, %convert_element_type3A_67, %cond3A_68 : i32
    scf.if %cond3A_69 {
      %mul3A_75 = arith.constant 640 : i32
      %mul3A_76 = arith.muli %arg1, %mul3A_75 : i32
      %mul3A_77 = arith.constant 640 : i32
      %mul3A_78 = arith.muli %arg1, %mul3A_77 : i32
      "tpu.region"() ({
        %run_scoped3A = tpu.sem_alloc : memref<!tpu.dma_semaphore, #tpu.memory_space<semaphore_mem>>
        %dma_start3A_79 = tpu.memref_slice %arg4[%mul3A_78] : memref<10240xf32, #tpu.memory_space<hbm>> -> memref<640xf32, #tpu.memory_space<hbm>>
        %dma_start3A_80 = tpu.memref_slice %arg8[%mul3A_76] : memref<10240xf32, #tpu.memory_space<vmem_shared>> -> memref<640xf32, #tpu.memory_space<vmem_shared>>
        tpu.enqueue_dma source(%dma_start3A_80 : memref<640xf32, #tpu.memory_space<vmem_shared>>) target(%dma_start3A_79 : memref<640xf32, #tpu.memory_space<hbm>>) target_semaphore(%run_scoped3A : memref<!tpu.dma_semaphore, #tpu.memory_space<semaphore_mem>>)
        %dma_wait3A_81 = tpu.memref_slice %arg4[%mul3A_78] : memref<10240xf32, #tpu.memory_space<hbm>> -> memref<640xf32, #tpu.memory_space<hbm>>
        %dma_wait3A_82 = tpu.memref_slice %arg8[%mul3A_76] : memref<10240xf32, #tpu.memory_space<vmem_shared>> -> memref<640xf32, #tpu.memory_space<vmem_shared>>
        tpu.wait_dma2 semaphore(%run_scoped3A : memref<!tpu.dma_semaphore, #tpu.memory_space<semaphore_mem>>) src(%dma_wait3A_82 : memref<640xf32, #tpu.memory_space<vmem_shared>>) dst(%dma_wait3A_81 : memref<640xf32, #tpu.memory_space<hbm>>)
        tpu.yield
      }) : () -> ()
    } else {
    }
    %eq3A_70 = arith.constant 1 : i32
    %eq3A_71 = arith.cmpi eq, %arg0, %eq3A_70 : i32
    %convert_element_type3A_72 = arith.extui %eq3A_71 : i1 to i32
    %cond3A_73 = arith.constant 0 : i32
    %cond3A_74 = arith.cmpi ne, %convert_element_type3A_72, %cond3A_73 : i32
    scf.if %cond3A_74 {
      %mul3A_75 = arith.constant 640 : i32
      %mul3A_76 = arith.muli %arg1, %mul3A_75 : i32
      %mul3A_77 = arith.constant 640 : i32
      %mul3A_78 = arith.muli %arg1, %mul3A_77 : i32
      "tpu.region"() ({
        %run_scoped3A = tpu.sem_alloc : memref<!tpu.dma_semaphore, #tpu.memory_space<semaphore_mem>>
        %dma_start3A_79 = tpu.memref_slice %arg5[%mul3A_78] : memref<10240xf32, #tpu.memory_space<hbm>> -> memref<640xf32, #tpu.memory_space<hbm>>
        %dma_start3A_80 = tpu.memref_slice %arg8[%mul3A_76] : memref<10240xf32, #tpu.memory_space<vmem_shared>> -> memref<640xf32, #tpu.memory_space<vmem_shared>>
        tpu.enqueue_dma source(%dma_start3A_80 : memref<640xf32, #tpu.memory_space<vmem_shared>>) target(%dma_start3A_79 : memref<640xf32, #tpu.memory_space<hbm>>) target_semaphore(%run_scoped3A : memref<!tpu.dma_semaphore, #tpu.memory_space<semaphore_mem>>)
        %dma_wait3A_81 = tpu.memref_slice %arg5[%mul3A_78] : memref<10240xf32, #tpu.memory_space<hbm>> -> memref<640xf32, #tpu.memory_space<hbm>>
        %dma_wait3A_82 = tpu.memref_slice %arg8[%mul3A_76] : memref<10240xf32, #tpu.memory_space<vmem_shared>> -> memref<640xf32, #tpu.memory_space<vmem_shared>>
        tpu.wait_dma2 semaphore(%run_scoped3A : memref<!tpu.dma_semaphore, #tpu.memory_space<semaphore_mem>>) src(%dma_wait3A_82 : memref<640xf32, #tpu.memory_space<vmem_shared>>) dst(%dma_wait3A_81 : memref<640xf32, #tpu.memory_space<hbm>>)
        tpu.yield
      }) : () -> ()
    } else {
    }
    return
  }
}

#map = affine_map<(d0, d1) -> (0, 0)>
#map1 = affine_map<(d0, d1) -> (0)>
#map2 = affine_map<(d0, d1) -> (0, 0, 0)>
module attributes {stable_mosaic.version = 14 : i64} {
  func.func @_att_sc(%arg0: i32, %arg1: i32, %arg2: memref<10000x128xf32, #tpu.memory_space<hbm>>, %arg3: memref<10000xf32, #tpu.memory_space<hbm>>, %arg4: memref<2560x128xi32, #tpu.memory_space<hbm>>, %arg5: memref<2560x128xi32, #tpu.memory_space<hbm>>, %arg6: memref<10016x128xf32, #tpu.memory_space<hbm>>, %arg7: memref<10240xf32, #tpu.memory_space<hbm>>, %arg8: memref<2x10000x128xf32, #tpu.memory_space<hbm>>, %arg9: memref<10240xf32, #tpu.memory_space<hbm>>, %arg10: memref<10240xf32, #tpu.memory_space<hbm>>, %arg11: memref<40x128xi32, #tpu.memory_space<vmem>>, %arg12: memref<40x128xi32, #tpu.memory_space<vmem>>, %arg13: memref<128x128xf32, #tpu.memory_space<vmem>>, %arg14: memref<128x128xf32, #tpu.memory_space<vmem>>, %arg15: memref<128xf32, #tpu.memory_space<vmem>>, %arg16: memref<128xf32, #tpu.memory_space<vmem>>, %arg17: memref<10016x128xf32, #tpu.memory_space<vmem_shared>>, %arg18: memref<10240xf32, #tpu.memory_space<vmem_shared>>, %arg19: memref<!tpu.dma_semaphore, #tpu.memory_space<semaphore_mem>>, %arg20: memref<!tpu.dma_semaphore, #tpu.memory_space<semaphore_mem>>, %arg21: memref<!tpu.dma_semaphore, #tpu.memory_space<semaphore_mem>>, %arg22: memref<!tpu.dma_semaphore, #tpu.memory_space<semaphore_mem>>, %arg23: memref<!tpu.dma_semaphore, #tpu.memory_space<semaphore_mem>>, %arg24: memref<!tpu.dma_semaphore, #tpu.memory_space<semaphore_mem>>, %arg25: memref<!tpu.dma_semaphore, #tpu.memory_space<semaphore_mem>>, %arg26: memref<!tpu.dma_semaphore, #tpu.memory_space<semaphore_mem>>) attributes {dimension_semantics = [#tpu.dimension_semantics<core_parallel>, #tpu.dimension_semantics<subcore_parallel>], iteration_bounds = array<i64: 2, 16>, scalar_prefetch = 0 : i64, scratch_operands = 16 : i64, tpu.core_type = #tpu.core_type<sc_vector_subcore>, window_params = [{transform_indices = #map}, {transform_indices = #map1}, {transform_indices = #map}, {transform_indices = #map}, {transform_indices = #map}, {transform_indices = #map1}, {transform_indices = #map2}, {transform_indices = #map1}, {transform_indices = #map1}]} {
    %mul3A = arith.constant 16 : i32
    %mul3A_0 = arith.muli %arg0, %mul3A : i32
    %add3A = arith.addi %mul3A_0, %arg1 : i32
    %eq3A = arith.constant 0 : i32
    %eq3A_1 = arith.cmpi eq, %arg1, %eq3A : i32
    %convert_element_type3A = arith.extui %eq3A_1 : i1 to i32
    %cond3A = arith.constant 0 : i32
    %cond3A_2 = arith.cmpi ne, %convert_element_type3A, %cond3A : i32
    scf.if %cond3A_2 {
      "tpu.region"() ({
        %run_scoped3A = tpu.sem_alloc : memref<!tpu.dma_semaphore, #tpu.memory_space<semaphore_mem>>
        tpu.enqueue_dma source(%arg6 : memref<10016x128xf32, #tpu.memory_space<hbm>>) target(%arg17 : memref<10016x128xf32, #tpu.memory_space<vmem_shared>>) target_semaphore(%run_scoped3A : memref<!tpu.dma_semaphore, #tpu.memory_space<semaphore_mem>>)
        tpu.wait_dma2 semaphore(%run_scoped3A : memref<!tpu.dma_semaphore, #tpu.memory_space<semaphore_mem>>) src(%arg6 : memref<10016x128xf32, #tpu.memory_space<hbm>>) dst(%arg17 : memref<10016x128xf32, #tpu.memory_space<vmem_shared>>)
        tpu.yield
      }) : () -> ()
      "tpu.region"() ({
        %run_scoped3A = tpu.sem_alloc : memref<!tpu.dma_semaphore, #tpu.memory_space<semaphore_mem>>
        tpu.enqueue_dma source(%arg7 : memref<10240xf32, #tpu.memory_space<hbm>>) target(%arg18 : memref<10240xf32, #tpu.memory_space<vmem_shared>>) target_semaphore(%run_scoped3A : memref<!tpu.dma_semaphore, #tpu.memory_space<semaphore_mem>>)
        tpu.wait_dma2 semaphore(%run_scoped3A : memref<!tpu.dma_semaphore, #tpu.memory_space<semaphore_mem>>) src(%arg7 : memref<10240xf32, #tpu.memory_space<hbm>>) dst(%arg18 : memref<10240xf32, #tpu.memory_space<vmem_shared>>)
        tpu.yield
      }) : () -> ()
    } else {
    }
    %barrier3A = arith.constant 0 : index
    tpu.barrier barrier_id(%barrier3A)
    %scan3A = arith.constant 0 : i32
    %scan3A_3 = arith.constant 0 : i32
    %scan3A_4 = arith.constant 2 : i32
    %scan3A_5 = arith.addi %scan3A_3, %scan3A_4 : i32
    %scan3A_6 = arith.constant 1 : i32
    scf.for %scan3A_28 = %scan3A_3 to %scan3A_5 step %scan3A_6  : i32 {
      %mul3A_29 = arith.constant 80 : i32
      %mul3A_30 = arith.muli %add3A, %mul3A_29 : i32
      %mul3A_31 = arith.constant 40 : i32
      %mul3A_32 = arith.muli %scan3A_28, %mul3A_31 : i32
      %add3A_33 = arith.addi %mul3A_30, %mul3A_32 : i32
      "tpu.region"() ({
        %run_scoped3A = tpu.sem_alloc : memref<!tpu.dma_semaphore, #tpu.memory_space<semaphore_mem>>
        %dma_start3A_142 = arith.constant 0 : i32
        %dma_start3A_143 = tpu.memref_slice %arg4[%add3A_33, %dma_start3A_142] : memref<2560x128xi32, #tpu.memory_space<hbm>> -> memref<40x128xi32, #tpu.memory_space<hbm>>
        %dma_start3A_144 = arith.constant 0 : i32
        %dma_start3A_145 = tpu.memref_slice %arg4[%add3A_33, %dma_start3A_144] : memref<2560x128xi32, #tpu.memory_space<hbm>> -> memref<40x128xi32, #tpu.memory_space<hbm>>
        tpu.enqueue_dma source(%dma_start3A_145 : memref<40x128xi32, #tpu.memory_space<hbm>>) target(%arg11 : memref<40x128xi32, #tpu.memory_space<vmem>>) target_semaphore(%run_scoped3A : memref<!tpu.dma_semaphore, #tpu.memory_space<semaphore_mem>>)
        %dma_wait3A_146 = arith.constant 0 : i32
        %dma_wait3A_147 = tpu.memref_slice %arg4[%add3A_33, %dma_wait3A_146] : memref<2560x128xi32, #tpu.memory_space<hbm>> -> memref<40x128xi32, #tpu.memory_space<hbm>>
        %dma_wait3A_148 = arith.constant 0 : i32
        %dma_wait3A_149 = tpu.memref_slice %arg4[%add3A_33, %dma_wait3A_148] : memref<2560x128xi32, #tpu.memory_space<hbm>> -> memref<40x128xi32, #tpu.memory_space<hbm>>
        tpu.wait_dma2 semaphore(%run_scoped3A : memref<!tpu.dma_semaphore, #tpu.memory_space<semaphore_mem>>) src(%dma_wait3A_149 : memref<40x128xi32, #tpu.memory_space<hbm>>) dst(%arg11 : memref<40x128xi32, #tpu.memory_space<vmem>>)
        tpu.yield
      }) : () -> ()
      "tpu.region"() ({
        %run_scoped3A = tpu.sem_alloc : memref<!tpu.dma_semaphore, #tpu.memory_space<semaphore_mem>>
        %dma_start3A_142 = arith.constant 0 : i32
        %dma_start3A_143 = tpu.memref_slice %arg5[%add3A_33, %dma_start3A_142] : memref<2560x128xi32, #tpu.memory_space<hbm>> -> memref<40x128xi32, #tpu.memory_space<hbm>>
        %dma_start3A_144 = arith.constant 0 : i32
        %dma_start3A_145 = tpu.memref_slice %arg5[%add3A_33, %dma_start3A_144] : memref<2560x128xi32, #tpu.memory_space<hbm>> -> memref<40x128xi32, #tpu.memory_space<hbm>>
        tpu.enqueue_dma source(%dma_start3A_145 : memref<40x128xi32, #tpu.memory_space<hbm>>) target(%arg12 : memref<40x128xi32, #tpu.memory_space<vmem>>) target_semaphore(%run_scoped3A : memref<!tpu.dma_semaphore, #tpu.memory_space<semaphore_mem>>)
        %dma_wait3A_146 = arith.constant 0 : i32
        %dma_wait3A_147 = tpu.memref_slice %arg5[%add3A_33, %dma_wait3A_146] : memref<2560x128xi32, #tpu.memory_space<hbm>> -> memref<40x128xi32, #tpu.memory_space<hbm>>
        %dma_wait3A_148 = arith.constant 0 : i32
        %dma_wait3A_149 = tpu.memref_slice %arg5[%add3A_33, %dma_wait3A_148] : memref<2560x128xi32, #tpu.memory_space<hbm>> -> memref<40x128xi32, #tpu.memory_space<hbm>>
        tpu.wait_dma2 semaphore(%run_scoped3A : memref<!tpu.dma_semaphore, #tpu.memory_space<semaphore_mem>>) src(%dma_wait3A_149 : memref<40x128xi32, #tpu.memory_space<hbm>>) dst(%arg12 : memref<40x128xi32, #tpu.memory_space<vmem>>)
        tpu.yield
      }) : () -> ()
      %dma_start3A = arith.constant 0 : i32
      %dma_start3A_34 = arith.constant 0 : i32
      %dma_start3A_35 = tpu.memref_slice %arg11[%dma_start3A, %dma_start3A_34] : memref<40x128xi32, #tpu.memory_space<vmem>> -> memref<1x128xi32, #tpu.memory_space<vmem>>
      %dma_start3A_36 = tpu.memref_squeeze %dma_start3A_35 : memref<1x128xi32, #tpu.memory_space<vmem>> -> memref<128xi32, #tpu.memory_space<vmem>>
      %dma_start3A_37 = arith.constant 0 : i32
      %dma_start3A_38 = arith.constant 0 : i32
      %dma_start3A_39 = tpu.memref_slice %arg2[%dma_start3A_37, %dma_start3A_38] : memref<10000x128xf32, #tpu.memory_space<hbm>> -> memref<10000x128xf32, #tpu.memory_space<hbm>>
      tpu.enqueue_indirect_dma source(%dma_start3A_39 : memref<10000x128xf32, #tpu.memory_space<hbm>>) target(%arg13 : memref<128x128xf32, #tpu.memory_space<vmem>>) offsets(%dma_start3A_36 : memref<128xi32, #tpu.memory_space<vmem>>) semaphore(%arg19 : memref<!tpu.dma_semaphore, #tpu.memory_space<semaphore_mem>>)
      %dma_start3A_40 = arith.constant 0 : i32
      %dma_start3A_41 = arith.constant 0 : i32
      %dma_start3A_42 = tpu.memref_slice %arg11[%dma_start3A_40, %dma_start3A_41] : memref<40x128xi32, #tpu.memory_space<vmem>> -> memref<1x128xi32, #tpu.memory_space<vmem>>
      %dma_start3A_43 = tpu.memref_squeeze %dma_start3A_42 : memref<1x128xi32, #tpu.memory_space<vmem>> -> memref<128xi32, #tpu.memory_space<vmem>>
      %dma_start3A_44 = arith.constant 0 : i32
      %dma_start3A_45 = tpu.memref_slice %arg3[%dma_start3A_44] : memref<10000xf32, #tpu.memory_space<hbm>> -> memref<10000xf32, #tpu.memory_space<hbm>>
      tpu.enqueue_indirect_dma source(%dma_start3A_45 : memref<10000xf32, #tpu.memory_space<hbm>>) target(%arg15 : memref<128xf32, #tpu.memory_space<vmem>>) offsets(%dma_start3A_43 : memref<128xi32, #tpu.memory_space<vmem>>) semaphore(%arg23 : memref<!tpu.dma_semaphore, #tpu.memory_space<semaphore_mem>>)
      %dma_start3A_46 = arith.constant 1 : i32
      %dma_start3A_47 = arith.constant 0 : i32
      %dma_start3A_48 = tpu.memref_slice %arg11[%dma_start3A_46, %dma_start3A_47] : memref<40x128xi32, #tpu.memory_space<vmem>> -> memref<1x128xi32, #tpu.memory_space<vmem>>
      %dma_start3A_49 = tpu.memref_squeeze %dma_start3A_48 : memref<1x128xi32, #tpu.memory_space<vmem>> -> memref<128xi32, #tpu.memory_space<vmem>>
      %dma_start3A_50 = arith.constant 0 : i32
      %dma_start3A_51 = arith.constant 0 : i32
      %dma_start3A_52 = tpu.memref_slice %arg2[%dma_start3A_50, %dma_start3A_51] : memref<10000x128xf32, #tpu.memory_space<hbm>> -> memref<10000x128xf32, #tpu.memory_space<hbm>>
      tpu.enqueue_indirect_dma source(%dma_start3A_52 : memref<10000x128xf32, #tpu.memory_space<hbm>>) target(%arg14 : memref<128x128xf32, #tpu.memory_space<vmem>>) offsets(%dma_start3A_49 : memref<128xi32, #tpu.memory_space<vmem>>) semaphore(%arg20 : memref<!tpu.dma_semaphore, #tpu.memory_space<semaphore_mem>>)
      %dma_start3A_53 = arith.constant 1 : i32
      %dma_start3A_54 = arith.constant 0 : i32
      %dma_start3A_55 = tpu.memref_slice %arg11[%dma_start3A_53, %dma_start3A_54] : memref<40x128xi32, #tpu.memory_space<vmem>> -> memref<1x128xi32, #tpu.memory_space<vmem>>
      %dma_start3A_56 = tpu.memref_squeeze %dma_start3A_55 : memref<1x128xi32, #tpu.memory_space<vmem>> -> memref<128xi32, #tpu.memory_space<vmem>>
      %dma_start3A_57 = arith.constant 0 : i32
      %dma_start3A_58 = tpu.memref_slice %arg3[%dma_start3A_57] : memref<10000xf32, #tpu.memory_space<hbm>> -> memref<10000xf32, #tpu.memory_space<hbm>>
      tpu.enqueue_indirect_dma source(%dma_start3A_58 : memref<10000xf32, #tpu.memory_space<hbm>>) target(%arg16 : memref<128xf32, #tpu.memory_space<vmem>>) offsets(%dma_start3A_56 : memref<128xi32, #tpu.memory_space<vmem>>) semaphore(%arg24 : memref<!tpu.dma_semaphore, #tpu.memory_space<semaphore_mem>>)
      %scan3A_59 = arith.constant 0 : i32
      %scan3A_60 = arith.constant 0 : i32
      %scan3A_61 = arith.constant 19 : i32
      %scan3A_62 = arith.addi %scan3A_60, %scan3A_61 : i32
      %scan3A_63 = arith.constant 1 : i32
      scf.for %scan3A_142 = %scan3A_60 to %scan3A_62 step %scan3A_63  : i32 {
        %mul3A_143 = arith.constant 2 : i32
        %mul3A_144 = arith.muli %mul3A_143, %scan3A_142 : i32
        %add3A_145 = arith.constant 0 : i32
        %add3A_146 = arith.addi %mul3A_144, %add3A_145 : i32
        %dma_wait3A_147 = arith.constant 0 : i32
        %dma_wait3A_148 = tpu.memref_slice %arg11[%add3A_146, %dma_wait3A_147] : memref<40x128xi32, #tpu.memory_space<vmem>> -> memref<1x128xi32, #tpu.memory_space<vmem>>
        %dma_wait3A_149 = tpu.memref_squeeze %dma_wait3A_148 : memref<1x128xi32, #tpu.memory_space<vmem>> -> memref<128xi32, #tpu.memory_space<vmem>>
        %dma_wait3A_150 = arith.constant 0 : i32
        %dma_wait3A_151 = arith.constant 0 : i32
        %dma_wait3A_152 = tpu.memref_slice %arg2[%dma_wait3A_150, %dma_wait3A_151] : memref<10000x128xf32, #tpu.memory_space<hbm>> -> memref<10000x128xf32, #tpu.memory_space<hbm>>
        tpu.wait_indirect_dma semaphore(%arg19 : memref<!tpu.dma_semaphore, #tpu.memory_space<semaphore_mem>>) src(%dma_wait3A_152 : memref<10000x128xf32, #tpu.memory_space<hbm>>) dst(%arg13 : memref<128x128xf32, #tpu.memory_space<vmem>>)
        %dma_wait3A_153 = arith.constant 0 : i32
        %dma_wait3A_154 = tpu.memref_slice %arg11[%add3A_146, %dma_wait3A_153] : memref<40x128xi32, #tpu.memory_space<vmem>> -> memref<1x128xi32, #tpu.memory_space<vmem>>
        %dma_wait3A_155 = tpu.memref_squeeze %dma_wait3A_154 : memref<1x128xi32, #tpu.memory_space<vmem>> -> memref<128xi32, #tpu.memory_space<vmem>>
        %dma_wait3A_156 = arith.constant 0 : i32
        %dma_wait3A_157 = tpu.memref_slice %arg3[%dma_wait3A_156] : memref<10000xf32, #tpu.memory_space<hbm>> -> memref<10000xf32, #tpu.memory_space<hbm>>
        tpu.wait_indirect_dma semaphore(%arg23 : memref<!tpu.dma_semaphore, #tpu.memory_space<semaphore_mem>>) src(%dma_wait3A_157 : memref<10000xf32, #tpu.memory_space<hbm>>) dst(%arg15 : memref<128xf32, #tpu.memory_space<vmem>>)
        %dma_start3A_158 = arith.constant 0 : i32
        %dma_start3A_159 = tpu.memref_slice %arg12[%add3A_146, %dma_start3A_158] : memref<40x128xi32, #tpu.memory_space<vmem>> -> memref<1x128xi32, #tpu.memory_space<vmem>>
        %dma_start3A_160 = tpu.memref_squeeze %dma_start3A_159 : memref<1x128xi32, #tpu.memory_space<vmem>> -> memref<128xi32, #tpu.memory_space<vmem>>
        %dma_start3A_161 = arith.constant 0 : i32
        %dma_start3A_162 = arith.constant 0 : i32
        %dma_start3A_163 = tpu.memref_slice %arg17[%dma_start3A_161, %dma_start3A_162] : memref<10016x128xf32, #tpu.memory_space<vmem_shared>> -> memref<10016x128xf32, #tpu.memory_space<vmem_shared>>
        tpu.enqueue_indirect_dma source(%arg13 : memref<128x128xf32, #tpu.memory_space<vmem>>) target(%dma_start3A_163 : memref<10016x128xf32, #tpu.memory_space<vmem_shared>>) offsets(%dma_start3A_160 : memref<128xi32, #tpu.memory_space<vmem>>) semaphore(%arg21 : memref<!tpu.dma_semaphore, #tpu.memory_space<semaphore_mem>>) {add = true}
        %dma_start3A_164 = arith.constant 0 : i32
        %dma_start3A_165 = tpu.memref_slice %arg12[%add3A_146, %dma_start3A_164] : memref<40x128xi32, #tpu.memory_space<vmem>> -> memref<1x128xi32, #tpu.memory_space<vmem>>
        %dma_start3A_166 = tpu.memref_squeeze %dma_start3A_165 : memref<1x128xi32, #tpu.memory_space<vmem>> -> memref<128xi32, #tpu.memory_space<vmem>>
        %dma_start3A_167 = arith.constant 0 : i32
        %dma_start3A_168 = tpu.memref_slice %arg18[%dma_start3A_167] : memref<10240xf32, #tpu.memory_space<vmem_shared>> -> memref<10240xf32, #tpu.memory_space<vmem_shared>>
        tpu.enqueue_indirect_dma source(%arg15 : memref<128xf32, #tpu.memory_space<vmem>>) target(%dma_start3A_168 : memref<10240xf32, #tpu.memory_space<vmem_shared>>) offsets(%dma_start3A_166 : memref<128xi32, #tpu.memory_space<vmem>>) semaphore(%arg25 : memref<!tpu.dma_semaphore, #tpu.memory_space<semaphore_mem>>) {add = true}
        %mul3A_169 = arith.constant 2 : i32
        %mul3A_170 = arith.muli %mul3A_169, %scan3A_142 : i32
        %add3A_171 = arith.constant 1 : i32
        %add3A_172 = arith.addi %mul3A_170, %add3A_171 : i32
        %dma_wait3A_173 = arith.constant 0 : i32
        %dma_wait3A_174 = tpu.memref_slice %arg11[%add3A_172, %dma_wait3A_173] : memref<40x128xi32, #tpu.memory_space<vmem>> -> memref<1x128xi32, #tpu.memory_space<vmem>>
        %dma_wait3A_175 = tpu.memref_squeeze %dma_wait3A_174 : memref<1x128xi32, #tpu.memory_space<vmem>> -> memref<128xi32, #tpu.memory_space<vmem>>
        %dma_wait3A_176 = arith.constant 0 : i32
        %dma_wait3A_177 = arith.constant 0 : i32
        %dma_wait3A_178 = tpu.memref_slice %arg2[%dma_wait3A_176, %dma_wait3A_177] : memref<10000x128xf32, #tpu.memory_space<hbm>> -> memref<10000x128xf32, #tpu.memory_space<hbm>>
        tpu.wait_indirect_dma semaphore(%arg20 : memref<!tpu.dma_semaphore, #tpu.memory_space<semaphore_mem>>) src(%dma_wait3A_178 : memref<10000x128xf32, #tpu.memory_space<hbm>>) dst(%arg14 : memref<128x128xf32, #tpu.memory_space<vmem>>)
        %dma_wait3A_179 = arith.constant 0 : i32
        %dma_wait3A_180 = tpu.memref_slice %arg11[%add3A_172, %dma_wait3A_179] : memref<40x128xi32, #tpu.memory_space<vmem>> -> memref<1x128xi32, #tpu.memory_space<vmem>>
        %dma_wait3A_181 = tpu.memref_squeeze %dma_wait3A_180 : memref<1x128xi32, #tpu.memory_space<vmem>> -> memref<128xi32, #tpu.memory_space<vmem>>
        %dma_wait3A_182 = arith.constant 0 : i32
        %dma_wait3A_183 = tpu.memref_slice %arg3[%dma_wait3A_182] : memref<10000xf32, #tpu.memory_space<hbm>> -> memref<10000xf32, #tpu.memory_space<hbm>>
        tpu.wait_indirect_dma semaphore(%arg24 : memref<!tpu.dma_semaphore, #tpu.memory_space<semaphore_mem>>) src(%dma_wait3A_183 : memref<10000xf32, #tpu.memory_space<hbm>>) dst(%arg16 : memref<128xf32, #tpu.memory_space<vmem>>)
        %dma_start3A_184 = arith.constant 0 : i32
        %dma_start3A_185 = tpu.memref_slice %arg12[%add3A_172, %dma_start3A_184] : memref<40x128xi32, #tpu.memory_space<vmem>> -> memref<1x128xi32, #tpu.memory_space<vmem>>
        %dma_start3A_186 = tpu.memref_squeeze %dma_start3A_185 : memref<1x128xi32, #tpu.memory_space<vmem>> -> memref<128xi32, #tpu.memory_space<vmem>>
        %dma_start3A_187 = arith.constant 0 : i32
        %dma_start3A_188 = arith.constant 0 : i32
        %dma_start3A_189 = tpu.memref_slice %arg17[%dma_start3A_187, %dma_start3A_188] : memref<10016x128xf32, #tpu.memory_space<vmem_shared>> -> memref<10016x128xf32, #tpu.memory_space<vmem_shared>>
        tpu.enqueue_indirect_dma source(%arg14 : memref<128x128xf32, #tpu.memory_space<vmem>>) target(%dma_start3A_189 : memref<10016x128xf32, #tpu.memory_space<vmem_shared>>) offsets(%dma_start3A_186 : memref<128xi32, #tpu.memory_space<vmem>>) semaphore(%arg22 : memref<!tpu.dma_semaphore, #tpu.memory_space<semaphore_mem>>) {add = true}
        %dma_start3A_190 = arith.constant 0 : i32
        %dma_start3A_191 = tpu.memref_slice %arg12[%add3A_172, %dma_start3A_190] : memref<40x128xi32, #tpu.memory_space<vmem>> -> memref<1x128xi32, #tpu.memory_space<vmem>>
        %dma_start3A_192 = tpu.memref_squeeze %dma_start3A_191 : memref<1x128xi32, #tpu.memory_space<vmem>> -> memref<128xi32, #tpu.memory_space<vmem>>
        %dma_start3A_193 = arith.constant 0 : i32
        %dma_start3A_194 = tpu.memref_slice %arg18[%dma_start3A_193] : memref<10240xf32, #tpu.memory_space<vmem_shared>> -> memref<10240xf32, #tpu.memory_space<vmem_shared>>
        tpu.enqueue_indirect_dma source(%arg16 : memref<128xf32, #tpu.memory_space<vmem>>) target(%dma_start3A_194 : memref<10240xf32, #tpu.memory_space<vmem_shared>>) offsets(%dma_start3A_192 : memref<128xi32, #tpu.memory_space<vmem>>) semaphore(%arg26 : memref<!tpu.dma_semaphore, #tpu.memory_space<semaphore_mem>>) {add = true}
        %mul3A_195 = arith.constant 2 : i32
        %mul3A_196 = arith.muli %mul3A_195, %scan3A_142 : i32
        %add3A_197 = arith.constant 0 : i32
        %add3A_198 = arith.addi %mul3A_196, %add3A_197 : i32
        %dma_wait3A_199 = arith.constant 0 : i32
        %dma_wait3A_200 = tpu.memref_slice %arg12[%add3A_198, %dma_wait3A_199] : memref<40x128xi32, #tpu.memory_space<vmem>> -> memref<1x128xi32, #tpu.memory_space<vmem>>
        %dma_wait3A_201 = tpu.memref_squeeze %dma_wait3A_200 : memref<1x128xi32, #tpu.memory_space<vmem>> -> memref<128xi32, #tpu.memory_space<vmem>>
        %dma_wait3A_202 = arith.constant 0 : i32
        %dma_wait3A_203 = arith.constant 0 : i32
        %dma_wait3A_204 = tpu.memref_slice %arg17[%dma_wait3A_202, %dma_wait3A_203] : memref<10016x128xf32, #tpu.memory_space<vmem_shared>> -> memref<10016x128xf32, #tpu.memory_space<vmem_shared>>
        tpu.wait_indirect_dma semaphore(%arg21 : memref<!tpu.dma_semaphore, #tpu.memory_space<semaphore_mem>>) src(%arg13 : memref<128x128xf32, #tpu.memory_space<vmem>>) dst(%dma_wait3A_204 : memref<10016x128xf32, #tpu.memory_space<vmem_shared>>)
        %dma_wait3A_205 = arith.constant 0 : i32
        %dma_wait3A_206 = tpu.memref_slice %arg12[%add3A_198, %dma_wait3A_205] : memref<40x128xi32, #tpu.memory_space<vmem>> -> memref<1x128xi32, #tpu.memory_space<vmem>>
        %dma_wait3A_207 = tpu.memref_squeeze %dma_wait3A_206 : memref<1x128xi32, #tpu.memory_space<vmem>> -> memref<128xi32, #tpu.memory_space<vmem>>
        %dma_wait3A_208 = arith.constant 0 : i32
        %dma_wait3A_209 = tpu.memref_slice %arg18[%dma_wait3A_208] : memref<10240xf32, #tpu.memory_space<vmem_shared>> -> memref<10240xf32, #tpu.memory_space<vmem_shared>>
        tpu.wait_indirect_dma semaphore(%arg25 : memref<!tpu.dma_semaphore, #tpu.memory_space<semaphore_mem>>) src(%arg15 : memref<128xf32, #tpu.memory_space<vmem>>) dst(%dma_wait3A_209 : memref<10240xf32, #tpu.memory_space<vmem_shared>>)
        %add3A_210 = arith.constant 2 : i32
        %add3A_211 = arith.addi %add3A_198, %add3A_210 : i32
        %dma_start3A_212 = arith.constant 0 : i32
        %dma_start3A_213 = tpu.memref_slice %arg11[%add3A_211, %dma_start3A_212] : memref<40x128xi32, #tpu.memory_space<vmem>> -> memref<1x128xi32, #tpu.memory_space<vmem>>
        %dma_start3A_214 = tpu.memref_squeeze %dma_start3A_213 : memref<1x128xi32, #tpu.memory_space<vmem>> -> memref<128xi32, #tpu.memory_space<vmem>>
        %dma_start3A_215 = arith.constant 0 : i32
        %dma_start3A_216 = arith.constant 0 : i32
        %dma_start3A_217 = tpu.memref_slice %arg2[%dma_start3A_215, %dma_start3A_216] : memref<10000x128xf32, #tpu.memory_space<hbm>> -> memref<10000x128xf32, #tpu.memory_space<hbm>>
        tpu.enqueue_indirect_dma source(%dma_start3A_217 : memref<10000x128xf32, #tpu.memory_space<hbm>>) target(%arg13 : memref<128x128xf32, #tpu.memory_space<vmem>>) offsets(%dma_start3A_214 : memref<128xi32, #tpu.memory_space<vmem>>) semaphore(%arg19 : memref<!tpu.dma_semaphore, #tpu.memory_space<semaphore_mem>>)
        %dma_start3A_218 = arith.constant 0 : i32
        %dma_start3A_219 = tpu.memref_slice %arg11[%add3A_211, %dma_start3A_218] : memref<40x128xi32, #tpu.memory_space<vmem>> -> memref<1x128xi32, #tpu.memory_space<vmem>>
        %dma_start3A_220 = tpu.memref_squeeze %dma_start3A_219 : memref<1x128xi32, #tpu.memory_space<vmem>> -> memref<128xi32, #tpu.memory_space<vmem>>
        %dma_start3A_221 = arith.constant 0 : i32
        %dma_start3A_222 = tpu.memref_slice %arg3[%dma_start3A_221] : memref<10000xf32, #tpu.memory_space<hbm>> -> memref<10000xf32, #tpu.memory_space<hbm>>
        tpu.enqueue_indirect_dma source(%dma_start3A_222 : memref<10000xf32, #tpu.memory_space<hbm>>) target(%arg15 : memref<128xf32, #tpu.memory_space<vmem>>) offsets(%dma_start3A_220 : memref<128xi32, #tpu.memory_space<vmem>>) semaphore(%arg23 : memref<!tpu.dma_semaphore, #tpu.memory_space<semaphore_mem>>)
        %mul3A_223 = arith.constant 2 : i32
        %mul3A_224 = arith.muli %mul3A_223, %scan3A_142 : i32
        %add3A_225 = arith.constant 1 : i32
        %add3A_226 = arith.addi %mul3A_224, %add3A_225 : i32
        %dma_wait3A_227 = arith.constant 0 : i32
        %dma_wait3A_228 = tpu.memref_slice %arg12[%add3A_226, %dma_wait3A_227] : memref<40x128xi32, #tpu.memory_space<vmem>> -> memref<1x128xi32, #tpu.memory_space<vmem>>
        %dma_wait3A_229 = tpu.memref_squeeze %dma_wait3A_228 : memref<1x128xi32, #tpu.memory_space<vmem>> -> memref<128xi32, #tpu.memory_space<vmem>>
        %dma_wait3A_230 = arith.constant 0 : i32
        %dma_wait3A_231 = arith.constant 0 : i32
        %dma_wait3A_232 = tpu.memref_slice %arg17[%dma_wait3A_230, %dma_wait3A_231] : memref<10016x128xf32, #tpu.memory_space<vmem_shared>> -> memref<10016x128xf32, #tpu.memory_space<vmem_shared>>
        tpu.wait_indirect_dma semaphore(%arg22 : memref<!tpu.dma_semaphore, #tpu.memory_space<semaphore_mem>>) src(%arg14 : memref<128x128xf32, #tpu.memory_space<vmem>>) dst(%dma_wait3A_232 : memref<10016x128xf32, #tpu.memory_space<vmem_shared>>)
        %dma_wait3A_233 = arith.constant 0 : i32
        %dma_wait3A_234 = tpu.memref_slice %arg12[%add3A_226, %dma_wait3A_233] : memref<40x128xi32, #tpu.memory_space<vmem>> -> memref<1x128xi32, #tpu.memory_space<vmem>>
        %dma_wait3A_235 = tpu.memref_squeeze %dma_wait3A_234 : memref<1x128xi32, #tpu.memory_space<vmem>> -> memref<128xi32, #tpu.memory_space<vmem>>
        %dma_wait3A_236 = arith.constant 0 : i32
        %dma_wait3A_237 = tpu.memref_slice %arg18[%dma_wait3A_236] : memref<10240xf32, #tpu.memory_space<vmem_shared>> -> memref<10240xf32, #tpu.memory_space<vmem_shared>>
        tpu.wait_indirect_dma semaphore(%arg26 : memref<!tpu.dma_semaphore, #tpu.memory_space<semaphore_mem>>) src(%arg16 : memref<128xf32, #tpu.memory_space<vmem>>) dst(%dma_wait3A_237 : memref<10240xf32, #tpu.memory_space<vmem_shared>>)
        %add3A_238 = arith.constant 2 : i32
        %add3A_239 = arith.addi %add3A_226, %add3A_238 : i32
        %dma_start3A_240 = arith.constant 0 : i32
        %dma_start3A_241 = tpu.memref_slice %arg11[%add3A_239, %dma_start3A_240] : memref<40x128xi32, #tpu.memory_space<vmem>> -> memref<1x128xi32, #tpu.memory_space<vmem>>
        %dma_start3A_242 = tpu.memref_squeeze %dma_start3A_241 : memref<1x128xi32, #tpu.memory_space<vmem>> -> memref<128xi32, #tpu.memory_space<vmem>>
        %dma_start3A_243 = arith.constant 0 : i32
        %dma_start3A_244 = arith.constant 0 : i32
        %dma_start3A_245 = tpu.memref_slice %arg2[%dma_start3A_243, %dma_start3A_244] : memref<10000x128xf32, #tpu.memory_space<hbm>> -> memref<10000x128xf32, #tpu.memory_space<hbm>>
        tpu.enqueue_indirect_dma source(%dma_start3A_245 : memref<10000x128xf32, #tpu.memory_space<hbm>>) target(%arg14 : memref<128x128xf32, #tpu.memory_space<vmem>>) offsets(%dma_start3A_242 : memref<128xi32, #tpu.memory_space<vmem>>) semaphore(%arg20 : memref<!tpu.dma_semaphore, #tpu.memory_space<semaphore_mem>>)
        %dma_start3A_246 = arith.constant 0 : i32
        %dma_start3A_247 = tpu.memref_slice %arg11[%add3A_239, %dma_start3A_246] : memref<40x128xi32, #tpu.memory_space<vmem>> -> memref<1x128xi32, #tpu.memory_space<vmem>>
        %dma_start3A_248 = tpu.memref_squeeze %dma_start3A_247 : memref<1x128xi32, #tpu.memory_space<vmem>> -> memref<128xi32, #tpu.memory_space<vmem>>
        %dma_start3A_249 = arith.constant 0 : i32
        %dma_start3A_250 = tpu.memref_slice %arg3[%dma_start3A_249] : memref<10000xf32, #tpu.memory_space<hbm>> -> memref<10000xf32, #tpu.memory_space<hbm>>
        tpu.enqueue_indirect_dma source(%dma_start3A_250 : memref<10000xf32, #tpu.memory_space<hbm>>) target(%arg16 : memref<128xf32, #tpu.memory_space<vmem>>) offsets(%dma_start3A_248 : memref<128xi32, #tpu.memory_space<vmem>>) semaphore(%arg24 : memref<!tpu.dma_semaphore, #tpu.memory_space<semaphore_mem>>)
      }
      %scan3A_64 = arith.constant 19 : i32
      %dma_wait3A = arith.constant 38 : i32
      %dma_wait3A_65 = arith.constant 0 : i32
      %dma_wait3A_66 = tpu.memref_slice %arg11[%dma_wait3A, %dma_wait3A_65] : memref<40x128xi32, #tpu.memory_space<vmem>> -> memref<1x128xi32, #tpu.memory_space<vmem>>
      %dma_wait3A_67 = tpu.memref_squeeze %dma_wait3A_66 : memref<1x128xi32, #tpu.memory_space<vmem>> -> memref<128xi32, #tpu.memory_space<vmem>>
      %dma_wait3A_68 = arith.constant 0 : i32
      %dma_wait3A_69 = arith.constant 0 : i32
      %dma_wait3A_70 = tpu.memref_slice %arg2[%dma_wait3A_68, %dma_wait3A_69] : memref<10000x128xf32, #tpu.memory_space<hbm>> -> memref<10000x128xf32, #tpu.memory_space<hbm>>
      tpu.wait_indirect_dma semaphore(%arg19 : memref<!tpu.dma_semaphore, #tpu.memory_space<semaphore_mem>>) src(%dma_wait3A_70 : memref<10000x128xf32, #tpu.memory_space<hbm>>) dst(%arg13 : memref<128x128xf32, #tpu.memory_space<vmem>>)
      %dma_wait3A_71 = arith.constant 38 : i32
      %dma_wait3A_72 = arith.constant 0 : i32
      %dma_wait3A_73 = tpu.memref_slice %arg11[%dma_wait3A_71, %dma_wait3A_72] : memref<40x128xi32, #tpu.memory_space<vmem>> -> memref<1x128xi32, #tpu.memory_space<vmem>>
      %dma_wait3A_74 = tpu.memref_squeeze %dma_wait3A_73 : memref<1x128xi32, #tpu.memory_space<vmem>> -> memref<128xi32, #tpu.memory_space<vmem>>
      %dma_wait3A_75 = arith.constant 0 : i32
      %dma_wait3A_76 = tpu.memref_slice %arg3[%dma_wait3A_75] : memref<10000xf32, #tpu.memory_space<hbm>> -> memref<10000xf32, #tpu.memory_space<hbm>>
      tpu.wait_indirect_dma semaphore(%arg23 : memref<!tpu.dma_semaphore, #tpu.memory_space<semaphore_mem>>) src(%dma_wait3A_76 : memref<10000xf32, #tpu.memory_space<hbm>>) dst(%arg15 : memref<128xf32, #tpu.memory_space<vmem>>)
      %dma_start3A_77 = arith.constant 38 : i32
      %dma_start3A_78 = arith.constant 0 : i32
      %dma_start3A_79 = tpu.memref_slice %arg12[%dma_start3A_77, %dma_start3A_78] : memref<40x128xi32, #tpu.memory_space<vmem>> -> memref<1x128xi32, #tpu.memory_space<vmem>>
      %dma_start3A_80 = tpu.memref_squeeze %dma_start3A_79 : memref<1x128xi32, #tpu.memory_space<vmem>> -> memref<128xi32, #tpu.memory_space<vmem>>
      %dma_start3A_81 = arith.constant 0 : i32
      %dma_start3A_82 = arith.constant 0 : i32
      %dma_start3A_83 = tpu.memref_slice %arg17[%dma_start3A_81, %dma_start3A_82] : memref<10016x128xf32, #tpu.memory_space<vmem_shared>> -> memref<10016x128xf32, #tpu.memory_space<vmem_shared>>
      tpu.enqueue_indirect_dma source(%arg13 : memref<128x128xf32, #tpu.memory_space<vmem>>) target(%dma_start3A_83 : memref<10016x128xf32, #tpu.memory_space<vmem_shared>>) offsets(%dma_start3A_80 : memref<128xi32, #tpu.memory_space<vmem>>) semaphore(%arg21 : memref<!tpu.dma_semaphore, #tpu.memory_space<semaphore_mem>>) {add = true}
      %dma_start3A_84 = arith.constant 38 : i32
      %dma_start3A_85 = arith.constant 0 : i32
      %dma_start3A_86 = tpu.memref_slice %arg12[%dma_start3A_84, %dma_start3A_85] : memref<40x128xi32, #tpu.memory_space<vmem>> -> memref<1x128xi32, #tpu.memory_space<vmem>>
      %dma_start3A_87 = tpu.memref_squeeze %dma_start3A_86 : memref<1x128xi32, #tpu.memory_space<vmem>> -> memref<128xi32, #tpu.memory_space<vmem>>
      %dma_start3A_88 = arith.constant 0 : i32
      %dma_start3A_89 = tpu.memref_slice %arg18[%dma_start3A_88] : memref<10240xf32, #tpu.memory_space<vmem_shared>> -> memref<10240xf32, #tpu.memory_space<vmem_shared>>
      tpu.enqueue_indirect_dma source(%arg15 : memref<128xf32, #tpu.memory_space<vmem>>) target(%dma_start3A_89 : memref<10240xf32, #tpu.memory_space<vmem_shared>>) offsets(%dma_start3A_87 : memref<128xi32, #tpu.memory_space<vmem>>) semaphore(%arg25 : memref<!tpu.dma_semaphore, #tpu.memory_space<semaphore_mem>>) {add = true}
      %dma_wait3A_90 = arith.constant 39 : i32
      %dma_wait3A_91 = arith.constant 0 : i32
      %dma_wait3A_92 = tpu.memref_slice %arg11[%dma_wait3A_90, %dma_wait3A_91] : memref<40x128xi32, #tpu.memory_space<vmem>> -> memref<1x128xi32, #tpu.memory_space<vmem>>
      %dma_wait3A_93 = tpu.memref_squeeze %dma_wait3A_92 : memref<1x128xi32, #tpu.memory_space<vmem>> -> memref<128xi32, #tpu.memory_space<vmem>>
      %dma_wait3A_94 = arith.constant 0 : i32
      %dma_wait3A_95 = arith.constant 0 : i32
      %dma_wait3A_96 = tpu.memref_slice %arg2[%dma_wait3A_94, %dma_wait3A_95] : memref<10000x128xf32, #tpu.memory_space<hbm>> -> memref<10000x128xf32, #tpu.memory_space<hbm>>
      tpu.wait_indirect_dma semaphore(%arg20 : memref<!tpu.dma_semaphore, #tpu.memory_space<semaphore_mem>>) src(%dma_wait3A_96 : memref<10000x128xf32, #tpu.memory_space<hbm>>) dst(%arg14 : memref<128x128xf32, #tpu.memory_space<vmem>>)
      %dma_wait3A_97 = arith.constant 39 : i32
      %dma_wait3A_98 = arith.constant 0 : i32
      %dma_wait3A_99 = tpu.memref_slice %arg11[%dma_wait3A_97, %dma_wait3A_98] : memref<40x128xi32, #tpu.memory_space<vmem>> -> memref<1x128xi32, #tpu.memory_space<vmem>>
      %dma_wait3A_100 = tpu.memref_squeeze %dma_wait3A_99 : memref<1x128xi32, #tpu.memory_space<vmem>> -> memref<128xi32, #tpu.memory_space<vmem>>
      %dma_wait3A_101 = arith.constant 0 : i32
      %dma_wait3A_102 = tpu.memref_slice %arg3[%dma_wait3A_101] : memref<10000xf32, #tpu.memory_space<hbm>> -> memref<10000xf32, #tpu.memory_space<hbm>>
      tpu.wait_indirect_dma semaphore(%arg24 : memref<!tpu.dma_semaphore, #tpu.memory_space<semaphore_mem>>) src(%dma_wait3A_102 : memref<10000xf32, #tpu.memory_space<hbm>>) dst(%arg16 : memref<128xf32, #tpu.memory_space<vmem>>)
      %dma_start3A_103 = arith.constant 39 : i32
      %dma_start3A_104 = arith.constant 0 : i32
      %dma_start3A_105 = tpu.memref_slice %arg12[%dma_start3A_103, %dma_start3A_104] : memref<40x128xi32, #tpu.memory_space<vmem>> -> memref<1x128xi32, #tpu.memory_space<vmem>>
      %dma_start3A_106 = tpu.memref_squeeze %dma_start3A_105 : memref<1x128xi32, #tpu.memory_space<vmem>> -> memref<128xi32, #tpu.memory_space<vmem>>
      %dma_start3A_107 = arith.constant 0 : i32
      %dma_start3A_108 = arith.constant 0 : i32
      %dma_start3A_109 = tpu.memref_slice %arg17[%dma_start3A_107, %dma_start3A_108] : memref<10016x128xf32, #tpu.memory_space<vmem_shared>> -> memref<10016x128xf32, #tpu.memory_space<vmem_shared>>
      tpu.enqueue_indirect_dma source(%arg14 : memref<128x128xf32, #tpu.memory_space<vmem>>) target(%dma_start3A_109 : memref<10016x128xf32, #tpu.memory_space<vmem_shared>>) offsets(%dma_start3A_106 : memref<128xi32, #tpu.memory_space<vmem>>) semaphore(%arg22 : memref<!tpu.dma_semaphore, #tpu.memory_space<semaphore_mem>>) {add = true}
      %dma_start3A_110 = arith.constant 39 : i32
      %dma_start3A_111 = arith.constant 0 : i32
      %dma_start3A_112 = tpu.memref_slice %arg12[%dma_start3A_110, %dma_start3A_111] : memref<40x128xi32, #tpu.memory_space<vmem>> -> memref<1x128xi32, #tpu.memory_space<vmem>>
      %dma_start3A_113 = tpu.memref_squeeze %dma_start3A_112 : memref<1x128xi32, #tpu.memory_space<vmem>> -> memref<128xi32, #tpu.memory_space<vmem>>
      %dma_start3A_114 = arith.constant 0 : i32
      %dma_start3A_115 = tpu.memref_slice %arg18[%dma_start3A_114] : memref<10240xf32, #tpu.memory_space<vmem_shared>> -> memref<10240xf32, #tpu.memory_space<vmem_shared>>
      tpu.enqueue_indirect_dma source(%arg16 : memref<128xf32, #tpu.memory_space<vmem>>) target(%dma_start3A_115 : memref<10240xf32, #tpu.memory_space<vmem_shared>>) offsets(%dma_start3A_113 : memref<128xi32, #tpu.memory_space<vmem>>) semaphore(%arg26 : memref<!tpu.dma_semaphore, #tpu.memory_space<semaphore_mem>>) {add = true}
      %dma_wait3A_116 = arith.constant 38 : i32
      %dma_wait3A_117 = arith.constant 0 : i32
      %dma_wait3A_118 = tpu.memref_slice %arg12[%dma_wait3A_116, %dma_wait3A_117] : memref<40x128xi32, #tpu.memory_space<vmem>> -> memref<1x128xi32, #tpu.memory_space<vmem>>
      %dma_wait3A_119 = tpu.memref_squeeze %dma_wait3A_118 : memref<1x128xi32, #tpu.memory_space<vmem>> -> memref<128xi32, #tpu.memory_space<vmem>>
      %dma_wait3A_120 = arith.constant 0 : i32
      %dma_wait3A_121 = arith.constant 0 : i32
      %dma_wait3A_122 = tpu.memref_slice %arg17[%dma_wait3A_120, %dma_wait3A_121] : memref<10016x128xf32, #tpu.memory_space<vmem_shared>> -> memref<10016x128xf32, #tpu.memory_space<vmem_shared>>
      tpu.wait_indirect_dma semaphore(%arg21 : memref<!tpu.dma_semaphore, #tpu.memory_space<semaphore_mem>>) src(%arg13 : memref<128x128xf32, #tpu.memory_space<vmem>>) dst(%dma_wait3A_122 : memref<10016x128xf32, #tpu.memory_space<vmem_shared>>)
      %dma_wait3A_123 = arith.constant 38 : i32
      %dma_wait3A_124 = arith.constant 0 : i32
      %dma_wait3A_125 = tpu.memref_slice %arg12[%dma_wait3A_123, %dma_wait3A_124] : memref<40x128xi32, #tpu.memory_space<vmem>> -> memref<1x128xi32, #tpu.memory_space<vmem>>
      %dma_wait3A_126 = tpu.memref_squeeze %dma_wait3A_125 : memref<1x128xi32, #tpu.memory_space<vmem>> -> memref<128xi32, #tpu.memory_space<vmem>>
      %dma_wait3A_127 = arith.constant 0 : i32
      %dma_wait3A_128 = tpu.memref_slice %arg18[%dma_wait3A_127] : memref<10240xf32, #tpu.memory_space<vmem_shared>> -> memref<10240xf32, #tpu.memory_space<vmem_shared>>
      tpu.wait_indirect_dma semaphore(%arg25 : memref<!tpu.dma_semaphore, #tpu.memory_space<semaphore_mem>>) src(%arg15 : memref<128xf32, #tpu.memory_space<vmem>>) dst(%dma_wait3A_128 : memref<10240xf32, #tpu.memory_space<vmem_shared>>)
      %dma_wait3A_129 = arith.constant 39 : i32
      %dma_wait3A_130 = arith.constant 0 : i32
      %dma_wait3A_131 = tpu.memref_slice %arg12[%dma_wait3A_129, %dma_wait3A_130] : memref<40x128xi32, #tpu.memory_space<vmem>> -> memref<1x128xi32, #tpu.memory_space<vmem>>
      %dma_wait3A_132 = tpu.memref_squeeze %dma_wait3A_131 : memref<1x128xi32, #tpu.memory_space<vmem>> -> memref<128xi32, #tpu.memory_space<vmem>>
      %dma_wait3A_133 = arith.constant 0 : i32
      %dma_wait3A_134 = arith.constant 0 : i32
      %dma_wait3A_135 = tpu.memref_slice %arg17[%dma_wait3A_133, %dma_wait3A_134] : memref<10016x128xf32, #tpu.memory_space<vmem_shared>> -> memref<10016x128xf32, #tpu.memory_space<vmem_shared>>
      tpu.wait_indirect_dma semaphore(%arg22 : memref<!tpu.dma_semaphore, #tpu.memory_space<semaphore_mem>>) src(%arg14 : memref<128x128xf32, #tpu.memory_space<vmem>>) dst(%dma_wait3A_135 : memref<10016x128xf32, #tpu.memory_space<vmem_shared>>)
      %dma_wait3A_136 = arith.constant 39 : i32
      %dma_wait3A_137 = arith.constant 0 : i32
      %dma_wait3A_138 = tpu.memref_slice %arg12[%dma_wait3A_136, %dma_wait3A_137] : memref<40x128xi32, #tpu.memory_space<vmem>> -> memref<1x128xi32, #tpu.memory_space<vmem>>
      %dma_wait3A_139 = tpu.memref_squeeze %dma_wait3A_138 : memref<1x128xi32, #tpu.memory_space<vmem>> -> memref<128xi32, #tpu.memory_space<vmem>>
      %dma_wait3A_140 = arith.constant 0 : i32
      %dma_wait3A_141 = tpu.memref_slice %arg18[%dma_wait3A_140] : memref<10240xf32, #tpu.memory_space<vmem_shared>> -> memref<10240xf32, #tpu.memory_space<vmem_shared>>
      tpu.wait_indirect_dma semaphore(%arg26 : memref<!tpu.dma_semaphore, #tpu.memory_space<semaphore_mem>>) src(%arg16 : memref<128xf32, #tpu.memory_space<vmem>>) dst(%dma_wait3A_141 : memref<10240xf32, #tpu.memory_space<vmem_shared>>)
    }
    %scan3A_7 = arith.constant 2 : i32
    %barrier3A_8 = arith.constant 0 : index
    tpu.barrier barrier_id(%barrier3A_8)
    %lt3A = arith.constant 15 : i32
    %lt3A_9 = arith.cmpi slt, %arg1, %lt3A : i32
    %convert_element_type3A_10 = arith.extui %lt3A_9 : i1 to i32
    %cond3A_11 = arith.constant 0 : i32
    %cond3A_12 = arith.cmpi ne, %convert_element_type3A_10, %cond3A_11 : i32
    scf.if %cond3A_12 {
      %mul3A_28 = arith.constant 624 : i32
      %mul3A_29 = arith.muli %arg1, %mul3A_28 : i32
      %mul3A_30 = arith.constant 624 : i32
      %mul3A_31 = arith.muli %arg1, %mul3A_30 : i32
      "tpu.region"() ({
        %run_scoped3A = tpu.sem_alloc : memref<!tpu.dma_semaphore, #tpu.memory_space<semaphore_mem>>
        %dma_start3A = arith.constant 0 : i32
        %dma_start3A_32 = tpu.memref_slice %arg8[%arg0, %mul3A_31, %dma_start3A] : memref<2x10000x128xf32, #tpu.memory_space<hbm>> -> memref<1x624x128xf32, #tpu.memory_space<hbm>>
        %dma_start3A_33 = tpu.memref_squeeze %dma_start3A_32 : memref<1x624x128xf32, #tpu.memory_space<hbm>> -> memref<624x128xf32, #tpu.memory_space<hbm>>
        %dma_start3A_34 = arith.constant 0 : i32
        %dma_start3A_35 = tpu.memref_slice %arg17[%mul3A_29, %dma_start3A_34] : memref<10016x128xf32, #tpu.memory_space<vmem_shared>> -> memref<624x128xf32, #tpu.memory_space<vmem_shared>>
        tpu.enqueue_dma source(%dma_start3A_35 : memref<624x128xf32, #tpu.memory_space<vmem_shared>>) target(%dma_start3A_33 : memref<624x128xf32, #tpu.memory_space<hbm>>) target_semaphore(%run_scoped3A : memref<!tpu.dma_semaphore, #tpu.memory_space<semaphore_mem>>)
        %dma_wait3A = arith.constant 0 : i32
        %dma_wait3A_36 = tpu.memref_slice %arg8[%arg0, %mul3A_31, %dma_wait3A] : memref<2x10000x128xf32, #tpu.memory_space<hbm>> -> memref<1x624x128xf32, #tpu.memory_space<hbm>>
        %dma_wait3A_37 = tpu.memref_squeeze %dma_wait3A_36 : memref<1x624x128xf32, #tpu.memory_space<hbm>> -> memref<624x128xf32, #tpu.memory_space<hbm>>
        %dma_wait3A_38 = arith.constant 0 : i32
        %dma_wait3A_39 = tpu.memref_slice %arg17[%mul3A_29, %dma_wait3A_38] : memref<10016x128xf32, #tpu.memory_space<vmem_shared>> -> memref<624x128xf32, #tpu.memory_space<vmem_shared>>
        tpu.wait_dma2 semaphore(%run_scoped3A : memref<!tpu.dma_semaphore, #tpu.memory_space<semaphore_mem>>) src(%dma_wait3A_39 : memref<624x128xf32, #tpu.memory_space<vmem_shared>>) dst(%dma_wait3A_37 : memref<624x128xf32, #tpu.memory_space<hbm>>)
        tpu.yield
      }) : () -> ()
    } else {
    }
    %eq3A_13 = arith.constant 15 : i32
    %eq3A_14 = arith.cmpi eq, %arg1, %eq3A_13 : i32
    %convert_element_type3A_15 = arith.extui %eq3A_14 : i1 to i32
    %cond3A_16 = arith.constant 0 : i32
    %cond3A_17 = arith.cmpi ne, %convert_element_type3A_15, %cond3A_16 : i32
    scf.if %cond3A_17 {
      "tpu.region"() ({
        %run_scoped3A = tpu.sem_alloc : memref<!tpu.dma_semaphore, #tpu.memory_space<semaphore_mem>>
        %dma_start3A = arith.constant 9360 : i32
        %dma_start3A_28 = arith.constant 0 : i32
        %dma_start3A_29 = tpu.memref_slice %arg8[%arg0, %dma_start3A, %dma_start3A_28] : memref<2x10000x128xf32, #tpu.memory_space<hbm>> -> memref<1x640x128xf32, #tpu.memory_space<hbm>>
        %dma_start3A_30 = tpu.memref_squeeze %dma_start3A_29 : memref<1x640x128xf32, #tpu.memory_space<hbm>> -> memref<640x128xf32, #tpu.memory_space<hbm>>
        %dma_start3A_31 = arith.constant 9360 : i32
        %dma_start3A_32 = arith.constant 0 : i32
        %dma_start3A_33 = tpu.memref_slice %arg17[%dma_start3A_31, %dma_start3A_32] : memref<10016x128xf32, #tpu.memory_space<vmem_shared>> -> memref<640x128xf32, #tpu.memory_space<vmem_shared>>
        tpu.enqueue_dma source(%dma_start3A_33 : memref<640x128xf32, #tpu.memory_space<vmem_shared>>) target(%dma_start3A_30 : memref<640x128xf32, #tpu.memory_space<hbm>>) target_semaphore(%run_scoped3A : memref<!tpu.dma_semaphore, #tpu.memory_space<semaphore_mem>>)
        %dma_wait3A = arith.constant 9360 : i32
        %dma_wait3A_34 = arith.constant 0 : i32
        %dma_wait3A_35 = tpu.memref_slice %arg8[%arg0, %dma_wait3A, %dma_wait3A_34] : memref<2x10000x128xf32, #tpu.memory_space<hbm>> -> memref<1x640x128xf32, #tpu.memory_space<hbm>>
        %dma_wait3A_36 = tpu.memref_squeeze %dma_wait3A_35 : memref<1x640x128xf32, #tpu.memory_space<hbm>> -> memref<640x128xf32, #tpu.memory_space<hbm>>
        %dma_wait3A_37 = arith.constant 9360 : i32
        %dma_wait3A_38 = arith.constant 0 : i32
        %dma_wait3A_39 = tpu.memref_slice %arg17[%dma_wait3A_37, %dma_wait3A_38] : memref<10016x128xf32, #tpu.memory_space<vmem_shared>> -> memref<640x128xf32, #tpu.memory_space<vmem_shared>>
        tpu.wait_dma2 semaphore(%run_scoped3A : memref<!tpu.dma_semaphore, #tpu.memory_space<semaphore_mem>>) src(%dma_wait3A_39 : memref<640x128xf32, #tpu.memory_space<vmem_shared>>) dst(%dma_wait3A_36 : memref<640x128xf32, #tpu.memory_space<hbm>>)
        tpu.yield
      }) : () -> ()
    } else {
    }
    %eq3A_18 = arith.constant 0 : i32
    %eq3A_19 = arith.cmpi eq, %arg0, %eq3A_18 : i32
    %convert_element_type3A_20 = arith.extui %eq3A_19 : i1 to i32
    %cond3A_21 = arith.constant 0 : i32
    %cond3A_22 = arith.cmpi ne, %convert_element_type3A_20, %cond3A_21 : i32
    scf.if %cond3A_22 {
      %mul3A_28 = arith.constant 640 : i32
      %mul3A_29 = arith.muli %arg1, %mul3A_28 : i32
      %mul3A_30 = arith.constant 640 : i32
      %mul3A_31 = arith.muli %arg1, %mul3A_30 : i32
      "tpu.region"() ({
        %run_scoped3A = tpu.sem_alloc : memref<!tpu.dma_semaphore, #tpu.memory_space<semaphore_mem>>
        %dma_start3A = tpu.memref_slice %arg9[%mul3A_31] : memref<10240xf32, #tpu.memory_space<hbm>> -> memref<640xf32, #tpu.memory_space<hbm>>
        %dma_start3A_32 = tpu.memref_slice %arg18[%mul3A_29] : memref<10240xf32, #tpu.memory_space<vmem_shared>> -> memref<640xf32, #tpu.memory_space<vmem_shared>>
        tpu.enqueue_dma source(%dma_start3A_32 : memref<640xf32, #tpu.memory_space<vmem_shared>>) target(%dma_start3A : memref<640xf32, #tpu.memory_space<hbm>>) target_semaphore(%run_scoped3A : memref<!tpu.dma_semaphore, #tpu.memory_space<semaphore_mem>>)
        %dma_wait3A = tpu.memref_slice %arg9[%mul3A_31] : memref<10240xf32, #tpu.memory_space<hbm>> -> memref<640xf32, #tpu.memory_space<hbm>>
        %dma_wait3A_33 = tpu.memref_slice %arg18[%mul3A_29] : memref<10240xf32, #tpu.memory_space<vmem_shared>> -> memref<640xf32, #tpu.memory_space<vmem_shared>>
        tpu.wait_dma2 semaphore(%run_scoped3A : memref<!tpu.dma_semaphore, #tpu.memory_space<semaphore_mem>>) src(%dma_wait3A_33 : memref<640xf32, #tpu.memory_space<vmem_shared>>) dst(%dma_wait3A : memref<640xf32, #tpu.memory_space<hbm>>)
        tpu.yield
      }) : () -> ()
    } else {
    }
    %eq3A_23 = arith.constant 1 : i32
    %eq3A_24 = arith.cmpi eq, %arg0, %eq3A_23 : i32
    %convert_element_type3A_25 = arith.extui %eq3A_24 : i1 to i32
    %cond3A_26 = arith.constant 0 : i32
    %cond3A_27 = arith.cmpi ne, %convert_element_type3A_25, %cond3A_26 : i32
    scf.if %cond3A_27 {
      %mul3A_28 = arith.constant 640 : i32
      %mul3A_29 = arith.muli %arg1, %mul3A_28 : i32
      %mul3A_30 = arith.constant 640 : i32
      %mul3A_31 = arith.muli %arg1, %mul3A_30 : i32
      "tpu.region"() ({
        %run_scoped3A = tpu.sem_alloc : memref<!tpu.dma_semaphore, #tpu.memory_space<semaphore_mem>>
        %dma_start3A = tpu.memref_slice %arg10[%mul3A_31] : memref<10240xf32, #tpu.memory_space<hbm>> -> memref<640xf32, #tpu.memory_space<hbm>>
        %dma_start3A_32 = tpu.memref_slice %arg18[%mul3A_29] : memref<10240xf32, #tpu.memory_space<vmem_shared>> -> memref<640xf32, #tpu.memory_space<vmem_shared>>
        tpu.enqueue_dma source(%dma_start3A_32 : memref<640xf32, #tpu.memory_space<vmem_shared>>) target(%dma_start3A : memref<640xf32, #tpu.memory_space<hbm>>) target_semaphore(%run_scoped3A : memref<!tpu.dma_semaphore, #tpu.memory_space<semaphore_mem>>)
        %dma_wait3A = tpu.memref_slice %arg10[%mul3A_31] : memref<10240xf32, #tpu.memory_space<hbm>> -> memref<640xf32, #tpu.memory_space<hbm>>
        %dma_wait3A_33 = tpu.memref_slice %arg18[%mul3A_29] : memref<10240xf32, #tpu.memory_space<vmem_shared>> -> memref<640xf32, #tpu.memory_space<vmem_shared>>
        tpu.wait_dma2 semaphore(%run_scoped3A : memref<!tpu.dma_semaphore, #tpu.memory_space<semaphore_mem>>) src(%dma_wait3A_33 : memref<640xf32, #tpu.memory_space<vmem_shared>>) dst(%dma_wait3A : memref<640xf32, #tpu.memory_space<hbm>>)
        tpu.yield
      }) : () -> ()
    } else {
    }
    return
  }
}

module attributes {stable_mosaic.version = 14 : i64} {
  func.func @_xw_body(%arg0: i32, %arg1: memref<1000x128xf32, #tpu.memory_space<vmem>>, %arg2: memref<128x256xf32, #tpu.memory_space<vmem>>, %arg3: memref<1000x2xf32, #tpu.memory_space<vmem>>, %arg4: memref<1000x256xf32, #tpu.memory_space<vmem>>, %arg5: memref<1000x128xf32, #tpu.memory_space<vmem>>) attributes {dimension_semantics = [#tpu.dimension_semantics<arbitrary>], iteration_bounds = array<i64: 10>, scalar_prefetch = 0 : i64, scratch_operands = 0 : i64, tpu.core_type = #tpu.core_type<tc>, window_params = [{transform_indices = @transform_0, window_bounds = array<i64: 1000, 128>}, {pipeline_mode = #tpu.pipeline_mode<synchronous>, transform_indices = @transform_1, window_bounds = array<i64: 128, 256>}, {transform_indices = @transform_2, window_bounds = array<i64: 1000, 2>}, {transform_indices = @transform_3, window_bounds = array<i64: 1000, 256>}, {transform_indices = @transform_4, window_bounds = array<i64: 1000, 128>}]} {
    %get3A = arith.constant 0 : index
    %get3A_0 = arith.constant 0 : index
    %get3A_1 = vector.load %arg1[%get3A, %get3A_0] : memref<1000x128xf32, #tpu.memory_space<vmem>>, vector<1000x128xf32>
    %get3A_2 = arith.constant 0 : index
    %get3A_3 = arith.constant 0 : index
    %get3A_4 = vector.load %arg2[%get3A_2, %get3A_3] : memref<128x256xf32, #tpu.memory_space<vmem>>, vector<128x256xf32>
    %dot_general3A = arith.constant dense<0.000000e+00> : vector<1000x256xf32>
    %dot_general3A_5 = tpu.matmul %get3A_1, %get3A_4, %dot_general3A {dimension_numbers = #tpu.dot_dimension_numbers<[1], [0], [0], [1], [0, 0, 1, 1], [], []>, transpose_lhs_hint = false} : vector<1000x128xf32>, vector<128x256xf32>, vector<1000x256xf32> -> vector<1000x256xf32>
    %swap3A = arith.constant 0 : index
    %swap3A_6 = arith.constant 0 : index
    %swap3A_7 = vector.load %arg4[%swap3A, %swap3A_6] : memref<1000x256xf32, #tpu.memory_space<vmem>>, vector<1000x256xf32>
    tpu.vector_store %arg4[%swap3A, %swap3A_6], %dot_general3A_5 {strides = array<i32>} : memref<1000x256xf32, #tpu.memory_space<vmem>>, vector<1000x256xf32>,
    %get3A_8 = arith.constant 0 : index
    %get3A_9 = arith.constant 0 : index
    %get3A_10 = vector.load %arg3[%get3A_8, %get3A_9] : memref<1000x2xf32, #tpu.memory_space<vmem>>, vector<1000x1xf32>
    %get3A_11 = arith.constant 0 : index
    %get3A_12 = arith.constant 1 : index
    %get3A_13 = vector.load %arg3[%get3A_11, %get3A_12] : memref<1000x2xf32, #tpu.memory_space<vmem>>, vector<1000x1xf32>
    %add3A = arith.addf %get3A_10, %get3A_13 : vector<1000x1xf32>
    %add3A_14 = arith.constant 1.000000e+00 : f32
    %add3A_15 = vector.broadcast %add3A_14 : f32 to vector<1000x1xf32>
    %add3A_16 = arith.addf %add3A, %add3A_15 : vector<1000x1xf32>
    %rsqrt3A = math.rsqrt %add3A_16 : vector<1000x1xf32>
    %get3A_17 = arith.constant 0 : index
    %get3A_18 = arith.constant 0 : index
    %get3A_19 = vector.load %arg1[%get3A_17, %get3A_18] : memref<1000x128xf32, #tpu.memory_space<vmem>>, vector<1000x128xf32>
    %mul3A = vector.broadcast %rsqrt3A : vector<1000x1xf32> to vector<1000x128xf32>
    %mul3A_20 = arith.mulf %get3A_19, %mul3A : vector<1000x128xf32>
    %swap3A_21 = arith.constant 0 : index
    %swap3A_22 = arith.constant 0 : index
    %swap3A_23 = vector.load %arg5[%swap3A_21, %swap3A_22] : memref<1000x128xf32, #tpu.memory_space<vmem>>, vector<1000x128xf32>
    tpu.vector_store %arg5[%swap3A_21, %swap3A_22], %mul3A_20 {strides = array<i32>} : memref<1000x128xf32, #tpu.memory_space<vmem>>, vector<1000x128xf32>,
    return
  }
  func.func @transform_0(%arg0: i32) -> (i32, i32) {
    %c0_i32 = arith.constant 0 : i32
    %c0_i32_0 = arith.constant 0 : i32
    return %arg0, %c0_i32 : i32, i32
  }
  func.func @transform_1(%arg0: i32) -> (i32, i32) {
    %c0_i32 = arith.constant 0 : i32
    %c0_i32_0 = arith.constant 0 : i32
    %c0_i32_1 = arith.constant 0 : i32
    return %c0_i32, %c0_i32_0 : i32, i32
  }
  func.func @transform_2(%arg0: i32) -> (i32, i32) {
    %c0_i32 = arith.constant 0 : i32
    %c0_i32_0 = arith.constant 0 : i32
    return %arg0, %c0_i32 : i32, i32
  }
  func.func @transform_3(%arg0: i32) -> (i32, i32) {
    %c0_i32 = arith.constant 0 : i32
    %c0_i32_0 = arith.constant 0 : i32
    return %arg0, %c0_i32 : i32, i32
  }
  func.func @transform_4(%arg0: i32) -> (i32, i32) {
    %c0_i32 = arith.constant 0 : i32
    %c0_i32_0 = arith.constant 0 : i32
    return %arg0, %c0_i32 : i32, i32
  }
}

module attributes {stable_mosaic.version = 14 : i64} {
  func.func @_gcnep_body(%arg0: i32, %arg1: memref<2x1000x128xf32, #tpu.memory_space<vmem>>, %arg2: memref<1000x256xf32, #tpu.memory_space<vmem>>, %arg3: memref<1000x2xf32, #tpu.memory_space<vmem>>, %arg4: memref<1000x1xi32, #tpu.memory_space<vmem>>, %arg5: memref<128x128xf32, #tpu.memory_space<vmem>>, %arg6: memref<128x128xf32, #tpu.memory_space<vmem>>, %arg7: memref<1x128xf32, #tpu.memory_space<vmem>>, %arg8: memref<1x128xf32, #tpu.memory_space<vmem>>, %arg9: memref<256x1xf32, #tpu.memory_space<vmem>>, %arg10: memref<1x1xf32, #tpu.memory_space<vmem>>, %arg11: memref<128x128xf32, #tpu.memory_space<vmem>>, %arg12: memref<1x128xf32, #tpu.memory_space<vmem>>, %arg13: memref<128x128xf32, #tpu.memory_space<vmem>>, %arg14: memref<1x128xf32, #tpu.memory_space<vmem>>, %arg15: memref<128x1xf32, #tpu.memory_space<vmem>>, %arg16: memref<1x1xf32, #tpu.memory_space<vmem>>, %arg17: memref<1000x128xf32, #tpu.memory_space<vmem>>, %arg18: memref<1000x128xf32, #tpu.memory_space<vmem>>, %arg19: memref<1000x1xf32, #tpu.memory_space<vmem>>, %arg20: memref<1000x1xf32, #tpu.memory_space<vmem>>, %arg21: memref<1000x128xf32, #tpu.memory_space<vmem>>) attributes {dimension_semantics = [#tpu.dimension_semantics<arbitrary>], iteration_bounds = array<i64: 10>, scalar_prefetch = 0 : i64, scratch_operands = 0 : i64, tpu.core_type = #tpu.core_type<tc>, window_params = [{transform_indices = @transform_0, window_bounds = array<i64: 2, 1000, 128>}, {transform_indices = @transform_1, window_bounds = array<i64: 1000, 256>}, {transform_indices = @transform_2, window_bounds = array<i64: 1000, 2>}, {transform_indices = @transform_3, window_bounds = array<i64: 1000, 1>}, {pipeline_mode = #tpu.pipeline_mode<synchronous>, transform_indices = @transform_4, window_bounds = array<i64: 128, 128>}, {pipeline_mode = #tpu.pipeline_mode<synchronous>, transform_indices = @transform_5, window_bounds = array<i64: 128, 128>}, {pipeline_mode = #tpu.pipeline_mode<synchronous>, transform_indices = @transform_6, window_bounds = array<i64: 1, 128>}, {pipeline_mode = #tpu.pipeline_mode<synchronous>, transform_indices = @transform_7, window_bounds = array<i64: 1, 128>}, {pipeline_mode = #tpu.pipeline_mode<synchronous>, transform_indices = @transform_8, window_bounds = array<i64: 256, 1>}, {pipeline_mode = #tpu.pipeline_mode<synchronous>, transform_indices = @transform_9, window_bounds = array<i64: 1, 1>}, {pipeline_mode = #tpu.pipeline_mode<synchronous>, transform_indices = @transform_10, window_bounds = array<i64: 128, 128>}, {pipeline_mode = #tpu.pipeline_mode<synchronous>, transform_indices = @transform_11, window_bounds = array<i64: 1, 128>}, {pipeline_mode = #tpu.pipeline_mode<synchronous>, transform_indices = @transform_12, window_bounds = array<i64: 128, 128>}, {pipeline_mode = #tpu.pipeline_mode<synchronous>, transform_indices = @transform_13, window_bounds = array<i64: 1, 128>}, {pipeline_mode = #tpu.pipeline_mode<synchronous>, transform_indices = @transform_14, window_bounds = array<i64: 128, 1>}, {pipeline_mode = #tpu.pipeline_mode<synchronous>, transform_indices = @transform_15, window_bounds = array<i64: 1, 1>}, {transform_indices = @transform_16, window_bounds = array<i64: 1000, 128>}, {transform_indices = @transform_17, window_bounds = array<i64: 1000, 128>}, {transform_indices = @transform_18, window_bounds = array<i64: 1000, 1>}, {transform_indices = @transform_19, window_bounds = array<i64: 1000, 1>}, {transform_indices = @transform_20, window_bounds = array<i64: 1000, 128>}]} {
    %get3A = arith.constant 0 : index
    %get3A_0 = arith.constant 0 : index
    %get3A_1 = vector.load %arg3[%get3A, %get3A_0] : memref<1000x2xf32, #tpu.memory_space<vmem>>, vector<1000x1xf32>
    %get3A_2 = arith.constant 0 : index
    %get3A_3 = arith.constant 1 : index
    %get3A_4 = vector.load %arg3[%get3A_2, %get3A_3] : memref<1000x2xf32, #tpu.memory_space<vmem>>, vector<1000x1xf32>
    %add3A = arith.addf %get3A_1, %get3A_4 : vector<1000x1xf32>
    %add3A_5 = arith.constant 1.000000e+00 : f32
    %add3A_6 = vector.broadcast %add3A_5 : f32 to vector<1000x1xf32>
    %add3A_7 = arith.addf %add3A, %add3A_6 : vector<1000x1xf32>
    %rsqrt3A = math.rsqrt %add3A_7 : vector<1000x1xf32>
    %mul3A = arith.mulf %rsqrt3A, %rsqrt3A : vector<1000x1xf32>
    %get3A_8 = arith.constant 0 : index
    %get3A_9 = arith.constant 0 : index
    %get3A_10 = vector.load %arg2[%get3A_8, %get3A_9] : memref<1000x256xf32, #tpu.memory_space<vmem>>, vector<1000x128xf32>
    %get3A_11 = arith.constant 0 : index
    %get3A_12 = arith.constant 128 : index
    %get3A_13 = vector.load %arg2[%get3A_11, %get3A_12] : memref<1000x256xf32, #tpu.memory_space<vmem>>, vector<1000x128xf32>
    %get3A_14 = arith.constant 0 : index
    %get3A_15 = arith.constant 0 : index
    %get3A_16 = arith.constant 0 : index
    %get3A_17 = vector.load %arg1[%get3A_14, %get3A_15, %get3A_16] : memref<2x1000x128xf32, #tpu.memory_space<vmem>>, vector<1x1000x128xf32>
    %get3A_18 = vector.shape_cast %get3A_17 : vector<1x1000x128xf32> to vector<1000x128xf32>
    %get3A_19 = arith.constant 1 : index
    %get3A_20 = arith.constant 0 : index
    %get3A_21 = arith.constant 0 : index
    %get3A_22 = vector.load %arg1[%get3A_19, %get3A_20, %get3A_21] : memref<2x1000x128xf32, #tpu.memory_space<vmem>>, vector<1x1000x128xf32>
    %get3A_23 = vector.shape_cast %get3A_22 : vector<1x1000x128xf32> to vector<1000x128xf32>
    %add3A_24 = arith.addf %get3A_18, %get3A_23 : vector<1000x128xf32>
    %get3A_25 = arith.constant 0 : index
    %get3A_26 = arith.constant 0 : index
    %get3A_27 = vector.load %arg5[%get3A_25, %get3A_26] : memref<128x128xf32, #tpu.memory_space<vmem>>, vector<128x128xf32>
    %dot_general3A = arith.constant dense<0.000000e+00> : vector<1000x128xf32>
    %dot_general3A_28 = tpu.matmul %add3A_24, %get3A_27, %dot_general3A {dimension_numbers = #tpu.dot_dimension_numbers<[1], [0], [0], [1], [0, 0, 1, 1], [], []>, transpose_lhs_hint = false} : vector<1000x128xf32>, vector<128x128xf32>, vector<1000x128xf32> -> vector<1000x128xf32>
    %get3A_29 = arith.constant 0 : index
    %get3A_30 = arith.constant 0 : index
    %get3A_31 = vector.load %arg6[%get3A_29, %get3A_30] : memref<128x128xf32, #tpu.memory_space<vmem>>, vector<128x128xf32>
    %dot_general3A_32 = arith.constant dense<0.000000e+00> : vector<1000x128xf32>
    %dot_general3A_33 = tpu.matmul %add3A_24, %get3A_31, %dot_general3A_32 {dimension_numbers = #tpu.dot_dimension_numbers<[1], [0], [0], [1], [0, 0, 1, 1], [], []>, transpose_lhs_hint = false} : vector<1000x128xf32>, vector<128x128xf32>, vector<1000x128xf32> -> vector<1000x128xf32>
    %mul3A_34 = vector.broadcast %rsqrt3A : vector<1000x1xf32> to vector<1000x128xf32>
    %mul3A_35 = arith.mulf %dot_general3A_28, %mul3A_34 : vector<1000x128xf32>
    %mul3A_36 = vector.broadcast %mul3A : vector<1000x1xf32> to vector<1000x128xf32>
    %mul3A_37 = arith.mulf %get3A_10, %mul3A_36 : vector<1000x128xf32>
    %add3A_38 = arith.addf %mul3A_35, %mul3A_37 : vector<1000x128xf32>
    %get3A_39 = arith.constant 0 : index
    %get3A_40 = arith.constant 0 : index
    %get3A_41 = vector.load %arg7[%get3A_39, %get3A_40] : memref<1x128xf32, #tpu.memory_space<vmem>>, vector<1x128xf32>
    %add3A_42 = vector.broadcast %get3A_41 : vector<1x128xf32> to vector<1000x128xf32>
    %add3A_43 = arith.addf %add3A_38, %add3A_42 : vector<1000x128xf32>
    %max3A = arith.constant 0.000000e+00 : f32
    %max3A_44 = vector.broadcast %max3A : f32 to vector<1000x128xf32>
    %max3A_45 = arith.maximumf %add3A_43, %max3A_44 : vector<1000x128xf32>
    %mul3A_46 = vector.broadcast %rsqrt3A : vector<1000x1xf32> to vector<1000x128xf32>
    %mul3A_47 = arith.mulf %dot_general3A_33, %mul3A_46 : vector<1000x128xf32>
    %mul3A_48 = vector.broadcast %mul3A : vector<1000x1xf32> to vector<1000x128xf32>
    %mul3A_49 = arith.mulf %get3A_13, %mul3A_48 : vector<1000x128xf32>
    %add3A_50 = arith.addf %mul3A_47, %mul3A_49 : vector<1000x128xf32>
    %get3A_51 = arith.constant 0 : index
    %get3A_52 = arith.constant 0 : index
    %get3A_53 = vector.load %arg8[%get3A_51, %get3A_52] : memref<1x128xf32, #tpu.memory_space<vmem>>, vector<1x128xf32>
    %add3A_54 = vector.broadcast %get3A_53 : vector<1x128xf32> to vector<1000x128xf32>
    %add3A_55 = arith.addf %add3A_50, %add3A_54 : vector<1000x128xf32>
    %max3A_56 = arith.constant 0.000000e+00 : f32
    %max3A_57 = vector.broadcast %max3A_56 : f32 to vector<1000x128xf32>
    %max3A_58 = arith.maximumf %add3A_55, %max3A_57 : vector<1000x128xf32>
    %swap3A = arith.constant 0 : index
    %swap3A_59 = arith.constant 0 : index
    %swap3A_60 = vector.load %arg17[%swap3A, %swap3A_59] : memref<1000x128xf32, #tpu.memory_space<vmem>>, vector<1000x128xf32>
    tpu.vector_store %arg17[%swap3A, %swap3A_59], %max3A_45 {strides = array<i32>} : memref<1000x128xf32, #tpu.memory_space<vmem>>, vector<1000x128xf32>,
    %swap3A_61 = arith.constant 0 : index
    %swap3A_62 = arith.constant 0 : index
    %swap3A_63 = vector.load %arg18[%swap3A_61, %swap3A_62] : memref<1000x128xf32, #tpu.memory_space<vmem>>, vector<1000x128xf32>
    tpu.vector_store %arg18[%swap3A_61, %swap3A_62], %max3A_58 {strides = array<i32>} : memref<1000x128xf32, #tpu.memory_space<vmem>>, vector<1000x128xf32>,
    %concatenate3A = tpu.concatenate %max3A_45, %max3A_58 in 1 : vector<1000x128xf32>, vector<1000x128xf32> -> vector<1000x256xf32>
    %get3A_64 = arith.constant 0 : index
    %get3A_65 = arith.constant 0 : index
    %get3A_66 = vector.load %arg9[%get3A_64, %get3A_65] : memref<256x1xf32, #tpu.memory_space<vmem>>, vector<256x1xf32>
    %dot_general3A_67 = arith.constant dense<0.000000e+00> : vector<1000x1xf32>
    %dot_general3A_68 = tpu.matmul %concatenate3A, %get3A_66, %dot_general3A_67 {dimension_numbers = #tpu.dot_dimension_numbers<[1], [0], [0], [1], [0, 0, 1, 1], [], []>, transpose_lhs_hint = false} : vector<1000x256xf32>, vector<256x1xf32>, vector<1000x1xf32> -> vector<1000x1xf32>
    %get3A_69 = arith.constant 0 : index
    %get3A_70 = arith.constant 0 : index
    %get3A_71 = vector.load %arg10[%get3A_69, %get3A_70] : memref<1x1xf32, #tpu.memory_space<vmem>>, vector<1x1xf32>
    %add3A_72 = vector.broadcast %get3A_71 : vector<1x1xf32> to vector<1000x1xf32>
    %add3A_73 = arith.addf %dot_general3A_68, %add3A_72 : vector<1000x1xf32>
    %gt3A = arith.constant 0.000000e+00 : f32
    %gt3A_74 = vector.broadcast %gt3A : f32 to vector<1000x1xf32>
    %gt3A_75 = arith.cmpf ogt, %add3A_73, %gt3A_74 : vector<1000x1xf32>
    %mul3A_76 = arith.constant 2.000000e-01 : f32
    %mul3A_77 = vector.broadcast %mul3A_76 : f32 to vector<1000x1xf32>
    %mul3A_78 = arith.mulf %mul3A_77, %add3A_73 : vector<1000x1xf32>
    %select_n3A = arith.select %gt3A_75, %add3A_73, %mul3A_78 : vector<1000x1xi1>, vector<1000x1xf32>
    %get3A_79 = arith.constant 0 : index
    %get3A_80 = arith.constant 0 : index
    %get3A_81 = vector.load %arg4[%get3A_79, %get3A_80] : memref<1000x1xi32, #tpu.memory_space<vmem>>, vector<1000x1xi32>
    %gt3A_82 = arith.constant 0 : i32
    %gt3A_83 = vector.broadcast %gt3A_82 : i32 to vector<1000x1xi32>
    %gt3A_84 = arith.cmpi sgt, %get3A_81, %gt3A_83 : vector<1000x1xi32>
    %min3A = arith.constant 8.000000e+01 : f32
    %min3A_85 = vector.broadcast %min3A : f32 to vector<1000x1xf32>
    %min3A_86 = arith.minimumf %select_n3A, %min3A_85 : vector<1000x1xf32>
    %exp3A = math.exp %min3A_86 : vector<1000x1xf32>
    %jit3A = arith.constant 0.000000e+00 : f32
    %broadcast_in_dim3A = vector.broadcast %jit3A : f32 to vector<1000x1xf32>
    %select_n3A_87 = arith.select %gt3A_84, %exp3A, %broadcast_in_dim3A : vector<1000x1xi1>, vector<1000x1xf32>
    %swap3A_88 = arith.constant 0 : index
    %swap3A_89 = arith.constant 0 : index
    %swap3A_90 = vector.load %arg20[%swap3A_88, %swap3A_89] : memref<1000x1xf32, #tpu.memory_space<vmem>>, vector<1000x1xf32>
    tpu.vector_store %arg20[%swap3A_88, %swap3A_89], %select_n3A_87 {strides = array<i32>} : memref<1000x1xf32, #tpu.memory_space<vmem>>, vector<1000x1xf32>,
    %mul3A_91 = vector.broadcast %select_n3A_87 : vector<1000x1xf32> to vector<1000x128xf32>
    %mul3A_92 = arith.mulf %mul3A_91, %max3A_58 : vector<1000x128xf32>
    %swap3A_93 = arith.constant 0 : index
    %swap3A_94 = arith.constant 0 : index
    %swap3A_95 = vector.load %arg21[%swap3A_93, %swap3A_94] : memref<1000x128xf32, #tpu.memory_space<vmem>>, vector<1000x128xf32>
    tpu.vector_store %arg21[%swap3A_93, %swap3A_94], %mul3A_92 {strides = array<i32>} : memref<1000x128xf32, #tpu.memory_space<vmem>>, vector<1000x128xf32>,
    %get3A_96 = arith.constant 0 : index
    %get3A_97 = arith.constant 0 : index
    %get3A_98 = vector.load %arg11[%get3A_96, %get3A_97] : memref<128x128xf32, #tpu.memory_space<vmem>>, vector<128x128xf32>
    %dot_general3A_99 = arith.constant dense<0.000000e+00> : vector<1000x128xf32>
    %dot_general3A_100 = tpu.matmul %max3A_58, %get3A_98, %dot_general3A_99 {dimension_numbers = #tpu.dot_dimension_numbers<[1], [0], [0], [1], [0, 0, 1, 1], [], []>, transpose_lhs_hint = false} : vector<1000x128xf32>, vector<128x128xf32>, vector<1000x128xf32> -> vector<1000x128xf32>
    %get3A_101 = arith.constant 0 : index
    %get3A_102 = arith.constant 0 : index
    %get3A_103 = vector.load %arg12[%get3A_101, %get3A_102] : memref<1x128xf32, #tpu.memory_space<vmem>>, vector<1x128xf32>
    %add3A_104 = vector.broadcast %get3A_103 : vector<1x128xf32> to vector<1000x128xf32>
    %add3A_105 = arith.addf %dot_general3A_100, %add3A_104 : vector<1000x128xf32>
    %gt3A_106 = arith.constant 0.000000e+00 : f32
    %gt3A_107 = vector.broadcast %gt3A_106 : f32 to vector<1000x128xf32>
    %gt3A_108 = arith.cmpf ogt, %add3A_105, %gt3A_107 : vector<1000x128xf32>
    %mul3A_109 = arith.constant 2.000000e-01 : f32
    %mul3A_110 = vector.broadcast %mul3A_109 : f32 to vector<1000x128xf32>
    %mul3A_111 = arith.mulf %mul3A_110, %add3A_105 : vector<1000x128xf32>
    %select_n3A_112 = arith.select %gt3A_108, %add3A_105, %mul3A_111 : vector<1000x128xi1>, vector<1000x128xf32>
    %get3A_113 = arith.constant 0 : index
    %get3A_114 = arith.constant 0 : index
    %get3A_115 = vector.load %arg13[%get3A_113, %get3A_114] : memref<128x128xf32, #tpu.memory_space<vmem>>, vector<128x128xf32>
    %dot_general3A_116 = arith.constant dense<0.000000e+00> : vector<1000x128xf32>
    %dot_general3A_117 = tpu.matmul %select_n3A_112, %get3A_115, %dot_general3A_116 {dimension_numbers = #tpu.dot_dimension_numbers<[1], [0], [0], [1], [0, 0, 1, 1], [], []>, transpose_lhs_hint = false} : vector<1000x128xf32>, vector<128x128xf32>, vector<1000x128xf32> -> vector<1000x128xf32>
    %get3A_118 = arith.constant 0 : index
    %get3A_119 = arith.constant 0 : index
    %get3A_120 = vector.load %arg14[%get3A_118, %get3A_119] : memref<1x128xf32, #tpu.memory_space<vmem>>, vector<1x128xf32>
    %add3A_121 = vector.broadcast %get3A_120 : vector<1x128xf32> to vector<1000x128xf32>
    %add3A_122 = arith.addf %dot_general3A_117, %add3A_121 : vector<1000x128xf32>
    %gt3A_123 = arith.constant 0.000000e+00 : f32
    %gt3A_124 = vector.broadcast %gt3A_123 : f32 to vector<1000x128xf32>
    %gt3A_125 = arith.cmpf ogt, %add3A_122, %gt3A_124 : vector<1000x128xf32>
    %mul3A_126 = arith.constant 2.000000e-01 : f32
    %mul3A_127 = vector.broadcast %mul3A_126 : f32 to vector<1000x128xf32>
    %mul3A_128 = arith.mulf %mul3A_127, %add3A_122 : vector<1000x128xf32>
    %select_n3A_129 = arith.select %gt3A_125, %add3A_122, %mul3A_128 : vector<1000x128xi1>, vector<1000x128xf32>
    %get3A_130 = arith.constant 0 : index
    %get3A_131 = arith.constant 0 : index
    %get3A_132 = vector.load %arg15[%get3A_130, %get3A_131] : memref<128x1xf32, #tpu.memory_space<vmem>>, vector<128x1xf32>
    %dot_general3A_133 = arith.constant dense<0.000000e+00> : vector<1000x1xf32>
    %dot_general3A_134 = tpu.matmul %select_n3A_129, %get3A_132, %dot_general3A_133 {dimension_numbers = #tpu.dot_dimension_numbers<[1], [0], [0], [1], [0, 0, 1, 1], [], []>, transpose_lhs_hint = false} : vector<1000x128xf32>, vector<128x1xf32>, vector<1000x1xf32> -> vector<1000x1xf32>
    %get3A_135 = arith.constant 0 : index
    %get3A_136 = arith.constant 0 : index
    %get3A_137 = vector.load %arg16[%get3A_135, %get3A_136] : memref<1x1xf32, #tpu.memory_space<vmem>>, vector<1x1xf32>
    %add3A_138 = vector.broadcast %get3A_137 : vector<1x1xf32> to vector<1000x1xf32>
    %add3A_139 = arith.addf %dot_general3A_134, %add3A_138 : vector<1000x1xf32>
    %logistic3A = arith.negf %add3A_139 : vector<1000x1xf32>
    %logistic3A_140 = math.exp %logistic3A : vector<1000x1xf32>
    %logistic3A_141 = arith.constant 1.000000e+00 : f32
    %logistic3A_142 = vector.broadcast %logistic3A_141 : f32 to vector<1000x1xf32>
    %logistic3A_143 = arith.addf %logistic3A_142, %logistic3A_140 : vector<1000x1xf32>
    %logistic3A_144 = arith.divf %logistic3A_142, %logistic3A_143 : vector<1000x1xf32>
    %swap3A_145 = arith.constant 0 : index
    %swap3A_146 = arith.constant 0 : index
    %swap3A_147 = vector.load %arg19[%swap3A_145, %swap3A_146] : memref<1000x1xf32, #tpu.memory_space<vmem>>, vector<1000x1xf32>
    tpu.vector_store %arg19[%swap3A_145, %swap3A_146], %logistic3A_144 {strides = array<i32>} : memref<1000x1xf32, #tpu.memory_space<vmem>>, vector<1000x1xf32>,
    return
  }
  func.func @transform_0(%arg0: i32) -> (i32, i32, i32) {
    %c0_i32 = arith.constant 0 : i32
    %c0_i32_0 = arith.constant 0 : i32
    %c0_i32_1 = arith.constant 0 : i32
    return %c0_i32, %arg0, %c0_i32_0 : i32, i32, i32
  }
  func.func @transform_1(%arg0: i32) -> (i32, i32) {
    %c0_i32 = arith.constant 0 : i32
    %c0_i32_0 = arith.constant 0 : i32
    return %arg0, %c0_i32 : i32, i32
  }
  func.func @transform_2(%arg0: i32) -> (i32, i32) {
    %c0_i32 = arith.constant 0 : i32
    %c0_i32_0 = arith.constant 0 : i32
    return %arg0, %c0_i32 : i32, i32
  }
  func.func @transform_3(%arg0: i32) -> (i32, i32) {
    %c0_i32 = arith.constant 0 : i32
    %c0_i32_0 = arith.constant 0 : i32
    return %arg0, %c0_i32 : i32, i32
  }
  func.func @transform_4(%arg0: i32) -> (i32, i32) {
    %c0_i32 = arith.constant 0 : i32
    %c0_i32_0 = arith.constant 0 : i32
    %c0_i32_1 = arith.constant 0 : i32
    return %c0_i32, %c0_i32_0 : i32, i32
  }
  func.func @transform_5(%arg0: i32) -> (i32, i32) {
    %c0_i32 = arith.constant 0 : i32
    %c0_i32_0 = arith.constant 0 : i32
    %c0_i32_1 = arith.constant 0 : i32
    return %c0_i32, %c0_i32_0 : i32, i32
  }
  func.func @transform_6(%arg0: i32) -> (i32, i32) {
    %c0_i32 = arith.constant 0 : i32
    %c0_i32_0 = arith.constant 0 : i32
    %c0_i32_1 = arith.constant 0 : i32
    return %c0_i32, %c0_i32_0 : i32, i32
  }
  func.func @transform_7(%arg0: i32) -> (i32, i32) {
    %c0_i32 = arith.constant 0 : i32
    %c0_i32_0 = arith.constant 0 : i32
    %c0_i32_1 = arith.constant 0 : i32
    return %c0_i32, %c0_i32_0 : i32, i32
  }
  func.func @transform_8(%arg0: i32) -> (i32, i32) {
    %c0_i32 = arith.constant 0 : i32
    %c0_i32_0 = arith.constant 0 : i32
    %c0_i32_1 = arith.constant 0 : i32
    return %c0_i32, %c0_i32_0 : i32, i32
  }
  func.func @transform_9(%arg0: i32) -> (i32, i32) {
    %c0_i32 = arith.constant 0 : i32
    %c0_i32_0 = arith.constant 0 : i32
    %c0_i32_1 = arith.constant 0 : i32
    return %c0_i32, %c0_i32_0 : i32, i32
  }
  func.func @transform_10(%arg0: i32) -> (i32, i32) {
    %c0_i32 = arith.constant 0 : i32
    %c0_i32_0 = arith.constant 0 : i32
    %c0_i32_1 = arith.constant 0 : i32
    return %c0_i32, %c0_i32_0 : i32, i32
  }
  func.func @transform_11(%arg0: i32) -> (i32, i32) {
    %c0_i32 = arith.constant 0 : i32
    %c0_i32_0 = arith.constant 0 : i32
    %c0_i32_1 = arith.constant 0 : i32
    return %c0_i32, %c0_i32_0 : i32, i32
  }
  func.func @transform_12(%arg0: i32) -> (i32, i32) {
    %c0_i32 = arith.constant 0 : i32
    %c0_i32_0 = arith.constant 0 : i32
    %c0_i32_1 = arith.constant 0 : i32
    return %c0_i32, %c0_i32_0 : i32, i32
  }
  func.func @transform_13(%arg0: i32) -> (i32, i32) {
    %c0_i32 = arith.constant 0 : i32
    %c0_i32_0 = arith.constant 0 : i32
    %c0_i32_1 = arith.constant 0 : i32
    return %c0_i32, %c0_i32_0 : i32, i32
  }
  func.func @transform_14(%arg0: i32) -> (i32, i32) {
    %c0_i32 = arith.constant 0 : i32
    %c0_i32_0 = arith.constant 0 : i32
    %c0_i32_1 = arith.constant 0 : i32
    return %c0_i32, %c0_i32_0 : i32, i32
  }
  func.func @transform_15(%arg0: i32) -> (i32, i32) {
    %c0_i32 = arith.constant 0 : i32
    %c0_i32_0 = arith.constant 0 : i32
    %c0_i32_1 = arith.constant 0 : i32
    return %c0_i32, %c0_i32_0 : i32, i32
  }
  func.func @transform_16(%arg0: i32) -> (i32, i32) {
    %c0_i32 = arith.constant 0 : i32
    %c0_i32_0 = arith.constant 0 : i32
    return %arg0, %c0_i32 : i32, i32
  }
  func.func @transform_17(%arg0: i32) -> (i32, i32) {
    %c0_i32 = arith.constant 0 : i32
    %c0_i32_0 = arith.constant 0 : i32
    return %arg0, %c0_i32 : i32, i32
  }
  func.func @transform_18(%arg0: i32) -> (i32, i32) {
    %c0_i32 = arith.constant 0 : i32
    %c0_i32_0 = arith.constant 0 : i32
    return %arg0, %c0_i32 : i32, i32
  }
  func.func @transform_19(%arg0: i32) -> (i32, i32) {
    %c0_i32 = arith.constant 0 : i32
    %c0_i32_0 = arith.constant 0 : i32
    return %arg0, %c0_i32 : i32, i32
  }
  func.func @transform_20(%arg0: i32) -> (i32, i32) {
    %c0_i32 = arith.constant 0 : i32
    %c0_i32_0 = arith.constant 0 : i32
    return %arg0, %c0_i32 : i32, i32
  }
}

module attributes {stable_mosaic.version = 14 : i64} {
  func.func @_final_body(%arg0: i32, %arg1: memref<2x1000x128xf32, #tpu.memory_space<vmem>>, %arg2: memref<1000x2xf32, #tpu.memory_space<vmem>>, %arg3: memref<1000x128xf32, #tpu.memory_space<vmem>>, %arg4: memref<1000x1xi32, #tpu.memory_space<vmem>>, %arg5: memref<128x128xf32, #tpu.memory_space<vmem>>, %arg6: memref<128x128xf32, #tpu.memory_space<vmem>>, %arg7: memref<1x128xf32, #tpu.memory_space<vmem>>, %arg8: memref<128x128xf32, #tpu.memory_space<vmem>>, %arg9: memref<1x128xf32, #tpu.memory_space<vmem>>, %arg10: memref<128x128xf32, #tpu.memory_space<vmem>>, %arg11: memref<1x128xf32, #tpu.memory_space<vmem>>, %arg12: memref<128x1xf32, #tpu.memory_space<vmem>>, %arg13: memref<1x1xf32, #tpu.memory_space<vmem>>, %arg14: memref<128x128xf32, #tpu.memory_space<vmem>>, %arg15: memref<1x128xf32, #tpu.memory_space<vmem>>, %arg16: memref<128x128xf32, #tpu.memory_space<vmem>>, %arg17: memref<1x128xf32, #tpu.memory_space<vmem>>, %arg18: memref<128x1xf32, #tpu.memory_space<vmem>>, %arg19: memref<1x1xf32, #tpu.memory_space<vmem>>, %arg20: memref<1000x128xf32, #tpu.memory_space<vmem>>, %arg21: memref<1000x1xf32, #tpu.memory_space<vmem>>) attributes {dimension_semantics = [#tpu.dimension_semantics<arbitrary>], iteration_bounds = array<i64: 10>, scalar_prefetch = 0 : i64, scratch_operands = 0 : i64, tpu.core_type = #tpu.core_type<tc>, window_params = [{transform_indices = @transform_0, window_bounds = array<i64: 2, 1000, 128>}, {transform_indices = @transform_1, window_bounds = array<i64: 1000, 2>}, {transform_indices = @transform_2, window_bounds = array<i64: 1000, 128>}, {transform_indices = @transform_3, window_bounds = array<i64: 1000, 1>}, {pipeline_mode = #tpu.pipeline_mode<synchronous>, transform_indices = @transform_4, window_bounds = array<i64: 128, 128>}, {pipeline_mode = #tpu.pipeline_mode<synchronous>, transform_indices = @transform_5, window_bounds = array<i64: 128, 128>}, {pipeline_mode = #tpu.pipeline_mode<synchronous>, transform_indices = @transform_6, window_bounds = array<i64: 1, 128>}, {pipeline_mode = #tpu.pipeline_mode<synchronous>, transform_indices = @transform_7, window_bounds = array<i64: 128, 128>}, {pipeline_mode = #tpu.pipeline_mode<synchronous>, transform_indices = @transform_8, window_bounds = array<i64: 1, 128>}, {pipeline_mode = #tpu.pipeline_mode<synchronous>, transform_indices = @transform_9, window_bounds = array<i64: 128, 128>}, {pipeline_mode = #tpu.pipeline_mode<synchronous>, transform_indices = @transform_10, window_bounds = array<i64: 1, 128>}, {pipeline_mode = #tpu.pipeline_mode<synchronous>, transform_indices = @transform_11, window_bounds = array<i64: 128, 1>}, {pipeline_mode = #tpu.pipeline_mode<synchronous>, transform_indices = @transform_12, window_bounds = array<i64: 1, 1>}, {pipeline_mode = #tpu.pipeline_mode<synchronous>, transform_indices = @transform_13, window_bounds = array<i64: 128, 128>}, {pipeline_mode = #tpu.pipeline_mode<synchronous>, transform_indices = @transform_14, window_bounds = array<i64: 1, 128>}, {pipeline_mode = #tpu.pipeline_mode<synchronous>, transform_indices = @transform_15, window_bounds = array<i64: 128, 128>}, {pipeline_mode = #tpu.pipeline_mode<synchronous>, transform_indices = @transform_16, window_bounds = array<i64: 1, 128>}, {pipeline_mode = #tpu.pipeline_mode<synchronous>, transform_indices = @transform_17, window_bounds = array<i64: 128, 1>}, {pipeline_mode = #tpu.pipeline_mode<synchronous>, transform_indices = @transform_18, window_bounds = array<i64: 1, 1>}, {transform_indices = @transform_19, window_bounds = array<i64: 1000, 128>}, {transform_indices = @transform_20, window_bounds = array<i64: 1000, 1>}]} {
    %get3A = arith.constant 0 : index
    %get3A_0 = arith.constant 0 : index
    %get3A_1 = vector.load %arg2[%get3A, %get3A_0] : memref<1000x2xf32, #tpu.memory_space<vmem>>, vector<1000x1xf32>
    %get3A_2 = arith.constant 0 : index
    %get3A_3 = arith.constant 1 : index
    %get3A_4 = vector.load %arg2[%get3A_2, %get3A_3] : memref<1000x2xf32, #tpu.memory_space<vmem>>, vector<1000x1xf32>
    %add3A = arith.addf %get3A_1, %get3A_4 : vector<1000x1xf32>
    %add3A_5 = arith.constant 9.99999971E-10 : f32
    %add3A_6 = vector.broadcast %add3A_5 : f32 to vector<1000x1xf32>
    %add3A_7 = arith.addf %add3A, %add3A_6 : vector<1000x1xf32>
    %get3A_8 = arith.constant 0 : index
    %get3A_9 = arith.constant 0 : index
    %get3A_10 = arith.constant 0 : index
    %get3A_11 = vector.load %arg1[%get3A_8, %get3A_9, %get3A_10] : memref<2x1000x128xf32, #tpu.memory_space<vmem>>, vector<1x1000x128xf32>
    %get3A_12 = vector.shape_cast %get3A_11 : vector<1x1000x128xf32> to vector<1000x128xf32>
    %get3A_13 = arith.constant 1 : index
    %get3A_14 = arith.constant 0 : index
    %get3A_15 = arith.constant 0 : index
    %get3A_16 = vector.load %arg1[%get3A_13, %get3A_14, %get3A_15] : memref<2x1000x128xf32, #tpu.memory_space<vmem>>, vector<1x1000x128xf32>
    %get3A_17 = vector.shape_cast %get3A_16 : vector<1x1000x128xf32> to vector<1000x128xf32>
    %add3A_18 = arith.addf %get3A_12, %get3A_17 : vector<1000x128xf32>
    %div3A = vector.broadcast %add3A_7 : vector<1000x1xf32> to vector<1000x128xf32>
    %div3A_19 = arith.divf %add3A_18, %div3A : vector<1000x128xf32>
    %get3A_20 = arith.constant 0 : index
    %get3A_21 = arith.constant 0 : index
    %get3A_22 = vector.load %arg3[%get3A_20, %get3A_21] : memref<1000x128xf32, #tpu.memory_space<vmem>>, vector<1000x128xf32>
    %get3A_23 = arith.constant 0 : index
    %get3A_24 = arith.constant 0 : index
    %get3A_25 = vector.load %arg5[%get3A_23, %get3A_24] : memref<128x128xf32, #tpu.memory_space<vmem>>, vector<128x128xf32>
    %dot_general3A = arith.constant dense<0.000000e+00> : vector<1000x128xf32>
    %dot_general3A_26 = tpu.matmul %get3A_22, %get3A_25, %dot_general3A {dimension_numbers = #tpu.dot_dimension_numbers<[1], [0], [0], [1], [0, 0, 1, 1], [], []>, transpose_lhs_hint = false} : vector<1000x128xf32>, vector<128x128xf32>, vector<1000x128xf32> -> vector<1000x128xf32>
    %get3A_27 = arith.constant 0 : index
    %get3A_28 = arith.constant 0 : index
    %get3A_29 = vector.load %arg6[%get3A_27, %get3A_28] : memref<128x128xf32, #tpu.memory_space<vmem>>, vector<128x128xf32>
    %dot_general3A_30 = arith.constant dense<0.000000e+00> : vector<1000x128xf32>
    %dot_general3A_31 = tpu.matmul %div3A_19, %get3A_29, %dot_general3A_30 {dimension_numbers = #tpu.dot_dimension_numbers<[1], [0], [0], [1], [0, 0, 1, 1], [], []>, transpose_lhs_hint = false} : vector<1000x128xf32>, vector<128x128xf32>, vector<1000x128xf32> -> vector<1000x128xf32>
    %add3A_32 = arith.addf %dot_general3A_26, %dot_general3A_31 : vector<1000x128xf32>
    %get3A_33 = arith.constant 0 : index
    %get3A_34 = arith.constant 0 : index
    %get3A_35 = vector.load %arg7[%get3A_33, %get3A_34] : memref<1x128xf32, #tpu.memory_space<vmem>>, vector<1x128xf32>
    %add3A_36 = vector.broadcast %get3A_35 : vector<1x128xf32> to vector<1000x128xf32>
    %add3A_37 = arith.addf %add3A_32, %add3A_36 : vector<1000x128xf32>
    %swap3A = arith.constant 0 : index
    %swap3A_38 = arith.constant 0 : index
    %swap3A_39 = vector.load %arg20[%swap3A, %swap3A_38] : memref<1000x128xf32, #tpu.memory_space<vmem>>, vector<1000x128xf32>
    tpu.vector_store %arg20[%swap3A, %swap3A_38], %add3A_37 {strides = array<i32>} : memref<1000x128xf32, #tpu.memory_space<vmem>>, vector<1000x128xf32>,
    %get3A_40 = arith.constant 0 : index
    %get3A_41 = arith.constant 0 : index
    %get3A_42 = vector.load %arg8[%get3A_40, %get3A_41] : memref<128x128xf32, #tpu.memory_space<vmem>>, vector<128x128xf32>
    %dot_general3A_43 = arith.constant dense<0.000000e+00> : vector<1000x128xf32>
    %dot_general3A_44 = tpu.matmul %add3A_37, %get3A_42, %dot_general3A_43 {dimension_numbers = #tpu.dot_dimension_numbers<[1], [0], [0], [1], [0, 0, 1, 1], [], []>, transpose_lhs_hint = false} : vector<1000x128xf32>, vector<128x128xf32>, vector<1000x128xf32> -> vector<1000x128xf32>
    %get3A_45 = arith.constant 0 : index
    %get3A_46 = arith.constant 0 : index
    %get3A_47 = vector.load %arg9[%get3A_45, %get3A_46] : memref<1x128xf32, #tpu.memory_space<vmem>>, vector<1x128xf32>
    %add3A_48 = vector.broadcast %get3A_47 : vector<1x128xf32> to vector<1000x128xf32>
    %add3A_49 = arith.addf %dot_general3A_44, %add3A_48 : vector<1000x128xf32>
    %gt3A = arith.constant 0.000000e+00 : f32
    %gt3A_50 = vector.broadcast %gt3A : f32 to vector<1000x128xf32>
    %gt3A_51 = arith.cmpf ogt, %add3A_49, %gt3A_50 : vector<1000x128xf32>
    %mul3A = arith.constant 2.000000e-01 : f32
    %mul3A_52 = vector.broadcast %mul3A : f32 to vector<1000x128xf32>
    %mul3A_53 = arith.mulf %mul3A_52, %add3A_49 : vector<1000x128xf32>
    %select_n3A = arith.select %gt3A_51, %add3A_49, %mul3A_53 : vector<1000x128xi1>, vector<1000x128xf32>
    %get3A_54 = arith.constant 0 : index
    %get3A_55 = arith.constant 0 : index
    %get3A_56 = vector.load %arg10[%get3A_54, %get3A_55] : memref<128x128xf32, #tpu.memory_space<vmem>>, vector<128x128xf32>
    %dot_general3A_57 = arith.constant dense<0.000000e+00> : vector<1000x128xf32>
    %dot_general3A_58 = tpu.matmul %select_n3A, %get3A_56, %dot_general3A_57 {dimension_numbers = #tpu.dot_dimension_numbers<[1], [0], [0], [1], [0, 0, 1, 1], [], []>, transpose_lhs_hint = false} : vector<1000x128xf32>, vector<128x128xf32>, vector<1000x128xf32> -> vector<1000x128xf32>
    %get3A_59 = arith.constant 0 : index
    %get3A_60 = arith.constant 0 : index
    %get3A_61 = vector.load %arg11[%get3A_59, %get3A_60] : memref<1x128xf32, #tpu.memory_space<vmem>>, vector<1x128xf32>
    %add3A_62 = vector.broadcast %get3A_61 : vector<1x128xf32> to vector<1000x128xf32>
    %add3A_63 = arith.addf %dot_general3A_58, %add3A_62 : vector<1000x128xf32>
    %gt3A_64 = arith.constant 0.000000e+00 : f32
    %gt3A_65 = vector.broadcast %gt3A_64 : f32 to vector<1000x128xf32>
    %gt3A_66 = arith.cmpf ogt, %add3A_63, %gt3A_65 : vector<1000x128xf32>
    %mul3A_67 = arith.constant 2.000000e-01 : f32
    %mul3A_68 = vector.broadcast %mul3A_67 : f32 to vector<1000x128xf32>
    %mul3A_69 = arith.mulf %mul3A_68, %add3A_63 : vector<1000x128xf32>
    %select_n3A_70 = arith.select %gt3A_66, %add3A_63, %mul3A_69 : vector<1000x128xi1>, vector<1000x128xf32>
    %get3A_71 = arith.constant 0 : index
    %get3A_72 = arith.constant 0 : index
    %get3A_73 = vector.load %arg12[%get3A_71, %get3A_72] : memref<128x1xf32, #tpu.memory_space<vmem>>, vector<128x1xf32>
    %dot_general3A_74 = arith.constant dense<0.000000e+00> : vector<1000x1xf32>
    %dot_general3A_75 = tpu.matmul %select_n3A_70, %get3A_73, %dot_general3A_74 {dimension_numbers = #tpu.dot_dimension_numbers<[1], [0], [0], [1], [0, 0, 1, 1], [], []>, transpose_lhs_hint = false} : vector<1000x128xf32>, vector<128x1xf32>, vector<1000x1xf32> -> vector<1000x1xf32>
    %get3A_76 = arith.constant 0 : index
    %get3A_77 = arith.constant 0 : index
    %get3A_78 = vector.load %arg13[%get3A_76, %get3A_77] : memref<1x1xf32, #tpu.memory_space<vmem>>, vector<1x1xf32>
    %add3A_79 = vector.broadcast %get3A_78 : vector<1x1xf32> to vector<1000x1xf32>
    %add3A_80 = arith.addf %dot_general3A_75, %add3A_79 : vector<1000x1xf32>
    %get3A_81 = arith.constant 0 : index
    %get3A_82 = arith.constant 0 : index
    %get3A_83 = vector.load %arg14[%get3A_81, %get3A_82] : memref<128x128xf32, #tpu.memory_space<vmem>>, vector<128x128xf32>
    %dot_general3A_84 = arith.constant dense<0.000000e+00> : vector<1000x128xf32>
    %dot_general3A_85 = tpu.matmul %add3A_37, %get3A_83, %dot_general3A_84 {dimension_numbers = #tpu.dot_dimension_numbers<[1], [0], [0], [1], [0, 0, 1, 1], [], []>, transpose_lhs_hint = false} : vector<1000x128xf32>, vector<128x128xf32>, vector<1000x128xf32> -> vector<1000x128xf32>
    %get3A_86 = arith.constant 0 : index
    %get3A_87 = arith.constant 0 : index
    %get3A_88 = vector.load %arg15[%get3A_86, %get3A_87] : memref<1x128xf32, #tpu.memory_space<vmem>>, vector<1x128xf32>
    %add3A_89 = vector.broadcast %get3A_88 : vector<1x128xf32> to vector<1000x128xf32>
    %add3A_90 = arith.addf %dot_general3A_85, %add3A_89 : vector<1000x128xf32>
    %gt3A_91 = arith.constant 0.000000e+00 : f32
    %gt3A_92 = vector.broadcast %gt3A_91 : f32 to vector<1000x128xf32>
    %gt3A_93 = arith.cmpf ogt, %add3A_90, %gt3A_92 : vector<1000x128xf32>
    %mul3A_94 = arith.constant 2.000000e-01 : f32
    %mul3A_95 = vector.broadcast %mul3A_94 : f32 to vector<1000x128xf32>
    %mul3A_96 = arith.mulf %mul3A_95, %add3A_90 : vector<1000x128xf32>
    %select_n3A_97 = arith.select %gt3A_93, %add3A_90, %mul3A_96 : vector<1000x128xi1>, vector<1000x128xf32>
    %get3A_98 = arith.constant 0 : index
    %get3A_99 = arith.constant 0 : index
    %get3A_100 = vector.load %arg16[%get3A_98, %get3A_99] : memref<128x128xf32, #tpu.memory_space<vmem>>, vector<128x128xf32>
    %dot_general3A_101 = arith.constant dense<0.000000e+00> : vector<1000x128xf32>
    %dot_general3A_102 = tpu.matmul %select_n3A_97, %get3A_100, %dot_general3A_101 {dimension_numbers = #tpu.dot_dimension_numbers<[1], [0], [0], [1], [0, 0, 1, 1], [], []>, transpose_lhs_hint = false} : vector<1000x128xf32>, vector<128x128xf32>, vector<1000x128xf32> -> vector<1000x128xf32>
    %get3A_103 = arith.constant 0 : index
    %get3A_104 = arith.constant 0 : index
    %get3A_105 = vector.load %arg17[%get3A_103, %get3A_104] : memref<1x128xf32, #tpu.memory_space<vmem>>, vector<1x128xf32>
    %add3A_106 = vector.broadcast %get3A_105 : vector<1x128xf32> to vector<1000x128xf32>
    %add3A_107 = arith.addf %dot_general3A_102, %add3A_106 : vector<1000x128xf32>
    %gt3A_108 = arith.constant 0.000000e+00 : f32
    %gt3A_109 = vector.broadcast %gt3A_108 : f32 to vector<1000x128xf32>
    %gt3A_110 = arith.cmpf ogt, %add3A_107, %gt3A_109 : vector<1000x128xf32>
    %mul3A_111 = arith.constant 2.000000e-01 : f32
    %mul3A_112 = vector.broadcast %mul3A_111 : f32 to vector<1000x128xf32>
    %mul3A_113 = arith.mulf %mul3A_112, %add3A_107 : vector<1000x128xf32>
    %select_n3A_114 = arith.select %gt3A_110, %add3A_107, %mul3A_113 : vector<1000x128xi1>, vector<1000x128xf32>
    %get3A_115 = arith.constant 0 : index
    %get3A_116 = arith.constant 0 : index
    %get3A_117 = vector.load %arg18[%get3A_115, %get3A_116] : memref<128x1xf32, #tpu.memory_space<vmem>>, vector<128x1xf32>
    %dot_general3A_118 = arith.constant dense<0.000000e+00> : vector<1000x1xf32>
    %dot_general3A_119 = tpu.matmul %select_n3A_114, %get3A_117, %dot_general3A_118 {dimension_numbers = #tpu.dot_dimension_numbers<[1], [0], [0], [1], [0, 0, 1, 1], [], []>, transpose_lhs_hint = false} : vector<1000x128xf32>, vector<128x1xf32>, vector<1000x1xf32> -> vector<1000x1xf32>
    %get3A_120 = arith.constant 0 : index
    %get3A_121 = arith.constant 0 : index
    %get3A_122 = vector.load %arg19[%get3A_120, %get3A_121] : memref<1x1xf32, #tpu.memory_space<vmem>>, vector<1x1xf32>
    %add3A_123 = vector.broadcast %get3A_122 : vector<1x1xf32> to vector<1000x1xf32>
    %add3A_124 = arith.addf %dot_general3A_119, %add3A_123 : vector<1000x1xf32>
    %get3A_125 = arith.constant 0 : index
    %get3A_126 = arith.constant 0 : index
    %get3A_127 = vector.load %arg4[%get3A_125, %get3A_126] : memref<1000x1xi32, #tpu.memory_space<vmem>>, vector<1000x1xi32>
    %gt3A_128 = arith.constant 0 : i32
    %gt3A_129 = vector.broadcast %gt3A_128 : i32 to vector<1000x1xi32>
    %gt3A_130 = arith.cmpi sgt, %get3A_127, %gt3A_129 : vector<1000x1xi32>
    %select_n3A_131 = arith.select %gt3A_130, %add3A_80, %add3A_124 : vector<1000x1xi1>, vector<1000x1xf32>
    %swap3A_132 = arith.constant 0 : index
    %swap3A_133 = arith.constant 0 : index
    %swap3A_134 = vector.load %arg21[%swap3A_132, %swap3A_133] : memref<1000x1xf32, #tpu.memory_space<vmem>>, vector<1000x1xf32>
    tpu.vector_store %arg21[%swap3A_132, %swap3A_133], %select_n3A_131 {strides = array<i32>} : memref<1000x1xf32, #tpu.memory_space<vmem>>, vector<1000x1xf32>,
    return
  }
  func.func @transform_0(%arg0: i32) -> (i32, i32, i32) {
    %c0_i32 = arith.constant 0 : i32
    %c0_i32_0 = arith.constant 0 : i32
    %c0_i32_1 = arith.constant 0 : i32
    return %c0_i32, %arg0, %c0_i32_0 : i32, i32, i32
  }
  func.func @transform_1(%arg0: i32) -> (i32, i32) {
    %c0_i32 = arith.constant 0 : i32
    %c0_i32_0 = arith.constant 0 : i32
    return %arg0, %c0_i32 : i32, i32
  }
  func.func @transform_2(%arg0: i32) -> (i32, i32) {
    %c0_i32 = arith.constant 0 : i32
    %c0_i32_0 = arith.constant 0 : i32
    return %arg0, %c0_i32 : i32, i32
  }
  func.func @transform_3(%arg0: i32) -> (i32, i32) {
    %c0_i32 = arith.constant 0 : i32
    %c0_i32_0 = arith.constant 0 : i32
    return %arg0, %c0_i32 : i32, i32
  }
  func.func @transform_4(%arg0: i32) -> (i32, i32) {
    %c0_i32 = arith.constant 0 : i32
    %c0_i32_0 = arith.constant 0 : i32
    %c0_i32_1 = arith.constant 0 : i32
    return %c0_i32, %c0_i32_0 : i32, i32
  }
  func.func @transform_5(%arg0: i32) -> (i32, i32) {
    %c0_i32 = arith.constant 0 : i32
    %c0_i32_0 = arith.constant 0 : i32
    %c0_i32_1 = arith.constant 0 : i32
    return %c0_i32, %c0_i32_0 : i32, i32
  }
  func.func @transform_6(%arg0: i32) -> (i32, i32) {
    %c0_i32 = arith.constant 0 : i32
    %c0_i32_0 = arith.constant 0 : i32
    %c0_i32_1 = arith.constant 0 : i32
    return %c0_i32, %c0_i32_0 : i32, i32
  }
  func.func @transform_7(%arg0: i32) -> (i32, i32) {
    %c0_i32 = arith.constant 0 : i32
    %c0_i32_0 = arith.constant 0 : i32
    %c0_i32_1 = arith.constant 0 : i32
    return %c0_i32, %c0_i32_0 : i32, i32
  }
  func.func @transform_8(%arg0: i32) -> (i32, i32) {
    %c0_i32 = arith.constant 0 : i32
    %c0_i32_0 = arith.constant 0 : i32
    %c0_i32_1 = arith.constant 0 : i32
    return %c0_i32, %c0_i32_0 : i32, i32
  }
  func.func @transform_9(%arg0: i32) -> (i32, i32) {
    %c0_i32 = arith.constant 0 : i32
    %c0_i32_0 = arith.constant 0 : i32
    %c0_i32_1 = arith.constant 0 : i32
    return %c0_i32, %c0_i32_0 : i32, i32
  }
  func.func @transform_10(%arg0: i32) -> (i32, i32) {
    %c0_i32 = arith.constant 0 : i32
    %c0_i32_0 = arith.constant 0 : i32
    %c0_i32_1 = arith.constant 0 : i32
    return %c0_i32, %c0_i32_0 : i32, i32
  }
  func.func @transform_11(%arg0: i32) -> (i32, i32) {
    %c0_i32 = arith.constant 0 : i32
    %c0_i32_0 = arith.constant 0 : i32
    %c0_i32_1 = arith.constant 0 : i32
    return %c0_i32, %c0_i32_0 : i32, i32
  }
  func.func @transform_12(%arg0: i32) -> (i32, i32) {
    %c0_i32 = arith.constant 0 : i32
    %c0_i32_0 = arith.constant 0 : i32
    %c0_i32_1 = arith.constant 0 : i32
    return %c0_i32, %c0_i32_0 : i32, i32
  }
  func.func @transform_13(%arg0: i32) -> (i32, i32) {
    %c0_i32 = arith.constant 0 : i32
    %c0_i32_0 = arith.constant 0 : i32
    %c0_i32_1 = arith.constant 0 : i32
    return %c0_i32, %c0_i32_0 : i32, i32
  }
  func.func @transform_14(%arg0: i32) -> (i32, i32) {
    %c0_i32 = arith.constant 0 : i32
    %c0_i32_0 = arith.constant 0 : i32
    %c0_i32_1 = arith.constant 0 : i32
    return %c0_i32, %c0_i32_0 : i32, i32
  }
  func.func @transform_15(%arg0: i32) -> (i32, i32) {
    %c0_i32 = arith.constant 0 : i32
    %c0_i32_0 = arith.constant 0 : i32
    %c0_i32_1 = arith.constant 0 : i32
    return %c0_i32, %c0_i32_0 : i32, i32
  }
  func.func @transform_16(%arg0: i32) -> (i32, i32) {
    %c0_i32 = arith.constant 0 : i32
    %c0_i32_0 = arith.constant 0 : i32
    %c0_i32_1 = arith.constant 0 : i32
    return %c0_i32, %c0_i32_0 : i32, i32
  }
  func.func @transform_17(%arg0: i32) -> (i32, i32) {
    %c0_i32 = arith.constant 0 : i32
    %c0_i32_0 = arith.constant 0 : i32
    %c0_i32_1 = arith.constant 0 : i32
    return %c0_i32, %c0_i32_0 : i32, i32
  }
  func.func @transform_18(%arg0: i32) -> (i32, i32) {
    %c0_i32 = arith.constant 0 : i32
    %c0_i32_0 = arith.constant 0 : i32
    %c0_i32_1 = arith.constant 0 : i32
    return %c0_i32, %c0_i32_0 : i32, i32
  }
  func.func @transform_19(%arg0: i32) -> (i32, i32) {
    %c0_i32 = arith.constant 0 : i32
    %c0_i32_0 = arith.constant 0 : i32
    return %arg0, %c0_i32 : i32, i32
  }
  func.func @transform_20(%arg0: i32) -> (i32, i32) {
    %c0_i32 = arith.constant 0 : i32
    %c0_i32_0 = arith.constant 0 : i32
    return %arg0, %c0_i32 : i32, i32
  }
}

</mosaic_0001>

<sc_bundles>
// kernel: kernel.11.cloned.1.call-start
scs
__scs_entry_jumppad:
0x0: {  	(pc) =	sbr.rel $0x88, $3  }
0x1: {  	(tag) =	ssettag $0x0;
	lr =	simm.s32 $0x1  }
0x2: {  	[smem:$0x3F84] =	sst lr;
	_ =	strace $0xD0000000  }
0x3: {  	_ = 	snop  }
0x4: {  	_ = 	snop  }
0x5: {  	_ = 	snop  }
0x6: {  	_ = 	snop  }
0x7: {  	_ = 	snop  }
__scs_overlays_trampoline_lowered:
0x8: {  	[smem:$0x3F93] =	sst s0  }
0x9: {  	[smem:$0x3F94] =	sst s1  }
0xa: {  	[smem:$0x3F95] =	sst s2  }
0xb: {  	[smem:$0x3F96] =	sst s3  }
0xc: {  	[smem:$0x3F97] =	sst s4  }
0xd: {  	[smem:$0x3F98] =	sst s5  }
0xe: {  	[smem:$0x3F99] =	sst s6  }
0xf: {  	[smem:$0x3F9A] =	sst s7  }
0x10: {  	[smem:$0x3F9B] =	sst s8  }
0x11: {  	[smem:$0x3F9C] =	sst s9;
	s0 =	simm.s32 @!p0 $0x0  }
0x12: {  	s1 =	sld [smem:$0x3F82];
	s0 =	simm.s32 @p0 $0x1  }
0x13: {  	[smem:$0x3F9D] =	sst s0;
	s0 =	simm.s32 @!p1 $0x0  }
0x14: {  	s2 =	sld [smem:$0x3F81];
	s0 =	simm.s32 @p1 $0x1  }
0x15: {  	[smem:$0x3F9E] =	sst s0;
	s0 =	simm.s32 @!p2 $0x0  }
0x16: {  	s3 =	sld [smem:$0x3FDB];
	s0 =	simm.s32 @p2 $0x1  }
0x17: {  	s4 =	simm.s32 $0x1BF5;
	[smem:$0x3FA0] =	sst s0  }
0x18: {  	s0 =	sld [smem:$0x3F83];
	_ =	swait.ge [sflag:s4], $0x0  }
0x19: {  	s7 =	sld [smem:$0x3F84]  }
0x1a: {  	s8 =	sadd.s32 $0xFFFFE003, lr  }
0x1b: {  	s9 =	sadd.s32 $0xFFFFFEF7, lr;
	s5 =	simm.s32 $0xFFFFFFFF;
	p2 =	slt.u32 s8, $0xFFFFF086  }
0x1c: {  	p1 =	slt.u32 s9, $0xF7A;
	s5 =	simm.s32 @!p2 $0x0  }
0x1d: {  	s5 =	simm.s32 @p1 $0x1;
	p0 =	seq.s32 s7, s2  }
0x1e: {  	s7 =	smul.u32 @!p0 $0xF7A, s2;
	p2 =	seq.s32 @!p0 s5, $0x0  }
0x1f: {  	s9 =	smul.u32 $0xF7A, s1;
	s8 =	simm.s32 @!p0 $0x1BF5;
	p2 =	por !p2, p0  }
0x20: {  	[sflag:s8] =	ssyncset.s32 @!p0 $0xFFFFF086;
	s6 =	sadd.s32 @!p0 s3, s7;
	s7 =	simm.s32 @!p0 $0x108  }
0x21: {  	s3 =	sadd.s32 s3, s9;
	s6 =	sadd.s32 @!p0 $0x88, s6;
	s7 =	simm.s32 @p2 $0x1082  }
0x22: {  	[simem:s7], [sflag:s8] =	dma.local @!p0 [hbm:s6], $0xF7A  }
0x23: {  	s9 =	sor.u32 $0xD0000000, s2;
	s6 =	simm.s32 $0x108;
	_ =	swait.ge @!p0 [sflag:s8], $0x0  }
0x24: {  	s3 =	sadd.s32 $0x88, s3;
	s6 =	simm.s32 @!p1 $0x1082;
	[sflag:s4] =	ssyncset.s32 $0xFFFFF086  }
0x25: {  	[simem:s6], [sflag:s4] =	dma.local [hbm:s3], $0xF7A  }
0x26: {  	[smem:$0x3F84] =	sst s1;
	(tag) =	ssettag s2;
	_ =	strace s9  }
0x27: {  	s1 =	sld [smem:$0x3F94]  }
0x28: {  	s2 =	sld [smem:$0x3F95]  }
0x29: {  	s4 =	sld [smem:$0x3F97]  }
0x2a: {  	p0 =	seq.s32 s5, $0x0;
	s5 =	sld [smem:$0x3F98]  }
0x2b: {  	s6 =	sld [smem:$0x3F99]  }
0x2c: {  	s7 =	sld [smem:$0x3F9A]  }
0x2d: {  	s3 =	simm.s32 $0x108;
	s8 =	sld [smem:$0x3F9B]  }
0x2e: {  	s3 =	simm.s32 @!p0 $0x1082;
	s9 =	sld [smem:$0x3F9C]  }
0x2f: {  	lr =	sadd.s32 s0, s3;
	s0 =	sld [smem:$0x3F93]  }
0x30: {  	s3 =	sld [smem:$0x3F96]  }
0x31: {  	[smem:$0x3F9F] =	sst s10  }
0x32: {  	s10 =	sld [smem:$0x3F9D];
	_ =	sdelay $0x3  }
0x33: {  	p0 =	seq.s32 s10, $0x1;
	s10 =	sld [smem:$0x3F9F];
	_ =	sdelay $0x3  }
0x34: {  	[smem:$0x3F9F] =	sst s10  }
0x35: {  	s10 =	sld [smem:$0x3F9E];
	_ =	sdelay $0x3  }
0x36: {  	p1 =	seq.s32 s10, $0x1;
	s10 =	sld [smem:$0x3F9F];
	_ =	sdelay $0x3  }
0x37: {  	[smem:$0x3F9F] =	sst s10  }
0x38: {  	s10 =	sld [smem:$0x3FA0]  }
0x39: {  	_ = 	snop;
	(pc) =	sbr.ind lr, $3  }
0x3a: {  	_ = 	snop  }
0x3b: {  	_ = 	snop  }
0x3c: {  	p2 =	seq.s32 s10, $0x1;
	s10 =	sld [smem:$0x3F9F]  }
0x3d: {  	_ =	shalt  }
0x3e: {  	_ =	shalt  }
0x3f: {  	_ =	shalt  }
0x40: {  	_ =	shalt  }
0x41: {  	_ =	shalt  }
0x42: {  	_ =	shalt  }
0x43: {  	_ =	shalt  }
0x44: {  	_ =	shalt  }
0x45: {  	_ =	shalt  }
0x46: {  	_ =	shalt  }
0x47: {  	_ =	shalt  }
0x48: {  	_ =	shalt  }
0x49: {  	_ =	shalt  }
0x4a: {  	_ =	shalt  }
0x4b: {  	_ =	shalt  }
0x4c: {  	_ =	shalt  }
0x4d: {  	_ =	shalt  }
0x4e: {  	_ =	shalt  }
0x4f: {  	_ =	shalt  }
0x50: {  	_ =	shalt  }
0x51: {  	_ =	shalt  }
0x52: {  	_ =	shalt  }
0x53: {  	_ =	shalt  }
0x54: {  	_ =	shalt  }
0x55: {  	_ =	shalt  }
0x56: {  	_ =	shalt  }
0x57: {  	_ =	shalt  }
0x58: {  	_ =	shalt  }
0x59: {  	_ =	shalt  }
0x5a: {  	_ =	shalt  }
0x5b: {  	_ =	shalt  }
0x5c: {  	_ =	shalt  }
0x5d: {  	_ =	shalt  }
0x5e: {  	_ =	shalt  }
0x5f: {  	_ =	shalt  }
0x60: {  	_ =	shalt  }
0x61: {  	_ =	shalt  }
0x62: {  	_ =	shalt  }
0x63: {  	_ =	shalt  }
0x64: {  	_ =	shalt  }
0x65: {  	_ =	shalt  }
0x66: {  	_ =	shalt  }
0x67: {  	_ =	shalt  }
0x68: {  	_ =	shalt  }
0x69: {  	_ =	shalt  }
0x6a: {  	_ =	shalt  }
0x6b: {  	_ =	shalt  }
0x6c: {  	_ =	shalt  }
0x6d: {  	_ =	shalt  }
0x6e: {  	_ =	shalt  }
0x6f: {  	_ =	shalt  }
0x70: {  	_ =	shalt  }
0x71: {  	_ =	shalt  }
0x72: {  	_ =	shalt  }
0x73: {  	_ =	shalt  }
0x74: {  	_ =	shalt  }
0x75: {  	_ =	shalt  }
0x76: {  	_ =	shalt  }
0x77: {  	_ =	shalt  }
0x78: {  	_ =	shalt  }
0x79: {  	_ =	shalt  }
0x7a: {  	_ =	shalt  }
0x7b: {  	_ =	shalt  }
0x7c: {  	_ =	shalt  }
0x7d: {  	_ =	shalt  }
0x7e: {  	_ =	shalt  }
0x7f: {  	_ =	shalt  }
0x80: {  	_ =	shalt  }
0x81: {  	_ =	shalt  }
0x82: {  	_ =	shalt  }
0x83: {  	_ =	shalt  }
0x84: {  	_ =	shalt  }
0x85: {  	_ =	shalt  }
0x86: {  	_ =	shalt  }
0x87: {  	_ =	shalt  }
.Lfunc_end0:
.L_simem_size_0:
called_computation.1_lowered:
.L_overlay_start_0:
0x88: {  	s2 =	sld [smem:$0x3FD9]  }
0x89: {  	s3 =	sld [smem:$0x3FFE];
	_ =	sdelay $0x1  }
0x8a: {  	s1 =	srdreg.scid  }
0x8b: {  	s0 =	sand.u32 $0x1, s1  }
0x8c: {  	s14 =	sshll.u32 s0, $0xA;
	s2 =	sadd.s32 s3, s2  }
0x8d: {  	s2 =	sadd.s32 s2, s14  }
0x8e: {  	[smem:$0x3FAB] =	sst s2  }
0x8f: {  	_ = 	snop  }
0x90: {  	s2 =	sld [smem:$0x3FD0];
	_ =	sdelay $0x2  }
0x91: {  	s15 =	simm.s32 $0xA;
	s4 =	simm.s32 $0x10  }
0x92: {  	[smem:s4], [sflag:s15] =	dma.local [hbm:s2], $0x1  }
0x93: {  	_ =	swait.eq [sflag:s15], $0x1  }
0x94: {  	[sflag:s15] =	ssyncset.done $0x0  }
0x95: {  	[sflag:s15] =	ssyncadd.s32 $0xFFFFFFFF  }
0x96: {  	s16 =	sld [smem:$0x12];
	(tm) =	ssettm $0x1  }
0x97: {  	s17 =	sld [smem:$0x3FFB];
	_ =	sdelay $0x3  }
0x98: {  	_ =	strace s17  }
0x99: {  	s3 =	sld [smem:$0x3FFC];
	_ =	sdelay $0x3  }
0x9a: {  	_ =	strace s3  }
0x9b: {  	s3 =	sld [smem:$0x3FFD];
	_ =	sdelay $0x3  }
0x9c: {  	_ =	strace s3  }
0x9d: {  	_ =	strace $0x8FFFFFFF  }
0x9e: {  	s18 =	sld [smem:$0x3FDB];
	_ =	sdelay $0x1  }
0x9f: {  	s19 =	simm.s32 $_scs_section_size  }
0xa0: {  	s5 =	simm.s32 $_size__tile_overlayer_lowered;
	s6 =	simm.s32 $_tile_overlayer_lowered  }
0xa1: {  	s22 =	simm.s32 $0x1BFF;
	s21 =	sshll.u32 s6, $0x1;
	s3 =	sadd.s32 s19, s18  }
0xa2: {  	s7 =	simm.s32 $0x0;
	s20 =	sshll.u32 s5, $0x1;
	s5 =	sadd.s32 s21, s3  }
0xa3: {  	[timem:s7], [sflag:s22] =	dma.local [hbm:s5], s20  }
0xa4: {  	_ =	swait.ge [sflag:s22], s20  }
0xa5: {  	s4 =	ssub.s32 $0x0, s20;
	[sflag:s22] =	ssyncset.done $0x0  }
0xa6: {  	[sflag:s22] =	ssyncadd.s32 s4;
	_ =	sdelay $0x1  }
0xa7: {  	s23 =	simm.s32 $0x1B8B  }
0xa8: {  	_ =	swait.ge [sflag:s23], $0x1  }
0xa9: {  	[sflag:s23] =	ssyncset.done $0x0  }
0xaa: {  	s25 =	simm.s32 $0x1B8E;
	s24 =	sld [smem:$0x3FFE];
	[sflag:s23] =	ssyncadd.s32 $0xFFFFFFFF  }
0xab: {  	s26 =	simm.s32 $execute0_lowered;
	[smem:$0x3FD2] =	sst s25  }
0xac: {  	s5 =	sshll.u32 s26, $0x1;
	_ =	strace $0x80000049;
	[dreg:$0x1] =	wrdreg $0xFFFFFFFF  }
0xad: {  	s28 =	simm.s32 $_size_execute0_lowered;
	s3 =	sadd.s32 s3, s5;
	[dreg:$0x0] =	wrdreg $0x0  }
0xae: {  	s5 =	sshll.u32 s28, $0x1;
	[dreg:$0x2] =	wrdreg s3  }
0xaf: {  	[dreg:$0x3] =	wrdreg s5  }
0xb0: {  	[dreg:$0x4] =	wrdreg $0xC0  }
0xb1: {  	_ =	task [dreg:s7], $0x5FFFF  }
0xb2: {  	[dreg:$0x1] =	wrdreg $0xFFFFFFFF  }
0xb3: {  	[dreg:$0x0] =	wrdreg $0x60  }
0xb4: {  	[dreg:$0x2] =	wrdreg s16  }
0xb5: {  	[dreg:$0x3] =	wrdreg s24  }
0xb6: {  	[dreg:$0x4] =	wrdreg $0xA8000  }
0xb7: {  	[dreg:$0x5] =	wrdreg $0x9  }
0xb8: {  	_ =	task.clear_ibuf [dreg:s7], $0x6FFFF;
	_ =	strace $0x90000049  }
0xb9: {  	s29 =	simm.s32 $0x9;
	_ =	strace $0x8000004B  }
0xba: {  	_ =	swait.ge [sflag:s29], $0x1  }
0xbb: {  	[sflag:s29] =	ssyncadd.s32 $0xFFFFFFFF  }
0xbc: {  	_ =	strace $0x9000004B  }
0xbd: {  	_ =	sfence  }
0xbe: {  	s30 =	sld [smem:$0x0];
	_ =	sdelay $0x2  }
0xbf: {  	s31 =	sshll.u32 s1, $0xD;
	s1 =	sshrl.u32 s1, $0x2  }
0xc0: {  	s3 =	sand.u32 $0x4000, s31;
	s1 =	sadd.s32 s1, s30  }
0xc1: {  	s0 =	sor.u32 s3, s0;
	s1 =	sshll.u32 s1, $0x11  }
0xc2: {  	s0 =	sor.u32 s1, s0  }
0xc3: {  	s0 =	sadd.s32 $0x8F2B, s0  }
0xc4: {  	[sflag:s0] =	ssyncadd.remote.s32 $0x1  }
0xc5: {  	_ =	sfence.sel $0xFFFF  }
0xc6: {  	[dreg:$0x0] =	wrdreg $0xFFFFFFFF;
	(pc) =	sbr.abs _section_cstart, $3  }
0xc7: {  	[dreg:$0x1] =	wrdreg $0xFFFFFFFF  }
0xc8: {  	_ =	task.clear_ibuf [dreg:s7], $0x2FFFF;
	_ =	strace $0x9FFFFFFF  }
0xc9: {  	(tm) =	ssettm $0x7FFFFFFF  }
tec
execute0_lowered:
.L_overlay_start_1:
0x0: {  	(tag) =	ssettag $0x1  }
0x1: {  	s1 =	rddreg [dreg:$0x0]  }
0x2: {  	s6 =	rddreg [dreg:$0x1]  }
0x3: {  	s2 =	rddreg [dreg:$0x2]  }
0x4: {  	s0 =	rddreg [dreg:$0x3]  }
0x5: {  	s3 =	simm.s32 $0x0;
	s4 =	srdreg.scid;
	s15 =	simm.s32 $0x1400  }
0x6: {  	s16 =	simm.s32 $0x80;
	s17 =	simm.s32 $0x2800;
	s18 =	simm.s32 $0x6800  }
0x7: {  	s19 =	simm.s32 $0x1;
	s20 =	simm.s32 $0x2;
	s21 =	simm.s32 $0x3  }
0x8: {  	s22 =	simm.s32 $0x4;
	s23 =	simm.s32 $0x2700;
	s26 =	simm.s32 $0x2780  }
0x9: {  	s28 =	simm.s32 $0x0;
	[smem:$0x7FF] =	sst s3;
	s11 =	sadd.s32 $0xF200, s6  }
0xa: {  	s7 =	sand.u32 $0x1, s4;
	s12 =	sadd.s32 $0x5200, s6;
	s5 =	sadd.s32 $0x8EC00, s6  }
0xb: {  	s4 =	stileid.u32;
	s24 =	sadd.s32 $0x124800, s2;
	s9 =	smul.u32 $0x138800, s7  }
0xc: {  	s6 =	sadd.s32 $0xB5E00, s6;
	_ =	strace $0x8000004A;
	s13 =	smul.u32 $0x13800, s4  }
0xd: {  	s8 =	ssub.s32 $0x2, s7;
	s7 =	sshll.u32 s7, $0x4;
	s30 =	smul.u32 $0x4E000, s4  }
0xe: {  	p0 =	sne.s32 s4, $0x0;
	p1 =	seq.s32 s4, $0xF;
	s10 =	sshrl.u32 s8, $0x1  }
0xf: {  	s7 =	sor.u32 s4, s7;
	s24 =	sshrl.u32 @p1 s24, $0x3;
	s8 =	ssub.s32 s8, s10  }
0x10: {  	s29 =	sadd.s32 s13, s9;
	s9 =	sshrl.u32 s9, $0x3;
	s13 =	sshrl.u32 s30, $0x2  }
0x11: {  	s14 =	smul.u32 $0x500, s7;
	s10 =	sshrl.u32 s29, $0x3;
	s9 =	sadd.s32 s6, s9  }
0x12: {  	s25 =	sadd.s32 s13, s2;
	s8 =	smax.u32 s8, $0x1;
	s13 =	sshrl.u32 @!p0 s2, $0x3  }
0x13: {  	s6 =	sadd.s32 s6, s10;
	s7 =	sadd.s32 $0x24900, s9;
	s9 =	sadd.s32 s11, s14  }
0x14: {  	s10 =	sadd.s32 s12, s14;
	s31 =	sadd.s32 $0x280, s14;
	s14 =	simm.s32 $0x5  }
0x15: {  	s25 =	sshrl.u32 @!p1 s25, $0x3;
	s11 =	sadd.s32 s11, s31;
	s12 =	sadd.s32 s12, s31  }
.LBB2_1:
0x16: {  	s29 =	simm.s32 @!p0 $0x1C05  }
0x17: {  	[spmem:s13], [sflag:s29] =	dma.local @!p0 [hbm:s5], $0x27200  }
0x18: {  	s29 =	simm.s32 @!p0 $0x5  }
0x19: {  	_ =	swait.ge @!p0 [sflag:s29], $0x27200  }
0x1a: {  	[sflag:s29] =	ssyncset.done @!p0 $0x0  }
0x1b: {  	[sflag:s29] =	ssyncadd.s32 @!p0 $0xFFFD8E00  }
0x1c: {  	[bflag:$0x0] =	sbarrier.arrive $0xFFFF  }
0x1d: {  	[tilespmem:s3], [sflag:$0x5] =	stream.linear.gather [hbm4b:s9+s3], $0x1400, $0x38;
	[tilespmem:$0x1E100] =	vst v63  }
0x1e: {  	_ =	swait.ge [sflag:s14], $0x1400  }
0x1f: {  	[sflag:s14] =	ssyncset.done $0x0  }
0x20: {  	[sflag:s14] =	ssyncadd.s32 $0xFFFFEC00  }
0x21: {  	[tilespmem:s15], [sflag:$0x5] =	stream.linear.gather [hbm4b:s10+s3], $0x1400, $0x38;
	[tilespmem:$0x1E100] =	vst v63  }
0x22: {  	_ =	swait.ge [sflag:s14], $0x1400  }
0x23: {  	[sflag:s14] =	ssyncset.done $0x0  }
0x24: {  	[sflag:s14] =	ssyncadd.s32 $0xFFFFEC00  }
0x25: {  	[tilespmem:s17], [sflag:$0x1] =	stream.indirect.gather [hbm4b:s1+s16], $0x80, s3, s16, $0xb8;
	[tilespmem:$0x1E100] =	vst v63  }
0x26: {  	_ = 	snop  }
0x27: {  	[tilespmem:s18], [sflag:$0x2] =	stream.indirect.gather [hbm4b:s1+s16], $0x80, s16, s16, $0xb8;
	[tilespmem:$0x1E100] =	vst v63  }
0x28: {  	_ =	swait.ge [sflag:s19], $0x4000  }
0x29: {  	[sflag:s19] =	ssyncset.done $0x0  }
0x2a: {  	s29 =	simm.s32 $0x1400;
	[sflag:s19] =	ssyncadd.s32 $0xFFFFC000  }
0x2b: {  	[spmem:s2] =	stream.indirect.scatter.add.f32 [tilespmem:s17], [sflag:$0x3], $0x80, s29, s16, $0xb8;
	[tilespmem:$0x1E100] =	vst v63  }
0x2c: {  	_ =	swait.ge [sflag:s20], $0x4000  }
0x2d: {  	[sflag:s20] =	ssyncset.done $0x0  }
0x2e: {  	s29 =	simm.s32 $0x1480;
	[sflag:s20] =	ssyncadd.s32 $0xFFFFC000  }
0x2f: {  	[spmem:s2] =	stream.indirect.scatter.add.f32 [tilespmem:s18], [sflag:$0x4], $0x80, s29, s16, $0xb8;
	[tilespmem:$0x1E100] =	vst v63  }
0x30: {  	_ =	swait.ge [sflag:s21], $0x4000  }
0x31: {  	[sflag:s21] =	ssyncset.done $0x0  }
0x32: {  	s29 =	simm.s32 $0x100;
	[sflag:s21] =	ssyncadd.s32 $0xFFFFC000  }
0x33: {  	[tilespmem:s17], [sflag:$0x1] =	stream.indirect.gather [hbm4b:s1+s16], $0x80, s29, s16, $0xb8;
	[tilespmem:$0x1E100] =	vst v63  }
0x34: {  	_ =	swait.ge [sflag:s22], $0x4000  }
0x35: {  	[sflag:s22] =	ssyncset.done $0x0  }
0x36: {  	s30 =	simm.s32 $0x180;
	s29 =	simm.s32 $0x400;
	[sflag:s22] =	ssyncadd.s32 $0xFFFFC000  }
.LBB2_2:
0x37: {  	[tilespmem:s18], [sflag:$0x2] =	stream.indirect.gather [hbm4b:s1+s16], $0x80, s30, s16, $0xb8;
	[tilespmem:$0x1E100] =	vst v63  }
0x38: {  	s30 =	smov.u32 s29  }
0x39: {  	p2 =	sne.s32 s29, $0x4800;
	s29 =	sadd.s32 $0x400, s29;
	_ =	swait.ge [sflag:s19], $0x4000  }
0x3a: {  	s30 =	sshra.s32 s30, $0x2;
	[sflag:s19] =	ssyncset.done $0x0  }
0x3b: {  	s31 =	sadd.s32 $0x1400, s30;
	[sflag:s19] =	ssyncadd.s32 $0xFFFFC000  }
0x3c: {  	[spmem:s2] =	stream.indirect.scatter.add.f32 [tilespmem:s17], [sflag:$0x3], $0x80, s31, s16, $0xb8;
	[tilespmem:$0x1E100] =	vst v63  }
0x3d: {  	_ =	swait.ge [sflag:s20], $0x4000  }
0x3e: {  	[sflag:s20] =	ssyncset.done $0x0  }
0x3f: {  	s31 =	sadd.s32 $0x1480, s30;
	[sflag:s20] =	ssyncadd.s32 $0xFFFFC000  }
0x40: {  	[spmem:s2] =	stream.indirect.scatter.add.f32 [tilespmem:s18], [sflag:$0x4], $0x80, s31, s16, $0xb8;
	[tilespmem:$0x1E100] =	vst v63  }
0x41: {  	_ =	swait.ge [sflag:s21], $0x4000  }
0x42: {  	[sflag:s21] =	ssyncset.done $0x0  }
.Ltmp0:
0x43: {  	s31 =	sadd.s32 $0x100, s30;
	[sflag:s21] =	ssyncadd.s32 $0xFFFFC000;
	(pc) =	sbr.rel @p2 .LBB2_2-.Ltmp0, $4  }
0x44: {  	[tilespmem:s17], [sflag:$0x1] =	stream.indirect.gather [hbm4b:s1+s16], $0x80, s31, s16, $0xb8;
	[tilespmem:$0x1E100] =	vst v63  }
0x45: {  	_ =	swait.ge [sflag:s22], $0x4000  }
0x46: {  	[sflag:s22] =	ssyncset.done $0x0  }
0x47: {  	s30 =	sadd.s32 $0x180, s30;
	[sflag:s22] =	ssyncadd.s32 $0xFFFFC000  }
0x48: {  	[tilespmem:s18], [sflag:$0x2] =	stream.indirect.gather [hbm4b:s1+s16], $0x80, s30, s16, $0xb8;
	[tilespmem:$0x1E100] =	vst v63  }
0x49: {  	_ =	swait.ge [sflag:s19], $0x4000  }
0x4a: {  	[sflag:s19] =	ssyncset.done $0x0  }
0x4b: {  	[sflag:s19] =	ssyncadd.s32 $0xFFFFC000  }
0x4c: {  	[spmem:s2] =	stream.indirect.scatter.add.f32 [tilespmem:s17], [sflag:$0x3], $0x80, s23, s16, $0xb8;
	[tilespmem:$0x1E100] =	vst v63  }
0x4d: {  	_ =	swait.ge [sflag:s20], $0x4000  }
0x4e: {  	[sflag:s20] =	ssyncset.done $0x0  }
0x4f: {  	[sflag:s20] =	ssyncadd.s32 $0xFFFFC000  }
0x50: {  	[spmem:s2] =	stream.indirect.scatter.add.f32 [tilespmem:s18], [sflag:$0x4], $0x80, s26, s16, $0xb8;
	[tilespmem:$0x1E100] =	vst v63  }
0x51: {  	_ =	swait.ge [sflag:s21], $0x4000  }
0x52: {  	[sflag:s21] =	ssyncset.done $0x0  }
0x53: {  	[sflag:s21] =	ssyncadd.s32 $0xFFFFC000  }
0x54: {  	_ =	swait.ge [sflag:s22], $0x4000  }
0x55: {  	[sflag:s22] =	ssyncset.done $0x0  }
0x56: {  	s29 =	simm.s32 $0x0;
	[sflag:s22] =	ssyncadd.s32 $0xFFFFC000  }
0x57: {  	[tilespmem:s29], [sflag:$0x5] =	stream.linear.gather [hbm4b:s11+s29], $0x1400, $0x38;
	[tilespmem:$0x1E100] =	vst v63  }
0x58: {  	_ =	swait.ge [sflag:s14], $0x1400  }
0x59: {  	[sflag:s14] =	ssyncset.done $0x0  }
0x5a: {  	[sflag:s14] =	ssyncadd.s32 $0xFFFFEC00  }
0x5b: {  	[tilespmem:s15], [sflag:$0x5] =	stream.linear.gather [hbm4b:s12+s29], $0x1400, $0x38;
	[tilespmem:$0x1E100] =	vst v63  }
0x5c: {  	_ =	swait.ge [sflag:s14], $0x1400  }
0x5d: {  	[sflag:s14] =	ssyncset.done $0x0  }
0x5e: {  	[sflag:s14] =	ssyncadd.s32 $0xFFFFEC00  }
0x5f: {  	[tilespmem:s17], [sflag:$0x1] =	stream.indirect.gather [hbm4b:s1+s16], $0x80, s29, s16, $0xb8;
	[tilespmem:$0x1E100] =	vst v63  }
0x60: {  	_ = 	snop  }
0x61: {  	[tilespmem:s18], [sflag:$0x2] =	stream.indirect.gather [hbm4b:s1+s16], $0x80, s16, s16, $0xb8;
	[tilespmem:$0x1E100] =	vst v63  }
0x62: {  	_ =	swait.ge [sflag:s19], $0x4000  }
0x63: {  	[sflag:s19] =	ssyncset.done $0x0  }
0x64: {  	s29 =	simm.s32 $0x1400;
	[sflag:s19] =	ssyncadd.s32 $0xFFFFC000  }
0x65: {  	[spmem:s2] =	stream.indirect.scatter.add.f32 [tilespmem:s17], [sflag:$0x3], $0x80, s29, s16, $0xb8;
	[tilespmem:$0x1E100] =	vst v63  }
0x66: {  	_ =	swait.ge [sflag:s20], $0x4000  }
0x67: {  	[sflag:s20] =	ssyncset.done $0x0  }
0x68: {  	s29 =	simm.s32 $0x1480;
	[sflag:s20] =	ssyncadd.s32 $0xFFFFC000  }
0x69: {  	[spmem:s2] =	stream.indirect.scatter.add.f32 [tilespmem:s18], [sflag:$0x4], $0x80, s29, s16, $0xb8;
	[tilespmem:$0x1E100] =	vst v63  }
0x6a: {  	_ =	swait.ge [sflag:s21], $0x4000  }
0x6b: {  	[sflag:s21] =	ssyncset.done $0x0  }
0x6c: {  	s29 =	simm.s32 $0x100;
	[sflag:s21] =	ssyncadd.s32 $0xFFFFC000  }
0x6d: {  	[tilespmem:s17], [sflag:$0x1] =	stream.indirect.gather [hbm4b:s1+s16], $0x80, s29, s16, $0xb8;
	[tilespmem:$0x1E100] =	vst v63  }
0x6e: {  	_ =	swait.ge [sflag:s22], $0x4000  }
0x6f: {  	[sflag:s22] =	ssyncset.done $0x0  }
0x70: {  	s30 =	simm.s32 $0x180;
	s29 =	simm.s32 $0x400;
	[sflag:s22] =	ssyncadd.s32 $0xFFFFC000  }
.LBB2_4:
0x71: {  	[tilespmem:s18], [sflag:$0x2] =	stream.indirect.gather [hbm4b:s1+s16], $0x80, s30, s16, $0xb8;
	[tilespmem:$0x1E100] =	vst v63  }
0x72: {  	s30 =	smov.u32 s29  }
0x73: {  	p2 =	sne.s32 s29, $0x4800;
	s29 =	sadd.s32 $0x400, s29;
	_ =	swait.ge [sflag:s19], $0x4000  }
0x74: {  	s30 =	sshra.s32 s30, $0x2;
	[sflag:s19] =	ssyncset.done $0x0  }
0x75: {  	s31 =	sadd.s32 $0x1400, s30;
	[sflag:s19] =	ssyncadd.s32 $0xFFFFC000  }
0x76: {  	[spmem:s2] =	stream.indirect.scatter.add.f32 [tilespmem:s17], [sflag:$0x3], $0x80, s31, s16, $0xb8;
	[tilespmem:$0x1E100] =	vst v63  }
0x77: {  	_ =	swait.ge [sflag:s20], $0x4000  }
0x78: {  	[sflag:s20] =	ssyncset.done $0x0  }
0x79: {  	s31 =	sadd.s32 $0x1480, s30;
	[sflag:s20] =	ssyncadd.s32 $0xFFFFC000  }
0x7a: {  	[spmem:s2] =	stream.indirect.scatter.add.f32 [tilespmem:s18], [sflag:$0x4], $0x80, s31, s16, $0xb8;
	[tilespmem:$0x1E100] =	vst v63  }
0x7b: {  	_ =	swait.ge [sflag:s21], $0x4000  }
0x7c: {  	[sflag:s21] =	ssyncset.done $0x0  }
.Ltmp1:
0x7d: {  	s31 =	sadd.s32 $0x100, s30;
	[sflag:s21] =	ssyncadd.s32 $0xFFFFC000;
	(pc) =	sbr.rel @p2 .LBB2_4-.Ltmp1, $4  }
0x7e: {  	[tilespmem:s17], [sflag:$0x1] =	stream.indirect.gather [hbm4b:s1+s16], $0x80, s31, s16, $0xb8;
	[tilespmem:$0x1E100] =	vst v63  }
0x7f: {  	_ =	swait.ge [sflag:s22], $0x4000  }
0x80: {  	[sflag:s22] =	ssyncset.done $0x0  }
0x81: {  	s30 =	sadd.s32 $0x180, s30;
	[sflag:s22] =	ssyncadd.s32 $0xFFFFC000  }
0x82: {  	[tilespmem:s18], [sflag:$0x2] =	stream.indirect.gather [hbm4b:s1+s16], $0x80, s30, s16, $0xb8;
	[tilespmem:$0x1E100] =	vst v63  }
0x83: {  	_ =	swait.ge [sflag:s19], $0x4000  }
0x84: {  	[sflag:s19] =	ssyncset.done $0x0  }
0x85: {  	[sflag:s19] =	ssyncadd.s32 $0xFFFFC000  }
0x86: {  	[spmem:s2] =	stream.indirect.scatter.add.f32 [tilespmem:s17], [sflag:$0x3], $0x80, s23, s16, $0xb8;
	[tilespmem:$0x1E100] =	vst v63  }
0x87: {  	_ =	swait.ge [sflag:s20], $0x4000  }
0x88: {  	[sflag:s20] =	ssyncset.done $0x0  }
0x89: {  	[sflag:s20] =	ssyncadd.s32 $0xFFFFC000  }
0x8a: {  	[spmem:s2] =	stream.indirect.scatter.add.f32 [tilespmem:s18], [sflag:$0x4], $0x80, s26, s16, $0xb8;
	[tilespmem:$0x1E100] =	vst v63  }
0x8b: {  	_ =	swait.ge [sflag:s21], $0x4000  }
0x8c: {  	[sflag:s21] =	ssyncset.done $0x0  }
0x8d: {  	[sflag:s21] =	ssyncadd.s32 $0xFFFFC000  }
0x8e: {  	_ =	swait.ge [sflag:s22], $0x4000  }
0x8f: {  	[sflag:s22] =	ssyncset.done $0x0  }
0x90: {  	[sflag:s22] =	ssyncadd.s32 $0xFFFFC000  }
0x91: {  	s29 =	simm.s32 @p1 $0x1FC5;
	[bflag:$0x0] =	sbarrier.arrive $0xFFFF  }
0x92: {  	[hbm:s7], [sflag:s29] =	dma.local @p1 [spmem:s24], $0x2800  }
0x93: {  	s29 =	simm.s32 @p1 $0x5  }
0x94: {  	_ =	swait.ge @p1 [sflag:s29], $0x2800  }
0x95: {  	s30 =	sshll.u32 @!p1 s4, $0x6;
	s28 =	sadd.s32 $0x1, s28;
	[sflag:s29] =	ssyncset.done @p1 $0x0  }
0x96: {  	p2 =	sne.s32 s28, s8;
	[sflag:s29] =	ssyncadd.s32 @p1 $0xFFFFD800;
	s29 =	sor.u32 @!p1 $0x1C05, s30  }
0x97: {  	[hbm:s6], [sflag:s29] =	dma.local @!p1 [spmem:s25], $0x2700  }
.Ltmp2:
0x98: {  	_ = 	snop;
	(pc) =	sbr.rel @p2 .LBB2_1-.Ltmp2, $4  }
0x99: {  	s29 =	simm.s32 @!p1 $0x5  }
0x9a: {  	_ =	swait.ge @!p1 [sflag:s29], $0x2700  }
0x9b: {  	[sflag:s29] =	ssyncset.done @!p1 $0x0  }
0x9c: {  	[sflag:s29] =	ssyncadd.s32 @!p1 $0xFFFFD900  }
0x9d: {  	_ =	sfence.sel $0x180000  }
0x9e: {  	[bflag:$0x0] =	sbarrier.arrive $0xFFFF  }
0x9f: {  	_ =	strace $0x9000004A  }
0xa0: {  	s0 =	sadd.s32 @!p0 $0x100000, s0;
	[bflag:$0x2] =	sbarrier.arrive $0xFFFF  }
0xa1: {  	[sflag:s0] =	ssyncadd.tile.s32 @!p0 $0x1;
	_ =	shalt  }
.Lfunc_end2:
_tile_overlayer_lowered:
.L_overlay_start_2:
0xa2: {  	(tag) =	ssettag $0x2  }
0xa3: {  	s0 =	rddreg [dreg:$0x0];
	s2 =	stileid.u32  }
0xa4: {  	s1 =	rddreg [dreg:$0x1];
	p0 =	sne.s32 s2, $0x0  }
0xa5: {  	s3 =	rddreg [dreg:$0x2];
	[bflag:$0x3] =	sbarrier.arrive $0xFFFF;
	s2 =	simm.s32 @!p0 $0x1C05  }
0xa6: {  	[timem:s3], [sflag:s2] =	dma.local @!p0 [hbm:s0], s1  }
0xa7: {  	s0 =	simm.s32 @!p0 $0x5  }
0xa8: {  	_ =	swait.ge @!p0 [sflag:s0], s1  }
0xa9: {  	s1 =	ssub.s32 @!p0 $0x0, s1;
	[sflag:s0] =	ssyncset.done @!p0 $0x0  }
0xaa: {  	[sflag:s0] =	ssyncadd.s32 @!p0 s1  }
0xab: {  	[bflag:$0x3] =	sbarrier.arrive $0xFFFF  }
0xac: {  	_ =	shalt  }

// kernel: kernel.14.cloned.1.call-start
scs
__scs_entry_jumppad:
0x0: {  	(pc) =	sbr.rel $0x88, $3  }
0x1: {  	(tag) =	ssettag $0x0;
	lr =	simm.s32 $0x1  }
0x2: {  	[smem:$0x3F84] =	sst lr;
	_ =	strace $0xD0000000  }
0x3: {  	_ = 	snop  }
0x4: {  	_ = 	snop  }
0x5: {  	_ = 	snop  }
0x6: {  	_ = 	snop  }
0x7: {  	_ = 	snop  }
__scs_overlays_trampoline_lowered:
0x8: {  	[smem:$0x3F93] =	sst s0  }
0x9: {  	[smem:$0x3F94] =	sst s1  }
0xa: {  	[smem:$0x3F95] =	sst s2  }
0xb: {  	[smem:$0x3F96] =	sst s3  }
0xc: {  	[smem:$0x3F97] =	sst s4  }
0xd: {  	[smem:$0x3F98] =	sst s5  }
0xe: {  	[smem:$0x3F99] =	sst s6  }
0xf: {  	[smem:$0x3F9A] =	sst s7  }
0x10: {  	[smem:$0x3F9B] =	sst s8  }
0x11: {  	[smem:$0x3F9C] =	sst s9;
	s0 =	simm.s32 @!p0 $0x0  }
0x12: {  	s1 =	sld [smem:$0x3F82];
	s0 =	simm.s32 @p0 $0x1  }
0x13: {  	[smem:$0x3F9D] =	sst s0;
	s0 =	simm.s32 @!p1 $0x0  }
0x14: {  	s2 =	sld [smem:$0x3F81];
	s0 =	simm.s32 @p1 $0x1  }
0x15: {  	[smem:$0x3F9E] =	sst s0;
	s0 =	simm.s32 @!p2 $0x0  }
0x16: {  	s3 =	sld [smem:$0x3FDB];
	s0 =	simm.s32 @p2 $0x1  }
0x17: {  	s4 =	simm.s32 $0x1BF5;
	[smem:$0x3FA0] =	sst s0  }
0x18: {  	s0 =	sld [smem:$0x3F83];
	_ =	swait.ge [sflag:s4], $0x0  }
0x19: {  	s7 =	sld [smem:$0x3F84]  }
0x1a: {  	s8 =	sadd.s32 $0xFFFFE003, lr  }
0x1b: {  	s9 =	sadd.s32 $0xFFFFFEF7, lr;
	s5 =	simm.s32 $0xFFFFFFFF;
	p2 =	slt.u32 s8, $0xFFFFF086  }
0x1c: {  	p1 =	slt.u32 s9, $0xF7A;
	s5 =	simm.s32 @!p2 $0x0  }
0x1d: {  	s5 =	simm.s32 @p1 $0x1;
	p0 =	seq.s32 s7, s2  }
0x1e: {  	s7 =	smul.u32 @!p0 $0xF7A, s2;
	p2 =	seq.s32 @!p0 s5, $0x0  }
0x1f: {  	s9 =	smul.u32 $0xF7A, s1;
	s8 =	simm.s32 @!p0 $0x1BF5;
	p2 =	por !p2, p0  }
0x20: {  	[sflag:s8] =	ssyncset.s32 @!p0 $0xFFFFF086;
	s6 =	sadd.s32 @!p0 s3, s7;
	s7 =	simm.s32 @!p0 $0x108  }
0x21: {  	s3 =	sadd.s32 s3, s9;
	s6 =	sadd.s32 @!p0 $0x88, s6;
	s7 =	simm.s32 @p2 $0x1082  }
0x22: {  	[simem:s7], [sflag:s8] =	dma.local @!p0 [hbm:s6], $0xF7A  }
0x23: {  	s9 =	sor.u32 $0xD0000000, s2;
	s6 =	simm.s32 $0x108;
	_ =	swait.ge @!p0 [sflag:s8], $0x0  }
0x24: {  	s3 =	sadd.s32 $0x88, s3;
	s6 =	simm.s32 @!p1 $0x1082;
	[sflag:s4] =	ssyncset.s32 $0xFFFFF086  }
0x25: {  	[simem:s6], [sflag:s4] =	dma.local [hbm:s3], $0xF7A  }
0x26: {  	[smem:$0x3F84] =	sst s1;
	(tag) =	ssettag s2;
	_ =	strace s9  }
0x27: {  	s1 =	sld [smem:$0x3F94]  }
0x28: {  	s2 =	sld [smem:$0x3F95]  }
0x29: {  	s4 =	sld [smem:$0x3F97]  }
0x2a: {  	p0 =	seq.s32 s5, $0x0;
	s5 =	sld [smem:$0x3F98]  }
0x2b: {  	s6 =	sld [smem:$0x3F99]  }
0x2c: {  	s7 =	sld [smem:$0x3F9A]  }
0x2d: {  	s3 =	simm.s32 $0x108;
	s8 =	sld [smem:$0x3F9B]  }
0x2e: {  	s3 =	simm.s32 @!p0 $0x1082;
	s9 =	sld [smem:$0x3F9C]  }
0x2f: {  	lr =	sadd.s32 s0, s3;
	s0 =	sld [smem:$0x3F93]  }
0x30: {  	s3 =	sld [smem:$0x3F96]  }
0x31: {  	[smem:$0x3F9F] =	sst s10  }
0x32: {  	s10 =	sld [smem:$0x3F9D];
	_ =	sdelay $0x3  }
0x33: {  	p0 =	seq.s32 s10, $0x1;
	s10 =	sld [smem:$0x3F9F];
	_ =	sdelay $0x3  }
0x34: {  	[smem:$0x3F9F] =	sst s10  }
0x35: {  	s10 =	sld [smem:$0x3F9E];
	_ =	sdelay $0x3  }
0x36: {  	p1 =	seq.s32 s10, $0x1;
	s10 =	sld [smem:$0x3F9F];
	_ =	sdelay $0x3  }
0x37: {  	[smem:$0x3F9F] =	sst s10  }
0x38: {  	s10 =	sld [smem:$0x3FA0]  }
0x39: {  	_ = 	snop;
	(pc) =	sbr.ind lr, $3  }
0x3a: {  	_ = 	snop  }
0x3b: {  	_ = 	snop  }
0x3c: {  	p2 =	seq.s32 s10, $0x1;
	s10 =	sld [smem:$0x3F9F]  }
0x3d: {  	_ =	shalt  }
0x3e: {  	_ =	shalt  }
0x3f: {  	_ =	shalt  }
0x40: {  	_ =	shalt  }
0x41: {  	_ =	shalt  }
0x42: {  	_ =	shalt  }
0x43: {  	_ =	shalt  }
0x44: {  	_ =	shalt  }
0x45: {  	_ =	shalt  }
0x46: {  	_ =	shalt  }
0x47: {  	_ =	shalt  }
0x48: {  	_ =	shalt  }
0x49: {  	_ =	shalt  }
0x4a: {  	_ =	shalt  }
0x4b: {  	_ =	shalt  }
0x4c: {  	_ =	shalt  }
0x4d: {  	_ =	shalt  }
0x4e: {  	_ =	shalt  }
0x4f: {  	_ =	shalt  }
0x50: {  	_ =	shalt  }
0x51: {  	_ =	shalt  }
0x52: {  	_ =	shalt  }
0x53: {  	_ =	shalt  }
0x54: {  	_ =	shalt  }
0x55: {  	_ =	shalt  }
0x56: {  	_ =	shalt  }
0x57: {  	_ =	shalt  }
0x58: {  	_ =	shalt  }
0x59: {  	_ =	shalt  }
0x5a: {  	_ =	shalt  }
0x5b: {  	_ =	shalt  }
0x5c: {  	_ =	shalt  }
0x5d: {  	_ =	shalt  }
0x5e: {  	_ =	shalt  }
0x5f: {  	_ =	shalt  }
0x60: {  	_ =	shalt  }
0x61: {  	_ =	shalt  }
0x62: {  	_ =	shalt  }
0x63: {  	_ =	shalt  }
0x64: {  	_ =	shalt  }
0x65: {  	_ =	shalt  }
0x66: {  	_ =	shalt  }
0x67: {  	_ =	shalt  }
0x68: {  	_ =	shalt  }
0x69: {  	_ =	shalt  }
0x6a: {  	_ =	shalt  }
0x6b: {  	_ =	shalt  }
0x6c: {  	_ =	shalt  }
0x6d: {  	_ =	shalt  }
0x6e: {  	_ =	shalt  }
0x6f: {  	_ =	shalt  }
0x70: {  	_ =	shalt  }
0x71: {  	_ =	shalt  }
0x72: {  	_ =	shalt  }
0x73: {  	_ =	shalt  }
0x74: {  	_ =	shalt  }
0x75: {  	_ =	shalt  }
0x76: {  	_ =	shalt  }
0x77: {  	_ =	shalt  }
0x78: {  	_ =	shalt  }
0x79: {  	_ =	shalt  }
0x7a: {  	_ =	shalt  }
0x7b: {  	_ =	shalt  }
0x7c: {  	_ =	shalt  }
0x7d: {  	_ =	shalt  }
0x7e: {  	_ =	shalt  }
0x7f: {  	_ =	shalt  }
0x80: {  	_ =	shalt  }
0x81: {  	_ =	shalt  }
0x82: {  	_ =	shalt  }
0x83: {  	_ =	shalt  }
0x84: {  	_ =	shalt  }
0x85: {  	_ =	shalt  }
0x86: {  	_ =	shalt  }
0x87: {  	_ =	shalt  }
.Lfunc_end0:
.L_simem_size_0:
called_computation.2_lowered:
.L_overlay_start_0:
0x88: {  	s2 =	sld [smem:$0x3FD9]  }
0x89: {  	s3 =	sld [smem:$0x3FFE];
	_ =	sdelay $0x1  }
0x8a: {  	s1 =	srdreg.scid  }
0x8b: {  	s0 =	sand.u32 $0x1, s1  }
0x8c: {  	s14 =	sshll.u32 s0, $0xA;
	s2 =	sadd.s32 s3, s2  }
0x8d: {  	s2 =	sadd.s32 s2, s14  }
0x8e: {  	[smem:$0x3FAB] =	sst s2  }
0x8f: {  	_ = 	snop  }
0x90: {  	s2 =	sld [smem:$0x3FD0];
	_ =	sdelay $0x2  }
0x91: {  	s15 =	simm.s32 $0xA;
	s4 =	simm.s32 $0x10  }
0x92: {  	[smem:s4], [sflag:s15] =	dma.local [hbm:s2], $0x1  }
0x93: {  	_ =	swait.eq [sflag:s15], $0x1  }
0x94: {  	[sflag:s15] =	ssyncset.done $0x0  }
0x95: {  	[sflag:s15] =	ssyncadd.s32 $0xFFFFFFFF  }
0x96: {  	s16 =	sld [smem:$0x12];
	(tm) =	ssettm $0x1  }
0x97: {  	s17 =	sld [smem:$0x3FFB];
	_ =	sdelay $0x3  }
0x98: {  	_ =	strace s17  }
0x99: {  	s3 =	sld [smem:$0x3FFC];
	_ =	sdelay $0x3  }
0x9a: {  	_ =	strace s3  }
0x9b: {  	s3 =	sld [smem:$0x3FFD];
	_ =	sdelay $0x3  }
0x9c: {  	_ =	strace s3  }
0x9d: {  	_ =	strace $0x8FFFFFFF  }
0x9e: {  	s18 =	sld [smem:$0x3FDB];
	_ =	sdelay $0x1  }
0x9f: {  	s19 =	simm.s32 $_scs_section_size  }
0xa0: {  	s5 =	simm.s32 $_size__tile_overlayer_lowered;
	s6 =	simm.s32 $_tile_overlayer_lowered  }
0xa1: {  	s22 =	simm.s32 $0x1BFF;
	s21 =	sshll.u32 s6, $0x1;
	s3 =	sadd.s32 s19, s18  }
0xa2: {  	s7 =	simm.s32 $0x0;
	s20 =	sshll.u32 s5, $0x1;
	s5 =	sadd.s32 s21, s3  }
0xa3: {  	[timem:s7], [sflag:s22] =	dma.local [hbm:s5], s20  }
0xa4: {  	_ =	swait.ge [sflag:s22], s20  }
0xa5: {  	s4 =	ssub.s32 $0x0, s20;
	[sflag:s22] =	ssyncset.done $0x0  }
0xa6: {  	[sflag:s22] =	ssyncadd.s32 s4;
	_ =	sdelay $0x1  }
0xa7: {  	s23 =	simm.s32 $0x1B8B  }
0xa8: {  	_ =	swait.ge [sflag:s23], $0x1  }
0xa9: {  	[sflag:s23] =	ssyncset.done $0x0  }
0xaa: {  	s25 =	simm.s32 $0x1B8E;
	s24 =	sld [smem:$0x3FFE];
	[sflag:s23] =	ssyncadd.s32 $0xFFFFFFFF  }
0xab: {  	s26 =	simm.s32 $execute0_lowered;
	[smem:$0x3FD2] =	sst s25  }
0xac: {  	s5 =	sshll.u32 s26, $0x1;
	_ =	strace $0x8000004C;
	[dreg:$0x1] =	wrdreg $0xFFFFFFFF  }
0xad: {  	s28 =	simm.s32 $_size_execute0_lowered;
	s3 =	sadd.s32 s3, s5;
	[dreg:$0x0] =	wrdreg $0x0  }
0xae: {  	s5 =	sshll.u32 s28, $0x1;
	[dreg:$0x2] =	wrdreg s3  }
0xaf: {  	[dreg:$0x3] =	wrdreg s5  }
0xb0: {  	[dreg:$0x4] =	wrdreg $0xC0  }
0xb1: {  	_ =	task [dreg:s7], $0x5FFFF  }
0xb2: {  	[dreg:$0x1] =	wrdreg $0xFFFFFFFF  }
0xb3: {  	[dreg:$0x0] =	wrdreg $0x60  }
0xb4: {  	[dreg:$0x2] =	wrdreg s24  }
0xb5: {  	[dreg:$0x3] =	wrdreg s16  }
0xb6: {  	[dreg:$0x4] =	wrdreg $0xA9000  }
0xb7: {  	[dreg:$0x5] =	wrdreg $0x1E2000  }
0xb8: {  	[dreg:$0x6] =	wrdreg $0x9  }
0xb9: {  	_ =	task.clear_ibuf [dreg:s7], $0x7FFFF;
	_ =	strace $0x9000004C  }
0xba: {  	s29 =	simm.s32 $0x9;
	_ =	strace $0x8000004E  }
0xbb: {  	_ =	swait.ge [sflag:s29], $0x1  }
0xbc: {  	[sflag:s29] =	ssyncadd.s32 $0xFFFFFFFF  }
0xbd: {  	_ =	strace $0x9000004E  }
0xbe: {  	_ =	sfence  }
0xbf: {  	s30 =	sld [smem:$0x0];
	_ =	sdelay $0x2  }
0xc0: {  	s31 =	sshll.u32 s1, $0xD;
	s1 =	sshrl.u32 s1, $0x2  }
0xc1: {  	s3 =	sand.u32 $0x4000, s31;
	s1 =	sadd.s32 s1, s30  }
0xc2: {  	s0 =	sor.u32 s3, s0;
	s1 =	sshll.u32 s1, $0x11  }
0xc3: {  	s0 =	sor.u32 s1, s0  }
0xc4: {  	s0 =	sadd.s32 $0x8F2B, s0  }
0xc5: {  	[sflag:s0] =	ssyncadd.remote.s32 $0x1  }
0xc6: {  	_ =	sfence.sel $0xFFFF  }
0xc7: {  	[dreg:$0x0] =	wrdreg $0xFFFFFFFF;
	(pc) =	sbr.abs _section_cstart, $3  }
0xc8: {  	[dreg:$0x1] =	wrdreg $0xFFFFFFFF  }
0xc9: {  	_ =	task.clear_ibuf [dreg:s7], $0x2FFFF;
	_ =	strace $0x9FFFFFFF  }
0xca: {  	(tm) =	ssettm $0x7FFFFFFF  }
0xcb: {  	_ =	shalt  }
tec
execute0_lowered:
.L_overlay_start_1:
0x0: {  	(tag) =	ssettag $0x1  }
0x1: {  	s0 =	rddreg [dreg:$0x0]  }
0x2: {  	s1 =	rddreg [dreg:$0x1]  }
0x3: {  	s2 =	rddreg [dreg:$0x2]  }
0x4: {  	s3 =	rddreg [dreg:$0x3]  }
0x5: {  	s4 =	simm.s32 $0x0;
	s8 =	srdreg.scid;
	s15 =	stileid.u32  }
0x6: {  	s18 =	simm.s32 $0x9;
	s19 =	simm.s32 $0x1400;
	s20 =	simm.s32 $0x80  }
0x7: {  	s28 =	simm.s32 $0xA880;
	s29 =	simm.s32 $0x1;
	s30 =	simm.s32 $0x5  }
0x8: {  	s31 =	simm.s32 $0x2;
	[smem:$0x7FF] =	sst s4;
	s5 =	sadd.s32 $0x12B200, s0  }
0x9: {  	s6 =	sadd.s32 $0xF200, s0;
	s7 =	sadd.s32 $0x5200, s0;
	s12 =	smul.u32 $0x13800, s15  }
0xa: {  	s9 =	sadd.s32 $0x8EC00, s0;
	s8 =	sand.u32 $0x1, s8;
	s14 =	smul.u32 $0x4E000, s15  }
0xb: {  	s11 =	sadd.s32 $0x19200, s0;
	s13 =	sadd.s32 $0x19800, s0;
	s25 =	smul.u32 $0x280, s15  }
0xc: {  	p1 =	seq.s32 s15, $0xF;
	_ =	strace $0x8000004D;
	[dreg:$0x5] =	wrdreg s9  }
0xd: {  	s21 =	ssub.s32 $0x2, s8;
	s10 =	smul.u32 $0x138800, s8;
	[dreg:$0x6] =	wrdreg s11  }
0xe: {  	s23 =	sshll.u32 s8, $0x4;
	p0 =	seq.s32 s8, $0x1;
	s8 =	simm.s32 $0xB5E00  }
0xf: {  	s22 =	sshrl.u32 s21, $0x1;
	s11 =	sor.u32 s15, s23;
	s24 =	sshrl.u32 s14, $0x2  }
0x10: {  	s26 =	sshrl.u32 s25, $0x3;
	s8 =	simm.s32 @!p0 $0xB6400;
	p0 =	sne.s32 s15, $0x0  }
0x11: {  	s14 =	simm.s32 $0x2780;
	s9 =	ssub.s32 s21, s22;
	s12 =	sadd.s32 s12, s10  }
0x12: {  	s11 =	smul.u32 $0x50, s11;
	s10 =	sshrl.u32 s10, $0x3;
	s0 =	sadd.s32 s8, s0  }
0x13: {  	s21 =	simm.s32 $0x2800;
	s22 =	simm.s32 $0xA800;
	s8 =	simm.s32 $0x3  }
0x14: {  	s12 =	sshrl.u32 s12, $0x3;
	s10 =	sadd.s32 s13, s10;
	s9 =	smax.u32 s9, $0x1  }
0x15: {  	s0 =	sadd.s32 s0, s26;
	s26 =	simm.s32 $0x6800;
	[dreg:$0x9] =	wrdreg s9  }
0x16: {  	s12 =	sadd.s32 s13, s12;
	s10 =	sadd.s32 $0x24900, s10;
	[dreg:$0xa] =	wrdreg s0  }
0x17: {  	s13 =	sadd.s32 $0x124800, s2;
	s0 =	sshrl.u32 @!p0 s2, $0x3;
	[dreg:$0x7] =	wrdreg s12  }
0x18: {  	s9 =	simm.s32 $0x2700;
	s12 =	sadd.s32 s24, s2;
	[dreg:$0x8] =	wrdreg s10  }
0x19: {  	s10 =	sadd.s32 s25, s3;
	[dreg:$0xb] =	wrdreg s0;
	s0 =	sshrl.u32 @!p0 s3, $0x3  }
0x1a: {  	[dreg:$0xc] =	wrdreg s0;
	s0 =	sshrl.u32 @p1 s13, $0x3;
	s24 =	sshrl.u32 @!p1 s12, $0x3  }
0x1b: {  	s25 =	sshrl.u32 s10, $0x3;
	s10 =	simm.s32 $0x7;
	s12 =	simm.s32 $0x4  }
0x1c: {  	s13 =	simm.s32 $0x8;
	[dreg:$0xd] =	wrdreg s0;
	s0 =	simm.s32 $0x6  }
.LBB2_1:
0x1d: {  	s16 =	rddreg [dreg:$0x5]  }
0x1e: {  	s15 =	simm.s32 @!p0 $0x1C09;
	s17 =	rddreg [dreg:$0xb]  }
0x1f: {  	[spmem:s17], [sflag:s15] =	dma.local @!p0 [hbm:s16], $0x27200  }
0x20: {  	s16 =	simm.s32 @!p0 $0x9  }
0x21: {  	_ =	swait.ge @!p0 [sflag:s16], $0x27200  }
0x22: {  	[sflag:s16] =	ssyncset.done @!p0 $0x0;
	s17 =	rddreg [dreg:$0x6]  }
0x23: {  	s23 =	rddreg [dreg:$0xc];
	[sflag:s16] =	ssyncadd.s32 @!p0 $0xFFFD8E00  }
0x24: {  	[spmem:s23], [sflag:s15] =	dma.local @!p0 [hbm:s17], $0x500  }
0x25: {  	_ =	swait.ge @!p0 [sflag:s16], $0x500  }
0x26: {  	[sflag:s16] =	ssyncset.done @!p0 $0x0  }
0x27: {  	[sflag:s16] =	ssyncadd.s32 @!p0 $0xFFFFFB00  }
0x28: {  	p3 =	por $0x1, $0x1;
	s15 =	simm.s32 $0x0;
	[bflag:$0x0] =	sbarrier.arrive $0xFFFF  }
.LBB2_2:
0x29: {  	s15 =	sadd.s32 s11, s15  }
0x2a: {  	s15 =	sshll.u32 s15, $0x4  }
0x2b: {  	s17 =	simm.s32 $0x0;
	s16 =	sadd.s32 s6, s15  }
0x2c: {  	[tilespmem:s17], [sflag:$0x9] =	stream.linear.gather [hbm4b:s16+s17], $0x1400, $0x38;
	[tilespmem:$0x1E480] =	vst v63  }
0x2d: {  	_ =	swait.ge [sflag:s18], $0x1400  }
0x2e: {  	[sflag:s18] =	ssyncset.done $0x0  }
0x2f: {  	s15 =	sadd.s32 s7, s15;
	[sflag:s18] =	ssyncadd.s32 $0xFFFFEC00  }
0x30: {  	[tilespmem:s19], [sflag:$0x9] =	stream.linear.gather [hbm4b:s15+s17], $0x1400, $0x38;
	[tilespmem:$0x1E480] =	vst v63  }
0x31: {  	_ =	swait.ge [sflag:s18], $0x1400  }
0x32: {  	[sflag:s18] =	ssyncset.done $0x0  }
0x33: {  	[sflag:s18] =	ssyncadd.s32 $0xFFFFEC00  }
0x34: {  	[tilespmem:s21], [sflag:$0x1] =	stream.indirect.gather [hbm4b:s5+s20], $0x80, s17, s20, $0xb8;
	[tilespmem:$0x1E480] =	vst v63  }
0x35: {  	_ = 	snop  }
0x36: {  	[tilespmem:s22], [sflag:$0x5] =	stream.indirect.gather [hbm4b:s1+s20], $0x1, s17, s20, $0xb8;
	[tilespmem:$0x1E480] =	vst v63  }
0x37: {  	_ = 	snop  }
0x38: {  	[tilespmem:s26], [sflag:$0x2] =	stream.indirect.gather [hbm4b:s5+s20], $0x80, s20, s20, $0xb8;
	[tilespmem:$0x1E480] =	vst v63  }
0x39: {  	_ = 	snop  }
0x3a: {  	[tilespmem:s28], [sflag:$0x6] =	stream.indirect.gather [hbm4b:s1+s20], $0x1, s20, s20, $0xb8;
	[tilespmem:$0x1E480] =	vst v63  }
0x3b: {  	_ =	swait.ge [sflag:s29], $0x4000  }
0x3c: {  	[sflag:s29] =	ssyncset.done $0x0  }
0x3d: {  	[sflag:s29] =	ssyncadd.s32 $0xFFFFC000  }
0x3e: {  	_ =	swait.ge [sflag:s30], $0x80  }
0x3f: {  	[sflag:s30] =	ssyncset.done $0x0  }
0x40: {  	s16 =	simm.s32 $0x1400;
	[sflag:s30] =	ssyncadd.s32 $0xFFFFFF80  }
0x41: {  	[spmem:s2] =	stream.indirect.scatter.add.f32 [tilespmem:s21], [sflag:$0x3], $0x80, s16, s20, $0xb8;
	[tilespmem:$0x1E480] =	vst v63  }
0x42: {  	_ = 	snop  }
0x43: {  	[spmem:s3] =	stream.indirect.scatter.add.f32 [tilespmem:s22], [sflag:$0x7], $0x1, s16, s20, $0xb8;
	[tilespmem:$0x1E480] =	vst v63  }
0x44: {  	_ =	swait.ge [sflag:s31], $0x4000  }
0x45: {  	[sflag:s31] =	ssyncset.done $0x0  }
0x46: {  	[sflag:s31] =	ssyncadd.s32 $0xFFFFC000  }
0x47: {  	_ =	swait.ge [sflag:s0], $0x80  }
0x48: {  	[sflag:s0] =	ssyncset.done $0x0  }
0x49: {  	s17 =	simm.s32 $0x1480;
	[sflag:s0] =	ssyncadd.s32 $0xFFFFFF80  }
0x4a: {  	[spmem:s2] =	stream.indirect.scatter.add.f32 [tilespmem:s26], [sflag:$0x4], $0x80, s17, s20, $0xb8;
	[tilespmem:$0x1E480] =	vst v63  }
0x4b: {  	_ = 	snop  }
0x4c: {  	[spmem:s3] =	stream.indirect.scatter.add.f32 [tilespmem:s28], [sflag:$0x8], $0x1, s17, s20, $0xb8;
	[tilespmem:$0x1E480] =	vst v63  }
0x4d: {  	_ =	swait.ge [sflag:s8], $0x4000  }
0x4e: {  	[sflag:s8] =	ssyncset.done $0x0  }
0x4f: {  	[sflag:s8] =	ssyncadd.s32 $0xFFFFC000  }
0x50: {  	_ =	swait.ge [sflag:s10], $0x80  }
0x51: {  	[sflag:s10] =	ssyncset.done $0x0  }
0x52: {  	s23 =	simm.s32 $0x100;
	[sflag:s10] =	ssyncadd.s32 $0xFFFFFF80  }
0x53: {  	[tilespmem:s21], [sflag:$0x1] =	stream.indirect.gather [hbm4b:s5+s20], $0x80, s23, s20, $0xb8;
	[tilespmem:$0x1E480] =	vst v63  }
0x54: {  	_ = 	snop  }
0x55: {  	[tilespmem:s22], [sflag:$0x5] =	stream.indirect.gather [hbm4b:s1+s20], $0x1, s23, s20, $0xb8;
	[tilespmem:$0x1E480] =	vst v63  }
0x56: {  	_ =	swait.ge [sflag:s12], $0x4000  }
0x57: {  	[sflag:s12] =	ssyncset.done $0x0  }
0x58: {  	[sflag:s12] =	ssyncadd.s32 $0xFFFFC000  }
0x59: {  	_ =	swait.ge [sflag:s13], $0x80  }
0x5a: {  	p2 =	por p3, p3;
	[sflag:s13] =	ssyncset.done $0x0  }
0x5b: {  	s15 =	simm.s32 $0x400;
	s16 =	simm.s32 $0x180;
	[sflag:s13] =	ssyncadd.s32 $0xFFFFFF80  }
0x5c: {  	[tilespmem:s26], [sflag:$0x2] =	stream.indirect.gather [hbm4b:s5+s20], $0x80, s16, s20, $0xb8;
	[tilespmem:$0x1E480] =	vst v63  }
.LBB2_3:
0x5d: {  	[tilespmem:s28], [sflag:$0x6] =	stream.indirect.gather [hbm4b:s1+s20], $0x1, s16, s20, $0xb8;
	[tilespmem:$0x1E480] =	vst v63  }
0x5e: {  	s16 =	smov.u32 s15  }
0x5f: {  	p3 =	sne.s32 s15, $0x4800;
	s15 =	sadd.s32 $0x400, s15;
	_ =	swait.ge [sflag:s29], $0x4000  }
0x60: {  	[sflag:s29] =	ssyncset.done $0x0  }
0x61: {  	[sflag:s29] =	ssyncadd.s32 $0xFFFFC000  }
0x62: {  	_ =	swait.ge [sflag:s30], $0x80  }
0x63: {  	s16 =	sshra.s32 s16, $0x2;
	[sflag:s30] =	ssyncset.done $0x0  }
0x64: {  	s17 =	sadd.s32 $0x1400, s16;
	[sflag:s30] =	ssyncadd.s32 $0xFFFFFF80  }
0x65: {  	[spmem:s2] =	stream.indirect.scatter.add.f32 [tilespmem:s21], [sflag:$0x3], $0x80, s17, s20, $0xb8;
	[tilespmem:$0x1E480] =	vst v63  }
0x66: {  	_ = 	snop  }
0x67: {  	[spmem:s3] =	stream.indirect.scatter.add.f32 [tilespmem:s22], [sflag:$0x7], $0x1, s17, s20, $0xb8;
	[tilespmem:$0x1E480] =	vst v63  }
0x68: {  	_ =	swait.ge [sflag:s31], $0x4000  }
0x69: {  	[sflag:s31] =	ssyncset.done $0x0  }
0x6a: {  	[sflag:s31] =	ssyncadd.s32 $0xFFFFC000  }
0x6b: {  	_ =	swait.ge [sflag:s0], $0x80  }
0x6c: {  	[sflag:s0] =	ssyncset.done $0x0  }
0x6d: {  	s17 =	sadd.s32 $0x1480, s16;
	[sflag:s0] =	ssyncadd.s32 $0xFFFFFF80  }
0x6e: {  	[spmem:s2] =	stream.indirect.scatter.add.f32 [tilespmem:s26], [sflag:$0x4], $0x80, s17, s20, $0xb8;
	[tilespmem:$0x1E480] =	vst v63  }
0x6f: {  	_ = 	snop  }
0x70: {  	[spmem:s3] =	stream.indirect.scatter.add.f32 [tilespmem:s28], [sflag:$0x8], $0x1, s17, s20, $0xb8;
	[tilespmem:$0x1E480] =	vst v63  }
0x71: {  	_ =	swait.ge [sflag:s8], $0x4000  }
0x72: {  	[sflag:s8] =	ssyncset.done $0x0  }
0x73: {  	[sflag:s8] =	ssyncadd.s32 $0xFFFFC000  }
0x74: {  	_ =	swait.ge [sflag:s10], $0x80  }
0x75: {  	[sflag:s10] =	ssyncset.done $0x0  }
0x76: {  	s17 =	sadd.s32 $0x100, s16;
	[sflag:s10] =	ssyncadd.s32 $0xFFFFFF80  }
0x77: {  	[tilespmem:s21], [sflag:$0x1] =	stream.indirect.gather [hbm4b:s5+s20], $0x80, s17, s20, $0xb8;
	[tilespmem:$0x1E480] =	vst v63  }
0x78: {  	_ = 	snop  }
0x79: {  	[tilespmem:s22], [sflag:$0x5] =	stream.indirect.gather [hbm4b:s1+s20], $0x1, s17, s20, $0xb8;
	[tilespmem:$0x1E480] =	vst v63  }
0x7a: {  	_ =	swait.ge [sflag:s12], $0x4000  }
0x7b: {  	[sflag:s12] =	ssyncset.done $0x0  }
.Ltmp0:
0x7c: {  	[sflag:s12] =	ssyncadd.s32 $0xFFFFC000;
	(pc) =	sbr.rel @p3 .LBB2_3-.Ltmp0, $4  }
0x7d: {  	_ =	swait.ge [sflag:s13], $0x80  }
0x7e: {  	[sflag:s13] =	ssyncset.done $0x0  }
0x7f: {  	s16 =	sadd.s32 $0x180, s16;
	[sflag:s13] =	ssyncadd.s32 $0xFFFFFF80  }
0x80: {  	[tilespmem:s26], [sflag:$0x2] =	stream.indirect.gather [hbm4b:s5+s20], $0x80, s16, s20, $0xb8;
	[tilespmem:$0x1E480] =	vst v63  }
0x81: {  	[tilespmem:s28], [sflag:$0x6] =	stream.indirect.gather [hbm4b:s1+s20], $0x1, s16, s20, $0xb8;
	[tilespmem:$0x1E480] =	vst v63  }
0x82: {  	_ =	swait.ge [sflag:s29], $0x4000  }
0x83: {  	[sflag:s29] =	ssyncset.done $0x0  }
0x84: {  	[sflag:s29] =	ssyncadd.s32 $0xFFFFC000  }
0x85: {  	_ =	swait.ge [sflag:s30], $0x80  }
0x86: {  	[sflag:s30] =	ssyncset.done $0x0  }
0x87: {  	[sflag:s30] =	ssyncadd.s32 $0xFFFFFF80  }
0x88: {  	[spmem:s2] =	stream.indirect.scatter.add.f32 [tilespmem:s21], [sflag:$0x3], $0x80, s9, s20, $0xb8;
	[tilespmem:$0x1E480] =	vst v63  }
0x89: {  	_ = 	snop  }
0x8a: {  	[spmem:s3] =	stream.indirect.scatter.add.f32 [tilespmem:s22], [sflag:$0x7], $0x1, s9, s20, $0xb8;
	[tilespmem:$0x1E480] =	vst v63  }
0x8b: {  	_ =	swait.ge [sflag:s31], $0x4000  }
0x8c: {  	[sflag:s31] =	ssyncset.done $0x0  }
0x8d: {  	[sflag:s31] =	ssyncadd.s32 $0xFFFFC000  }
0x8e: {  	_ =	swait.ge [sflag:s0], $0x80  }
0x8f: {  	[sflag:s0] =	ssyncset.done $0x0  }
0x90: {  	[sflag:s0] =	ssyncadd.s32 $0xFFFFFF80  }
0x91: {  	[spmem:s2] =	stream.indirect.scatter.add.f32 [tilespmem:s26], [sflag:$0x4], $0x80, s14, s20, $0xb8;
	[tilespmem:$0x1E480] =	vst v63  }
0x92: {  	_ = 	snop  }
0x93: {  	[spmem:s3] =	stream.indirect.scatter.add.f32 [tilespmem:s28], [sflag:$0x8], $0x1, s14, s20, $0xb8;
	[tilespmem:$0x1E480] =	vst v63  }
0x94: {  	_ =	swait.ge [sflag:s8], $0x4000  }
0x95: {  	[sflag:s8] =	ssyncset.done $0x0  }
0x96: {  	[sflag:s8] =	ssyncadd.s32 $0xFFFFC000  }
0x97: {  	_ =	swait.ge [sflag:s10], $0x80  }
0x98: {  	[sflag:s10] =	ssyncset.done $0x0  }
0x99: {  	[sflag:s10] =	ssyncadd.s32 $0xFFFFFF80  }
0x9a: {  	_ =	swait.ge [sflag:s12], $0x4000  }
.Ltmp1:
0x9b: {  	[sflag:s12] =	ssyncset.done $0x0;
	(pc) =	sbr.rel @p2 .LBB2_2-.Ltmp1, $4  }
0x9c: {  	[sflag:s12] =	ssyncadd.s32 $0xFFFFC000  }
0x9d: {  	_ =	swait.ge [sflag:s13], $0x80  }
0x9e: {  	[sflag:s13] =	ssyncset.done $0x0  }
0x9f: {  	s15 =	simm.s32 $0x28;
	p3 =	por $0x0, $0x0;
	[sflag:s13] =	ssyncadd.s32 $0xFFFFFF80  }
0xa0: {  	[bflag:$0x0] =	sbarrier.arrive $0xFFFF  }
0xa1: {  	s16 =	rddreg [dreg:$0x8]  }
0xa2: {  	s15 =	simm.s32 @p1 $0x1FC9;
	s17 =	rddreg [dreg:$0xd]  }
0xa3: {  	[hbm:s16], [sflag:s15] =	dma.local @p1 [spmem:s17], $0x2800  }
0xa4: {  	s15 =	simm.s32 @p1 $0x9  }
0xa5: {  	s17 =	stileid.u32;
	_ =	swait.ge @p1 [sflag:s15], $0x2800  }
0xa6: {  	s16 =	sshll.u32 @!p1 s17, $0x6;
	[sflag:s15] =	ssyncset.done @p1 $0x0  }
0xa7: {  	[sflag:s15] =	ssyncadd.s32 @p1 $0xFFFFD800;
	s15 =	sor.u32 @!p1 $0x1C09, s16;
	s16 =	rddreg [dreg:$0x7]  }
0xa8: {  	[hbm:s16], [sflag:s15] =	dma.local @!p1 [spmem:s24], $0x2700  }
0xa9: {  	s15 =	simm.s32 @!p1 $0x9  }
0xaa: {  	_ =	swait.ge @!p1 [sflag:s15], $0x2700  }
0xab: {  	s23 =	sshll.u32 s17, $0x6;
	[sflag:s15] =	ssyncset.done @!p1 $0x0  }
0xac: {  	s16 =	sor.u32 $0x1C09, s23;
	s17 =	rddreg [dreg:$0xa];
	[sflag:s15] =	ssyncadd.s32 @!p1 $0xFFFFD900  }
0xad: {  	[hbm:s17], [sflag:s16] =	dma.local [spmem:s25], $0x50  }
0xae: {  	_ =	swait.ge [sflag:s18], $0x50  }
0xaf: {  	s4 =	sadd.s32 $0x1, s4;
	s23 =	rddreg [dreg:$0x9]  }
0xb0: {  	p2 =	sne.s32 s4, s23  }
.Ltmp2:
0xb1: {  	_ = 	snop;
	(pc) =	sbr.rel @p2 .LBB2_1-.Ltmp2, $3  }
0xb2: {  	_ =	sdelay $0x1  }
0xb3: {  	[sflag:s18] =	ssyncset.done $0x0  }
0xb4: {  	[sflag:s18] =	ssyncadd.s32 $0xFFFFFFB0  }
0xb5: {  	_ =	sfence.sel $0x180000  }
0xb6: {  	[bflag:$0x0] =	sbarrier.arrive $0xFFFF  }
0xb7: {  	_ =	strace $0x9000004D  }
0xb8: {  	[bflag:$0x2] =	sbarrier.arrive $0xFFFF  }
0xb9: {  	s0 =	rddreg [dreg:$0x4]  }
0xba: {  	s0 =	sadd.s32 @!p0 $0x100000, s0  }
0xbb: {  	[sflag:s0] =	ssyncadd.tile.s32 @!p0 $0x1;
	_ =	shalt  }
.Lfunc_end2:
_tile_overlayer_lowered:
.L_overlay_start_2:
0xbc: {  	(tag) =	ssettag $0x2  }
0xbd: {  	s0 =	rddreg [dreg:$0x0];
	s2 =	stileid.u32  }
0xbe: {  	s1 =	rddreg [dreg:$0x1];
	p0 =	sne.s32 s2, $0x0  }
0xbf: {  	s3 =	rddreg [dreg:$0x2];
	[bflag:$0x3] =	sbarrier.arrive $0xFFFF;
	s2 =	simm.s32 @!p0 $0x1C09  }
0xc0: {  	[timem:s3], [sflag:s2] =	dma.local @!p0 [hbm:s0], s1  }
0xc1: {  	s0 =	simm.s32 @!p0 $0x9  }
0xc2: {  	_ =	swait.ge @!p0 [sflag:s0], s1  }
0xc3: {  	s1 =	ssub.s32 @!p0 $0x0, s1;
	[sflag:s0] =	ssyncset.done @!p0 $0x0  }
0xc4: {  	[sflag:s0] =	ssyncadd.s32 @!p0 s1  }
0xc5: {  	[bflag:$0x3] =	sbarrier.arrive $0xFFFF  }
0xc6: {  	_ =	shalt  }

// kernel: kernel.8.cloned.1.call-start
scs
__scs_entry_jumppad:
0x0: {  	(pc) =	sbr.rel $0x88, $3  }
0x1: {  	(tag) =	ssettag $0x0;
	lr =	simm.s32 $0x1  }
0x2: {  	[smem:$0x3F84] =	sst lr;
	_ =	strace $0xD0000000  }
0x3: {  	_ = 	snop  }
0x4: {  	_ = 	snop  }
0x5: {  	_ = 	snop  }
0x6: {  	_ = 	snop  }
0x7: {  	_ = 	snop  }
__scs_overlays_trampoline_lowered:
0x8: {  	[smem:$0x3F93] =	sst s0  }
0x9: {  	[smem:$0x3F94] =	sst s1  }
0xa: {  	[smem:$0x3F95] =	sst s2  }
0xb: {  	[smem:$0x3F96] =	sst s3  }
0xc: {  	[smem:$0x3F97] =	sst s4  }
0xd: {  	[smem:$0x3F98] =	sst s5  }
0xe: {  	[smem:$0x3F99] =	sst s6  }
0xf: {  	[smem:$0x3F9A] =	sst s7  }
0x10: {  	[smem:$0x3F9B] =	sst s8  }
0x11: {  	[smem:$0x3F9C] =	sst s9;
	s0 =	simm.s32 @!p0 $0x0  }
0x12: {  	s1 =	sld [smem:$0x3F82];
	s0 =	simm.s32 @p0 $0x1  }
0x13: {  	[smem:$0x3F9D] =	sst s0;
	s0 =	simm.s32 @!p1 $0x0  }
0x14: {  	s2 =	sld [smem:$0x3F81];
	s0 =	simm.s32 @p1 $0x1  }
0x15: {  	[smem:$0x3F9E] =	sst s0;
	s0 =	simm.s32 @!p2 $0x0  }
0x16: {  	s3 =	sld [smem:$0x3FDB];
	s0 =	simm.s32 @p2 $0x1  }
0x17: {  	s4 =	simm.s32 $0x1BF5;
	[smem:$0x3FA0] =	sst s0  }
0x18: {  	s0 =	sld [smem:$0x3F83];
	_ =	swait.ge [sflag:s4], $0x0  }
0x19: {  	s7 =	sld [smem:$0x3F84]  }
0x1a: {  	s8 =	sadd.s32 $0xFFFFE003, lr  }
0x1b: {  	s9 =	sadd.s32 $0xFFFFFEF7, lr;
	s5 =	simm.s32 $0xFFFFFFFF;
	p2 =	slt.u32 s8, $0xFFFFF086  }
0x1c: {  	p1 =	slt.u32 s9, $0xF7A;
	s5 =	simm.s32 @!p2 $0x0  }
0x1d: {  	s5 =	simm.s32 @p1 $0x1;
	p0 =	seq.s32 s7, s2  }
0x1e: {  	s7 =	smul.u32 @!p0 $0xF7A, s2;
	p2 =	seq.s32 @!p0 s5, $0x0  }
0x1f: {  	s9 =	smul.u32 $0xF7A, s1;
	s8 =	simm.s32 @!p0 $0x1BF5;
	p2 =	por !p2, p0  }
0x20: {  	[sflag:s8] =	ssyncset.s32 @!p0 $0xFFFFF086;
	s6 =	sadd.s32 @!p0 s3, s7;
	s7 =	simm.s32 @!p0 $0x108  }
0x21: {  	s3 =	sadd.s32 s3, s9;
	s6 =	sadd.s32 @!p0 $0x88, s6;
	s7 =	simm.s32 @p2 $0x1082  }
0x22: {  	[simem:s7], [sflag:s8] =	dma.local @!p0 [hbm:s6], $0xF7A  }
0x23: {  	s9 =	sor.u32 $0xD0000000, s2;
	s6 =	simm.s32 $0x108;
	_ =	swait.ge @!p0 [sflag:s8], $0x0  }
0x24: {  	s3 =	sadd.s32 $0x88, s3;
	s6 =	simm.s32 @!p1 $0x1082;
	[sflag:s4] =	ssyncset.s32 $0xFFFFF086  }
0x25: {  	[simem:s6], [sflag:s4] =	dma.local [hbm:s3], $0xF7A  }
0x26: {  	[smem:$0x3F84] =	sst s1;
	(tag) =	ssettag s2;
	_ =	strace s9  }
0x27: {  	s1 =	sld [smem:$0x3F94]  }
0x28: {  	s2 =	sld [smem:$0x3F95]  }
0x29: {  	s4 =	sld [smem:$0x3F97]  }
0x2a: {  	p0 =	seq.s32 s5, $0x0;
	s5 =	sld [smem:$0x3F98]  }
0x2b: {  	s6 =	sld [smem:$0x3F99]  }
0x2c: {  	s7 =	sld [smem:$0x3F9A]  }
0x2d: {  	s3 =	simm.s32 $0x108;
	s8 =	sld [smem:$0x3F9B]  }
0x2e: {  	s3 =	simm.s32 @!p0 $0x1082;
	s9 =	sld [smem:$0x3F9C]  }
0x2f: {  	lr =	sadd.s32 s0, s3;
	s0 =	sld [smem:$0x3F93]  }
0x30: {  	s3 =	sld [smem:$0x3F96]  }
0x31: {  	[smem:$0x3F9F] =	sst s10  }
0x32: {  	s10 =	sld [smem:$0x3F9D];
	_ =	sdelay $0x3  }
0x33: {  	p0 =	seq.s32 s10, $0x1;
	s10 =	sld [smem:$0x3F9F];
	_ =	sdelay $0x3  }
0x34: {  	[smem:$0x3F9F] =	sst s10  }
0x35: {  	s10 =	sld [smem:$0x3F9E];
	_ =	sdelay $0x3  }
0x36: {  	p1 =	seq.s32 s10, $0x1;
	s10 =	sld [smem:$0x3F9F];
	_ =	sdelay $0x3  }
0x37: {  	[smem:$0x3F9F] =	sst s10  }
0x38: {  	s10 =	sld [smem:$0x3FA0]  }
0x39: {  	_ = 	snop;
	(pc) =	sbr.ind lr, $3  }
0x3a: {  	_ = 	snop  }
0x3b: {  	_ = 	snop  }
0x3c: {  	p2 =	seq.s32 s10, $0x1;
	s10 =	sld [smem:$0x3F9F]  }
0x3d: {  	_ =	shalt  }
0x3e: {  	_ =	shalt  }
0x3f: {  	_ =	shalt  }
0x40: {  	_ =	shalt  }
0x41: {  	_ =	shalt  }
0x42: {  	_ =	shalt  }
0x43: {  	_ =	shalt  }
0x44: {  	_ =	shalt  }
0x45: {  	_ =	shalt  }
0x46: {  	_ =	shalt  }
0x47: {  	_ =	shalt  }
0x48: {  	_ =	shalt  }
0x49: {  	_ =	shalt  }
0x4a: {  	_ =	shalt  }
0x4b: {  	_ =	shalt  }
0x4c: {  	_ =	shalt  }
0x4d: {  	_ =	shalt  }
0x4e: {  	_ =	shalt  }
0x4f: {  	_ =	shalt  }
0x50: {  	_ =	shalt  }
0x51: {  	_ =	shalt  }
0x52: {  	_ =	shalt  }
0x53: {  	_ =	shalt  }
0x54: {  	_ =	shalt  }
0x55: {  	_ =	shalt  }
0x56: {  	_ =	shalt  }
0x57: {  	_ =	shalt  }
0x58: {  	_ =	shalt  }
0x59: {  	_ =	shalt  }
0x5a: {  	_ =	shalt  }
0x5b: {  	_ =	shalt  }
0x5c: {  	_ =	shalt  }
0x5d: {  	_ =	shalt  }
0x5e: {  	_ =	shalt  }
0x5f: {  	_ =	shalt  }
0x60: {  	_ =	shalt  }
0x61: {  	_ =	shalt  }
0x62: {  	_ =	shalt  }
0x63: {  	_ =	shalt  }
0x64: {  	_ =	shalt  }
0x65: {  	_ =	shalt  }
0x66: {  	_ =	shalt  }
0x67: {  	_ =	shalt  }
0x68: {  	_ =	shalt  }
0x69: {  	_ =	shalt  }
0x6a: {  	_ =	shalt  }
0x6b: {  	_ =	shalt  }
0x6c: {  	_ =	shalt  }
0x6d: {  	_ =	shalt  }
0x6e: {  	_ =	shalt  }
0x6f: {  	_ =	shalt  }
0x70: {  	_ =	shalt  }
0x71: {  	_ =	shalt  }
0x72: {  	_ =	shalt  }
0x73: {  	_ =	shalt  }
0x74: {  	_ =	shalt  }
0x75: {  	_ =	shalt  }
0x76: {  	_ =	shalt  }
0x77: {  	_ =	shalt  }
0x78: {  	_ =	shalt  }
0x79: {  	_ =	shalt  }
0x7a: {  	_ =	shalt  }
0x7b: {  	_ =	shalt  }
0x7c: {  	_ =	shalt  }
0x7d: {  	_ =	shalt  }
0x7e: {  	_ =	shalt  }
0x7f: {  	_ =	shalt  }
0x80: {  	_ =	shalt  }
0x81: {  	_ =	shalt  }
0x82: {  	_ =	shalt  }
0x83: {  	_ =	shalt  }
0x84: {  	_ =	shalt  }
0x85: {  	_ =	shalt  }
0x86: {  	_ =	shalt  }
0x87: {  	_ =	shalt  }
.Lfunc_end0:
.L_simem_size_0:
called_computation_lowered:
.L_overlay_start_0:
0x88: {  	s2 =	sld [smem:$0x3FD9]  }
0x89: {  	s3 =	sld [smem:$0x3FFE];
	_ =	sdelay $0x1  }
0x8a: {  	s1 =	srdreg.scid  }
0x8b: {  	s0 =	sand.u32 $0x1, s1  }
0x8c: {  	s14 =	sshll.u32 s0, $0xA;
	s2 =	sadd.s32 s3, s2  }
0x8d: {  	s2 =	sadd.s32 s2, s14  }
0x8e: {  	[smem:$0x3FAB] =	sst s2  }
0x8f: {  	_ = 	snop  }
0x90: {  	s2 =	sld [smem:$0x3FD0];
	_ =	sdelay $0x2  }
0x91: {  	s15 =	simm.s32 $0xA;
	s4 =	simm.s32 $0x10  }
0x92: {  	[smem:s4], [sflag:s15] =	dma.local [hbm:s2], $0x1  }
0x93: {  	_ =	swait.eq [sflag:s15], $0x1  }
0x94: {  	[sflag:s15] =	ssyncset.done $0x0  }
0x95: {  	[sflag:s15] =	ssyncadd.s32 $0xFFFFFFFF  }
0x96: {  	s16 =	sld [smem:$0x12];
	(tm) =	ssettm $0x1  }
0x97: {  	s17 =	sld [smem:$0x3FFB];
	_ =	sdelay $0x3  }
0x98: {  	_ =	strace s17  }
0x99: {  	s3 =	sld [smem:$0x3FFC];
	_ =	sdelay $0x3  }
0x9a: {  	_ =	strace s3  }
0x9b: {  	s3 =	sld [smem:$0x3FFD];
	_ =	sdelay $0x3  }
0x9c: {  	_ =	strace s3  }
0x9d: {  	_ =	strace $0x8FFFFFFF  }
0x9e: {  	s18 =	sld [smem:$0x3FDB];
	_ =	sdelay $0x1  }
0x9f: {  	s19 =	simm.s32 $_scs_section_size  }
0xa0: {  	s5 =	simm.s32 $_size__tile_overlayer_lowered;
	s6 =	simm.s32 $_tile_overlayer_lowered  }
0xa1: {  	s22 =	simm.s32 $0x1BFF;
	s21 =	sshll.u32 s6, $0x1;
	s3 =	sadd.s32 s19, s18  }
0xa2: {  	s7 =	simm.s32 $0x0;
	s20 =	sshll.u32 s5, $0x1;
	s5 =	sadd.s32 s21, s3  }
0xa3: {  	[timem:s7], [sflag:s22] =	dma.local [hbm:s5], s20  }
0xa4: {  	_ =	swait.ge [sflag:s22], s20  }
0xa5: {  	s4 =	ssub.s32 $0x0, s20;
	[sflag:s22] =	ssyncset.done $0x0  }
0xa6: {  	[sflag:s22] =	ssyncadd.s32 s4;
	_ =	sdelay $0x1  }
0xa7: {  	s23 =	simm.s32 $0x1B8B  }
0xa8: {  	_ =	swait.ge [sflag:s23], $0x1  }
0xa9: {  	[sflag:s23] =	ssyncset.done $0x0  }
0xaa: {  	s25 =	simm.s32 $0x1B8E;
	s24 =	sld [smem:$0x3FFE];
	[sflag:s23] =	ssyncadd.s32 $0xFFFFFFFF  }
0xab: {  	s26 =	simm.s32 $execute0_lowered;
	[smem:$0x3FD2] =	sst s25  }
0xac: {  	s5 =	sshll.u32 s26, $0x1;
	_ =	strace $0x80000046;
	[dreg:$0x1] =	wrdreg $0xFFFFFFFF  }
0xad: {  	s28 =	simm.s32 $_size_execute0_lowered;
	s3 =	sadd.s32 s3, s5;
	[dreg:$0x0] =	wrdreg $0x0  }
0xae: {  	s5 =	sshll.u32 s28, $0x1;
	[dreg:$0x2] =	wrdreg s3  }
0xaf: {  	[dreg:$0x3] =	wrdreg s5  }
0xb0: {  	[dreg:$0x4] =	wrdreg $0xC0  }
0xb1: {  	_ =	task [dreg:s7], $0x5FFFF  }
0xb2: {  	[dreg:$0x1] =	wrdreg $0xFFFFFFFF  }
0xb3: {  	[dreg:$0x0] =	wrdreg $0x60  }
0xb4: {  	[dreg:$0x2] =	wrdreg s24  }
0xb5: {  	[dreg:$0x3] =	wrdreg s16  }
0xb6: {  	[dreg:$0x4] =	wrdreg $0x28800  }
0xb7: {  	[dreg:$0x5] =	wrdreg $0x9  }
0xb8: {  	_ =	task.clear_ibuf [dreg:s7], $0x6FFFF;
	_ =	strace $0x90000046  }
0xb9: {  	s29 =	simm.s32 $0x9;
	_ =	strace $0x80000048  }
0xba: {  	_ =	swait.ge [sflag:s29], $0x1  }
0xbb: {  	[sflag:s29] =	ssyncadd.s32 $0xFFFFFFFF  }
0xbc: {  	_ =	strace $0x90000048  }
0xbd: {  	_ =	sfence  }
0xbe: {  	s30 =	sld [smem:$0x0];
	_ =	sdelay $0x2  }
0xbf: {  	s31 =	sshll.u32 s1, $0xD;
	s1 =	sshrl.u32 s1, $0x2  }
0xc0: {  	s3 =	sand.u32 $0x4000, s31;
	s1 =	sadd.s32 s1, s30  }
0xc1: {  	s0 =	sor.u32 s3, s0;
	s1 =	sshll.u32 s1, $0x11  }
0xc2: {  	s0 =	sor.u32 s1, s0  }
0xc3: {  	s0 =	sadd.s32 $0x8F2B, s0  }
0xc4: {  	[sflag:s0] =	ssyncadd.remote.s32 $0x1  }
0xc5: {  	_ =	sfence.sel $0xFFFF  }
0xc6: {  	[dreg:$0x0] =	wrdreg $0xFFFFFFFF;
	(pc) =	sbr.abs _section_cstart, $3  }
0xc7: {  	[dreg:$0x1] =	wrdreg $0xFFFFFFFF  }
0xc8: {  	_ =	task.clear_ibuf [dreg:s7], $0x2FFFF;
	_ =	strace $0x9FFFFFFF  }
0xc9: {  	(tm) =	ssettm $0x7FFFFFFF  }
tec
execute0_lowered:
.L_overlay_start_1:
0x0: {  	(tag) =	ssettag $0x1  }
0x1: {  	s4 =	rddreg [dreg:$0x0]  }
0x2: {  	s0 =	srdreg.scid;
	s6 =	rddreg [dreg:$0x1]  }
0x3: {  	s1 =	rddreg [dreg:$0x2];
	s13 =	stileid.u32  }
0x4: {  	s2 =	simm.s32 $0x0;
	s5 =	sand.u32 $0x1, s0;
	s0 =	rddreg [dreg:$0x3]  }
0x5: {  	s12 =	simm.s32 $0x2;
	s15 =	simm.s32 $0x0;
	[smem:$0x7FF] =	sst s2  }
0x6: {  	s10 =	smul.u32 $0x280, s13;
	s11 =	sadd.s32 $0x19800, s4;
	s3 =	sshll.u32 s5, $0x4  }
0x7: {  	_ =	strace $0x80000047;
	s7 =	ssub.s32 $0x2, s5;
	p0 =	seq.s32 s5, $0x1  }
0x8: {  	s3 =	sor.u32 s13, s3;
	s9 =	sshrl.u32 s7, $0x1;
	s31 =	sshrl.u32 s10, $0x3  }
0x9: {  	s14 =	sadd.s32 s10, s1;
	s6 =	smov.u32 @p0 s11;
	p0 =	sne.s32 s13, $0x0  }
0xa: {  	s10 =	simm.s32 $0x2800;
	s11 =	simm.s32 $0x1;
	s13 =	sshll.u32 s13, $0x6  }
0xb: {  	s3 =	smul.u32 $0x500, s3;
	s7 =	ssub.s32 s7, s9;
	s6 =	sadd.s32 s6, s31  }
0xc: {  	s9 =	simm.s32 $0x80;
	s13 =	sor.u32 $0x1C03, s13;
	s14 =	sshrl.u32 s14, $0x3  }
0xd: {  	s5 =	smax.u32 s7, $0x1;
	s7 =	simm.s32 $0x3;
	s8 =	sadd.s32 s3, s4  }
0xe: {  	v0 =	vimm.f32 $1.000000000e+00;
	s3 =	sadd.s32 $0x19200, s4;
	s4 =	sadd.s32 $0x5200, s8;
	s8 =	sshrl.u32 @!p0 s1, $0x3  }
.LBB2_1:
0xf: {  	[tilespmem:$0x2800] =	vst v0  }
0x10: {  	[tilespmem:$0x2810] =	vst v0  }
0x11: {  	[tilespmem:$0x2820] =	vst v0  }
0x12: {  	[tilespmem:$0x2830] =	vst v0  }
0x13: {  	[tilespmem:$0x2840] =	vst v0  }
0x14: {  	[tilespmem:$0x2850] =	vst v0  }
0x15: {  	[tilespmem:$0x2860] =	vst v0  }
0x16: {  	[tilespmem:$0x2870] =	vst v0  }
0x17: {  	[tilespmem:s2], [sflag:$0x3] =	stream.linear.gather [hbm4b:s4+s2], $0x2800, $0x38;
	[tilespmem:$0x2B00] =	vst v63  }
0x18: {  	_ =	swait.ge [sflag:s7], $0x2800  }
0x19: {  	[sflag:s7] =	ssyncset.done $0x0  }
0x1a: {  	s16 =	simm.s32 @!p0 $0x1C03;
	[sflag:s7] =	ssyncadd.s32 $0xFFFFD800  }
0x1b: {  	[spmem:s8], [sflag:s16] =	dma.local @!p0 [hbm:s3], $0x500  }
0x1c: {  	s16 =	simm.s32 @!p0 $0x3  }
0x1d: {  	_ =	swait.ge @!p0 [sflag:s16], $0x500  }
0x1e: {  	[sflag:s16] =	ssyncset.done @!p0 $0x0  }
0x1f: {  	[sflag:s16] =	ssyncadd.s32 @!p0 $0xFFFFFB00  }
0x20: {  	[bflag:$0x0] =	sbarrier.arrive $0xFFFF  }
0x21: {  	[spmem:s1] =	stream.indirect.scatter.add.f32 [tilespmem:s10], [sflag:$0x1], $0x1, s2, s9, $0xb8;
	[tilespmem:$0x2B00] =	vst v63  }
0x22: {  	_ = 	snop  }
0x23: {  	[spmem:s1] =	stream.indirect.scatter.add.f32 [tilespmem:s10], [sflag:$0x2], $0x1, s9, s9, $0xb8;
	[tilespmem:$0x2B00] =	vst v63  }
0x24: {  	_ =	swait.ge [sflag:s11], $0x80  }
0x25: {  	[sflag:s11] =	ssyncset.done $0x0  }
0x26: {  	s31 =	simm.s32 $0x100;
	[sflag:s11] =	ssyncadd.s32 $0xFFFFFF80  }
0x27: {  	[spmem:s1] =	stream.indirect.scatter.add.f32 [tilespmem:s10], [sflag:$0x1], $0x1, s31, s9, $0xb8;
	[tilespmem:$0x2B00] =	vst v63  }
0x28: {  	_ =	swait.ge [sflag:s12], $0x80  }
0x29: {  	[sflag:s12] =	ssyncset.done $0x0  }
0x2a: {  	s17 =	simm.s32 $0x180;
	s16 =	simm.s32 $0xFFFF6800;
	[sflag:s12] =	ssyncadd.s32 $0xFFFFFF80  }
.LBB2_2:
0x2b: {  	[spmem:s1] =	stream.indirect.scatter.add.f32 [tilespmem:s10], [sflag:$0x2], $0x1, s17, s9, $0xb8;
	[tilespmem:$0x2B00] =	vst v63  }
0x2c: {  	s17 =	smov.u32 s16  }
0x2d: {  	p1 =	sne.s32 s16, $0xFFFFFC00;
	s16 =	sadd.s32 $0x400, s16;
	_ =	swait.ge [sflag:s11], $0x80  }
0x2e: {  	s17 =	sshra.s32 s17, $0x2;
	[sflag:s11] =	ssyncset.done $0x0  }
.Ltmp0:
0x2f: {  	s18 =	sadd.s32 $0x2800, s17;
	[sflag:s11] =	ssyncadd.s32 $0xFFFFFF80;
	(pc) =	sbr.rel @p1 .LBB2_2-.Ltmp0, $4  }
0x30: {  	[spmem:s1] =	stream.indirect.scatter.add.f32 [tilespmem:s10], [sflag:$0x1], $0x1, s18, s9, $0xb8;
	[tilespmem:$0x2B00] =	vst v63  }
0x31: {  	_ =	swait.ge [sflag:s12], $0x80  }
0x32: {  	[sflag:s12] =	ssyncset.done $0x0  }
0x33: {  	s17 =	sadd.s32 $0x2880, s17;
	[sflag:s12] =	ssyncadd.s32 $0xFFFFFF80  }
0x34: {  	[spmem:s1] =	stream.indirect.scatter.add.f32 [tilespmem:s10], [sflag:$0x2], $0x1, s17, s9, $0xb8;
	[tilespmem:$0x2B00] =	vst v63  }
0x35: {  	_ =	swait.ge [sflag:s11], $0x80  }
0x36: {  	[sflag:s11] =	ssyncset.done $0x0  }
0x37: {  	[sflag:s11] =	ssyncadd.s32 $0xFFFFFF80  }
0x38: {  	_ =	swait.ge [sflag:s12], $0x80  }
0x39: {  	s15 =	sadd.s32 $0x1, s15;
	[sflag:s12] =	ssyncset.done $0x0  }
0x3a: {  	p1 =	sne.s32 s15, s5;
	[sflag:s12] =	ssyncadd.s32 $0xFFFFFF80  }
.Ltmp1:
0x3b: {  	[bflag:$0x0] =	sbarrier.arrive $0xFFFF;
	(pc) =	sbr.rel @p1 .LBB2_1-.Ltmp1, $4  }
0x3c: {  	[hbm:s6], [sflag:s13] =	dma.local [spmem:s14], $0x50  }
0x3d: {  	_ =	swait.ge [sflag:s7], $0x50  }
0x3e: {  	[sflag:s7] =	ssyncset.done $0x0  }
0x3f: {  	[sflag:s7] =	ssyncadd.s32 $0xFFFFFFB0  }
0x40: {  	_ =	sfence.sel $0x180000  }
0x41: {  	[bflag:$0x0] =	sbarrier.arrive $0xFFFF  }
0x42: {  	_ =	strace $0x90000047  }
0x43: {  	s0 =	sadd.s32 @!p0 $0x100000, s0;
	[bflag:$0x2] =	sbarrier.arrive $0xFFFF  }
0x44: {  	[sflag:s0] =	ssyncadd.tile.s32 @!p0 $0x1;
	_ =	shalt  }
.Lfunc_end2:
_tile_overlayer_lowered:
.L_overlay_start_2:
0x45: {  	(tag) =	ssettag $0x2  }
0x46: {  	s0 =	rddreg [dreg:$0x0];
	s2 =	stileid.u32  }
0x47: {  	s1 =	rddreg [dreg:$0x1];
	p0 =	sne.s32 s2, $0x0  }
0x48: {  	s3 =	rddreg [dreg:$0x2];
	[bflag:$0x3] =	sbarrier.arrive $0xFFFF;
	s2 =	simm.s32 @!p0 $0x1C03  }
0x49: {  	[timem:s3], [sflag:s2] =	dma.local @!p0 [hbm:s0], s1  }
0x4a: {  	s0 =	simm.s32 @!p0 $0x3  }
0x4b: {  	_ =	swait.ge @!p0 [sflag:s0], s1  }
0x4c: {  	s1 =	ssub.s32 @!p0 $0x0, s1;
	[sflag:s0] =	ssyncset.done @!p0 $0x0  }
0x4d: {  	[sflag:s0] =	ssyncadd.s32 @!p0 s1  }
0x4e: {  	[bflag:$0x3] =	sbarrier.arrive $0xFFFF  }
0x4f: {  	_ =	shalt  }

</sc_bundles>
